<compile_context>
chip_gen: v7x
topology: tpu7x:2x2x1
jax: 0.10.2.dev20260603
libtpu: 0.0.44.dev20260713+nightly
codegen_flags: <defaults>
</compile_context>

<pallas_src>
import functools

import jax
import jax.numpy as jnp
from jax import lax
from jax.experimental import pallas as pl
from jax.experimental.pallas import tpu as pltpu
from jax.experimental.pallas import tpu_sc as plsc

N = 10000
E = 160000
NC = 2
NS = 16
NW = NC * NS
EPW = E // NW
BATCH = 128
NBATCH = 40
EPW_PAD = NBATCH * BATCH
NP = 10240
RPT = NP // NS




def _make_segsum(C, W):
  mesh = plsc.VectorSubcoreMesh(
      core_axis_name="c", subcore_axis_name="s", num_cores=NC,
      num_subcores=NS)
  npair = NBATCH // 2

  @functools.partial(
      pl.kernel,
      out_type=jax.ShapeDtypeStruct((NC * C, NP, W), jnp.float32),
      mesh=mesh,
      scratch_types=[
          pltpu.VMEM_SHARED((NP, W), jnp.float32),
          pltpu.VMEM((NBATCH, BATCH), jnp.int32),
          pltpu.VMEM((NBATCH, BATCH), jnp.int32),
          pltpu.VMEM((BATCH, W), jnp.float32),
          pltpu.VMEM((BATCH, W), jnp.float32),
          pltpu.SemaphoreType.DMA,
          pltpu.SemaphoreType.DMA,
      ],
  )
  def segsum(h2d, src, dst, zeros, out, agg, srcv, dstv, rows0, rows1,
             sem0, sem1):
    cid = lax.axis_index("c")
    sid = lax.axis_index("s")
    wid = cid * NS + sid

    pltpu.sync_copy(dst.at[wid], dstv)

    for c in range(C):
      pltpu.sync_copy(src.at[c * NW + wid], srcv)
      pltpu.sync_copy(zeros, agg.at[pl.ds(sid * RPT, RPT)])
      plsc.subcore_barrier()

      pltpu.make_async_copy(h2d.at[srcv.at[0]], rows0, sem0).start()

      def pair(jj, carry):
        j0 = jj * 2
        j1 = j0 + 1
        pltpu.make_async_copy(h2d.at[srcv.at[j0]], rows0, sem0).wait()
        pltpu.make_async_copy(h2d.at[srcv.at[j1]], rows1, sem1).start()
        pltpu.sync_copy(rows0, agg.at[dstv.at[j0]], add=True)
        pltpu.make_async_copy(h2d.at[srcv.at[j1]], rows1, sem1).wait()

        @pl.when(jj + 1 < npair)
        def _():
          pltpu.make_async_copy(h2d.at[srcv.at[j0 + 2]], rows0, sem0).start()

        pltpu.sync_copy(rows1, agg.at[dstv.at[j1]], add=True)
        return carry

      lax.fori_loop(0, npair, pair, 0)

      plsc.subcore_barrier()
      pltpu.sync_copy(
          agg.at[pl.ds(sid * RPT, RPT)],
          out.at[cid * C + c, pl.ds(sid * RPT, RPT)])

  return segsum


NBH = 40
EPT = E // NS


def _make_segsum_cc():
  mesh = plsc.VectorSubcoreMesh(
      core_axis_name="c", subcore_axis_name="s", num_cores=NC,
      num_subcores=NS)
  npair = NBH // 2

  @functools.partial(
      pl.kernel,
      out_type=jax.ShapeDtypeStruct((4, NP, 128), jnp.float32),
      mesh=mesh,
      scratch_types=[
          pltpu.VMEM_SHARED((NP, 128), jnp.float32),
          pltpu.VMEM((NBH, BATCH), jnp.int32),
          pltpu.VMEM((NBH, BATCH), jnp.int32),
          pltpu.VMEM((BATCH, 128), jnp.float32),
          pltpu.VMEM((BATCH, 128), jnp.float32),
          pltpu.SemaphoreType.DMA,
          pltpu.SemaphoreType.DMA,
      ],
  )
  def segsum(h2d, src, dst, zeros, out, agg, srcv, dstv, rows0, rows1,
             sem0, sem1):
    cid = lax.axis_index("c")
    sid = lax.axis_index("s")

    def chunk(k, carry):
      c = cid * 2 + k
      pltpu.sync_copy(zeros, agg.at[pl.ds(sid * RPT, RPT)])
      plsc.subcore_barrier()

      def half(m, carry2):
        pltpu.sync_copy(src.at[(c * 2 + m) * NS + sid], srcv)
        pltpu.sync_copy(dst.at[m * NS + sid], dstv)
        pltpu.make_async_copy(h2d.at[srcv.at[0]], rows0, sem0).start()

        def pair(jj, carry3):
          j0 = jj * 2
          j1 = j0 + 1
          pltpu.make_async_copy(h2d.at[srcv.at[j0]], rows0, sem0).wait()
          pltpu.make_async_copy(h2d.at[srcv.at[j1]], rows1, sem1).start()
          pltpu.sync_copy(rows0, agg.at[dstv.at[j0]], add=True)
          pltpu.make_async_copy(h2d.at[srcv.at[j1]], rows1, sem1).wait()

          @pl.when(jj + 1 < npair)
          def _():
            pltpu.make_async_copy(h2d.at[srcv.at[j0 + 2]], rows0,
                                  sem0).start()

          pltpu.sync_copy(rows1, agg.at[dstv.at[j1]], add=True)
          return carry3

        lax.fori_loop(0, npair, pair, 0)
        return carry2

      lax.fori_loop(0, 2, half, 0)

      plsc.subcore_barrier()
      pltpu.sync_copy(
          agg.at[pl.ds(sid * RPT, RPT)],
          out.at[c, pl.ds(sid * RPT, RPT)])
      return carry

    lax.fori_loop(0, 2, chunk, 0)

  return segsum



_RB = 2000
_TRB = 2000


def _mm(xs, w, c_out):
  ks = [x.shape[1] for x in xs]
  offs = [sum(ks[:i]) for i in range(len(ks))]

  def body(*refs):
    xrefs, w_ref, o_ref = refs[:-2], refs[-2], refs[-1]
    acc = None
    for x_ref, k, off in zip(xrefs, ks, offs):
      part = lax.dot_general(
          x_ref[...], w_ref[off:off + k, :], (((1,), (0,)), ((), ())),
          precision=lax.Precision.DEFAULT,
          preferred_element_type=jnp.float32)
      acc = part if acc is None else acc + part
    for co in range(c_out):
      o_ref[co] = acc[:, co * 128:(co + 1) * 128]

  return pl.pallas_call(
      body,
      grid=(N // _RB,),
      in_specs=[pl.BlockSpec((_RB, k), lambda r: (r, 0)) for k in ks]
      + [pl.BlockSpec(w.shape, lambda r: (0, 0))],
      out_specs=pl.BlockSpec((c_out, _RB, 128), lambda r: (0, r, 0)),
      out_shape=jax.ShapeDtypeStruct((c_out, N, 128), jnp.float32),
  )(*xs, w)


def _final_tanh_body(a_ref, b_ref, o_ref):
  o_ref[...] = jnp.tanh(a_ref[0] + b_ref[0])[:, :64]


def _final_tanh(p):
  return pl.pallas_call(
      _final_tanh_body,
      grid=(N // _TRB,),
      in_specs=[
          pl.BlockSpec((1, _TRB, 128), lambda r: (0, r, 0)),
          pl.BlockSpec((1, _TRB, 128), lambda r: (1, r, 0)),
      ],
      out_specs=pl.BlockSpec((_TRB, 64), lambda r: (r, 0)),
      out_shape=jax.ShapeDtypeStruct((N, 64), jnp.float32),
  )(p, p)


def _tanh_mm(p, xs, w, c_out, hacc=None):
  ks = [x.shape[1] for x in xs]
  offs = [sum(ks[:i]) for i in range(len(ks))]
  base = sum(ks)
  n_acc = 0 if hacc is None else 1

  def body(*refs):
    p_ref = refs[0]
    xrefs = refs[1:1 + len(xs)]
    w_ref = refs[1 + len(xs)]
    hacc_ref = refs[2 + len(xs)] if n_acc else None
    x_out, h_out = refs[2 + len(xs) + n_acc:]
    xnew = jnp.concatenate([jnp.tanh(p_ref[c]) for c in range(4)],
                           axis=1).astype(jnp.bfloat16)
    x_out[...] = xnew
    acc = lax.dot_general(
        xnew, w_ref[base:base + 512, :], (((1,), (0,)), ((), ())),
        precision=lax.Precision.DEFAULT,
        preferred_element_type=jnp.float32)
    for x_ref, k, off in zip(xrefs, ks, offs):
      acc += lax.dot_general(
          x_ref[...], w_ref[off:off + k, :], (((1,), (0,)), ((), ())),
          precision=lax.Precision.DEFAULT,
          preferred_element_type=jnp.float32)
    for co in range(c_out):
      part = acc[:, co * 128:(co + 1) * 128]
      if n_acc:
        part = part + hacc_ref[co]
      h_out[co] = part

  extra_in = [] if hacc is None else [hacc]
  return pl.pallas_call(
      body,
      grid=(N // _RB,),
      in_specs=[pl.BlockSpec((4, _RB, 128), lambda r: (0, r, 0))]
      + [pl.BlockSpec((_RB, k), lambda r: (r, 0)) for k in ks]
      + [pl.BlockSpec(w.shape, lambda r: (0, 0))]
      + [pl.BlockSpec((c_out, _RB, 128), lambda r: (0, r, 0))
         for _ in extra_in],
      out_specs=[
          pl.BlockSpec((_RB, 512), lambda r: (r, 0)),
          pl.BlockSpec((c_out, _RB, 128), lambda r: (0, r, 0)),
      ],
      out_shape=[
          jax.ShapeDtypeStruct((N, 512), jnp.bfloat16),
          jax.ShapeDtypeStruct((c_out, N, 128), jnp.float32),
      ],
  )(p, *xs, w, *extra_in)



def kernel(features, edge_index, W0, W1, W2, W3):
  src = edge_index[0].astype(jnp.int32)
  dst = edge_index[1].astype(jnp.int32)

  npad = EPW_PAD - EPW
  pad_src = jnp.broadcast_to((jnp.arange(npad, dtype=jnp.int32) * 83) % N,
                             (NW, npad))
  pad_dst = jnp.broadcast_to(
      N + (jnp.arange(npad, dtype=jnp.int32) % (NP - N)), (NW, npad))
  src_w = jnp.concatenate([src.reshape(NW, EPW), pad_src], axis=1)
  dst_w = jnp.concatenate([dst.reshape(NW, EPW), pad_dst], axis=1)
  dst_t = dst_w.reshape(NW, NBATCH, BATCH)
  src1 = src_w.reshape(NW, NBATCH, BATCH)

  nptc = 2 * NBH * BATCH - EPT
  pad_src_t = jnp.broadcast_to((jnp.arange(nptc, dtype=jnp.int32) * 83) % N,
                               (NS, nptc))
  pad_dst_t = jnp.broadcast_to(
      N + (jnp.arange(nptc, dtype=jnp.int32) % (NP - N)), (NS, nptc))
  src_tile = jnp.concatenate([src.reshape(NS, EPT), pad_src_t], axis=1)
  dst_tile = jnp.concatenate([dst.reshape(NS, EPT), pad_dst_t], axis=1)
  dst_cc = dst_tile.reshape(NS, 2, NBH, BATCH).transpose(1, 0, 2, 3)
  dst_cc = dst_cc.reshape(2 * NS, NBH, BATCH)
  src_cc = (jnp.arange(4, dtype=jnp.int32)[:, None, None] * N
            + src_tile[None]).reshape(4, NS, 2, NBH, BATCH)
  src_cc = src_cc.transpose(0, 2, 1, 3, 4).reshape(8 * NS, NBH, BATCH)

  zeros128 = jnp.zeros((RPT, 128), jnp.float32)
  seg_cc = _make_segsum_cc()
  seg1 = _make_segsum(1, 128)

  W0b = W0.astype(jnp.bfloat16)
  W1b = W1.astype(jnp.bfloat16)
  W2b = W2.astype(jnp.bfloat16)

  h0 = _mm([features], W0b, 4)
  p0 = seg_cc(h0.reshape(4 * N, 128), src_cc, dst_cc, zeros128)

  x0, h1 = _tanh_mm(p0, [], W1b, 4)
  p1 = seg_cc(h1.reshape(4 * N, 128), src_cc, dst_cc, zeros128)

  x1, h2 = _tanh_mm(p1, [x0], W2b, 4)
  p2 = seg_cc(h2.reshape(4 * N, 128), src_cc, dst_cc, zeros128)

  W3p = jnp.pad(W3, ((0, 0), (0, 64))).astype(jnp.bfloat16)
  h3a = _mm([x0, x1], W3p[:1024], 1)
  _, h3 = _tanh_mm(p2, [], W3p[1024:], 1, hacc=h3a)
  p3 = seg1(h3.reshape(N, 128), src1, dst_t, zeros128)
  return _final_tanh(p3)

# --- scband reference (transcript-rebuilt; emitter-appended) ---
"""Pipeline reference for scband-dense-gcnnet-20109036880248 (READ-ONLY COPY).

The authoritative reference and input builder live on the scoring server;
editing this copy changes nothing except your own understanding.
"""

import jax, jax.numpy as jnp
import numpy as np

N_NODES = 10000
N_EDGES = 160000


def _gcn_layer(edge_index, x, W):
    # DGL-style GCNLayer: linear transform then sum-aggregate over incoming
    # edges, followed by tanh activation (bias=False, graph_norm=False,
    # batch_norm=False, dropout=0).
    h = x @ W
    src = edge_index[0]
    dst = edge_index[1]
    agg = jax.ops.segment_sum(h[src], dst, num_segments=x.shape[0])
    return jnp.tanh(agg)


def setup_inputs(seed: int = 0) -> dict:
    key = jax.random.key(seed)
    k1, k2, k3, k4, k5, k6, k7 = jax.random.split(key, 7)
    features = jax.random.normal(k1, (N_NODES, 256), dtype=jnp.float32)
    edge_index = jax.random.randint(k2, (2, N_EDGES), 0, N_NODES, dtype=jnp.int64)
    # Dense-GCN layer weights: num_feats=256 -> 512 -> 512 -> 512 -> 64
    # with dense concatenation of all previous layer outputs as inputs.
    W0 = jax.random.normal(k3, (256, 512), dtype=jnp.float32) * (1.0 / np.sqrt(256))
    W1 = jax.random.normal(k4, (512, 512), dtype=jnp.float32) * (1.0 / np.sqrt(512))
    W2 = jax.random.normal(k5, (1024, 512), dtype=jnp.float32) * (1.0 / np.sqrt(1024))
    W3 = jax.random.normal(k6, (1536, 64), dtype=jnp.float32) * (1.0 / np.sqrt(1536))
    return {"features": features, "edge_index": edge_index, "W0": W0, "W1": W1, "W2": W2, "W3": W3}


def reference(features, edge_index, W0, W1, W2, W3):
    # layer 0: input = features
    x0 = _gcn_layer(edge_index, features, W0)
    pres = [x0]
    # layer 1: input = cat(pres) = x0
    x1 = _gcn_layer(edge_index, jnp.concatenate(pres, axis=1), W1)
    pres.append(x1)
    # layer 2: input = cat([x0, x1])
    x2 = _gcn_layer(edge_index, jnp.concatenate(pres, axis=1), W2)
    pres.append(x2)
    # layer 3 (last): input = cat([x0, x1, x2])
    out = _gcn_layer(edge_index, jnp.concatenate(pres, axis=1), W3)
    return out

if __name__ == "__main__":
    import jax
    _d = setup_inputs()
    print(jax.jit(kernel)(*tuple(_d.values())))

</pallas_src>

<mosaic_0001>
#map = affine_map<(d0, d1) -> (0, 0)>
#map1 = affine_map<(d0, d1) -> (0, 0, 0)>
module attributes {stable_mosaic.version = 14 : i64} {
  func.func @segsum(%arg0: i32, %arg1: i32, %arg2: memref<10000x128xf32, #tpu.memory_space<hbm>>, %arg3: memref<32x40x128xi32, #tpu.memory_space<hbm>>, %arg4: memref<32x40x128xi32, #tpu.memory_space<hbm>>, %arg5: memref<640x128xf32, #tpu.memory_space<hbm>>, %arg6: memref<2x10240x128xf32, #tpu.memory_space<hbm>>, %arg7: memref<10240x128xf32, #tpu.memory_space<vmem_shared>>, %arg8: memref<40x128xi32, #tpu.memory_space<vmem>>, %arg9: memref<40x128xi32, #tpu.memory_space<vmem>>, %arg10: memref<128x128xf32, #tpu.memory_space<vmem>>, %arg11: memref<128x128xf32, #tpu.memory_space<vmem>>, %arg12: memref<!tpu.dma_semaphore, #tpu.memory_space<semaphore_mem>>, %arg13: memref<!tpu.dma_semaphore, #tpu.memory_space<semaphore_mem>>) attributes {dimension_semantics = [#tpu.dimension_semantics<core_parallel>, #tpu.dimension_semantics<subcore_parallel>], iteration_bounds = array<i64: 2, 16>, scalar_prefetch = 0 : i64, scratch_operands = 7 : i64, tpu.core_type = #tpu.core_type<sc_vector_subcore>, window_params = [{transform_indices = #map}, {transform_indices = #map1}, {transform_indices = #map1}, {transform_indices = #map}, {transform_indices = #map1}]} {
    %mul3A = arith.constant 16 : i32
    %mul3A_0 = arith.muli %arg0, %mul3A : i32
    %add3A = arith.addi %mul3A_0, %arg1 : i32
    "tpu.region"() ({
      %run_scoped3A = tpu.sem_alloc : memref<!tpu.dma_semaphore, #tpu.memory_space<semaphore_mem>>
      %dma_start3A_25 = arith.constant 0 : i32
      %dma_start3A_26 = arith.constant 0 : i32
      %dma_start3A_27 = tpu.memref_slice %arg4[%add3A, %dma_start3A_25, %dma_start3A_26] : memref<32x40x128xi32, #tpu.memory_space<hbm>> -> memref<1x40x128xi32, #tpu.memory_space<hbm>>
      %dma_start3A_28 = tpu.memref_squeeze %dma_start3A_27 : memref<1x40x128xi32, #tpu.memory_space<hbm>> -> memref<40x128xi32, #tpu.memory_space<hbm>>
      %dma_start3A_29 = arith.constant 0 : i32
      %dma_start3A_30 = arith.constant 0 : i32
      %dma_start3A_31 = tpu.memref_slice %arg4[%add3A, %dma_start3A_29, %dma_start3A_30] : memref<32x40x128xi32, #tpu.memory_space<hbm>> -> memref<1x40x128xi32, #tpu.memory_space<hbm>>
      %dma_start3A_32 = tpu.memref_squeeze %dma_start3A_31 : memref<1x40x128xi32, #tpu.memory_space<hbm>> -> memref<40x128xi32, #tpu.memory_space<hbm>>
      tpu.enqueue_dma source(%dma_start3A_32 : memref<40x128xi32, #tpu.memory_space<hbm>>) target(%arg9 : memref<40x128xi32, #tpu.memory_space<vmem>>) target_semaphore(%run_scoped3A : memref<!tpu.dma_semaphore, #tpu.memory_space<semaphore_mem>>)
      %dma_wait3A = arith.constant 0 : i32
      %dma_wait3A_33 = arith.constant 0 : i32
      %dma_wait3A_34 = tpu.memref_slice %arg4[%add3A, %dma_wait3A, %dma_wait3A_33] : memref<32x40x128xi32, #tpu.memory_space<hbm>> -> memref<1x40x128xi32, #tpu.memory_space<hbm>>
      %dma_wait3A_35 = tpu.memref_squeeze %dma_wait3A_34 : memref<1x40x128xi32, #tpu.memory_space<hbm>> -> memref<40x128xi32, #tpu.memory_space<hbm>>
      %dma_wait3A_36 = arith.constant 0 : i32
      %dma_wait3A_37 = arith.constant 0 : i32
      %dma_wait3A_38 = tpu.memref_slice %arg4[%add3A, %dma_wait3A_36, %dma_wait3A_37] : memref<32x40x128xi32, #tpu.memory_space<hbm>> -> memref<1x40x128xi32, #tpu.memory_space<hbm>>
      %dma_wait3A_39 = tpu.memref_squeeze %dma_wait3A_38 : memref<1x40x128xi32, #tpu.memory_space<hbm>> -> memref<40x128xi32, #tpu.memory_space<hbm>>
      tpu.wait_dma2 semaphore(%run_scoped3A : memref<!tpu.dma_semaphore, #tpu.memory_space<semaphore_mem>>) src(%dma_wait3A_39 : memref<40x128xi32, #tpu.memory_space<hbm>>) dst(%arg9 : memref<40x128xi32, #tpu.memory_space<vmem>>)
      tpu.yield
    }) : () -> ()
    %add3A_1 = arith.constant 0 : i32
    %add3A_2 = arith.addi %add3A_1, %add3A : i32
    "tpu.region"() ({
      %run_scoped3A = tpu.sem_alloc : memref<!tpu.dma_semaphore, #tpu.memory_space<semaphore_mem>>
      %dma_start3A_25 = arith.constant 0 : i32
      %dma_start3A_26 = arith.constant 0 : i32
      %dma_start3A_27 = tpu.memref_slice %arg3[%add3A_2, %dma_start3A_25, %dma_start3A_26] : memref<32x40x128xi32, #tpu.memory_space<hbm>> -> memref<1x40x128xi32, #tpu.memory_space<hbm>>
      %dma_start3A_28 = tpu.memref_squeeze %dma_start3A_27 : memref<1x40x128xi32, #tpu.memory_space<hbm>> -> memref<40x128xi32, #tpu.memory_space<hbm>>
      %dma_start3A_29 = arith.constant 0 : i32
      %dma_start3A_30 = arith.constant 0 : i32
      %dma_start3A_31 = tpu.memref_slice %arg3[%add3A_2, %dma_start3A_29, %dma_start3A_30] : memref<32x40x128xi32, #tpu.memory_space<hbm>> -> memref<1x40x128xi32, #tpu.memory_space<hbm>>
      %dma_start3A_32 = tpu.memref_squeeze %dma_start3A_31 : memref<1x40x128xi32, #tpu.memory_space<hbm>> -> memref<40x128xi32, #tpu.memory_space<hbm>>
      tpu.enqueue_dma source(%dma_start3A_32 : memref<40x128xi32, #tpu.memory_space<hbm>>) target(%arg8 : memref<40x128xi32, #tpu.memory_space<vmem>>) target_semaphore(%run_scoped3A : memref<!tpu.dma_semaphore, #tpu.memory_space<semaphore_mem>>)
      %dma_wait3A = arith.constant 0 : i32
      %dma_wait3A_33 = arith.constant 0 : i32
      %dma_wait3A_34 = tpu.memref_slice %arg3[%add3A_2, %dma_wait3A, %dma_wait3A_33] : memref<32x40x128xi32, #tpu.memory_space<hbm>> -> memref<1x40x128xi32, #tpu.memory_space<hbm>>
      %dma_wait3A_35 = tpu.memref_squeeze %dma_wait3A_34 : memref<1x40x128xi32, #tpu.memory_space<hbm>> -> memref<40x128xi32, #tpu.memory_space<hbm>>
      %dma_wait3A_36 = arith.constant 0 : i32
      %dma_wait3A_37 = arith.constant 0 : i32
      %dma_wait3A_38 = tpu.memref_slice %arg3[%add3A_2, %dma_wait3A_36, %dma_wait3A_37] : memref<32x40x128xi32, #tpu.memory_space<hbm>> -> memref<1x40x128xi32, #tpu.memory_space<hbm>>
      %dma_wait3A_39 = tpu.memref_squeeze %dma_wait3A_38 : memref<1x40x128xi32, #tpu.memory_space<hbm>> -> memref<40x128xi32, #tpu.memory_space<hbm>>
      tpu.wait_dma2 semaphore(%run_scoped3A : memref<!tpu.dma_semaphore, #tpu.memory_space<semaphore_mem>>) src(%dma_wait3A_39 : memref<40x128xi32, #tpu.memory_space<hbm>>) dst(%arg8 : memref<40x128xi32, #tpu.memory_space<vmem>>)
      tpu.yield
    }) : () -> ()
    %mul3A_3 = arith.constant 640 : i32
    %mul3A_4 = arith.muli %arg1, %mul3A_3 : i32
    "tpu.region"() ({
      %run_scoped3A = tpu.sem_alloc : memref<!tpu.dma_semaphore, #tpu.memory_space<semaphore_mem>>
      %dma_start3A_25 = arith.constant 0 : i32
      %dma_start3A_26 = tpu.memref_slice %arg7[%mul3A_4, %dma_start3A_25] : memref<10240x128xf32, #tpu.memory_space<vmem_shared>> -> memref<640x128xf32, #tpu.memory_space<vmem_shared>>
      tpu.enqueue_dma source(%arg5 : memref<640x128xf32, #tpu.memory_space<hbm>>) target(%dma_start3A_26 : memref<640x128xf32, #tpu.memory_space<vmem_shared>>) target_semaphore(%run_scoped3A : memref<!tpu.dma_semaphore, #tpu.memory_space<semaphore_mem>>)
      %dma_wait3A = arith.constant 0 : i32
      %dma_wait3A_27 = tpu.memref_slice %arg7[%mul3A_4, %dma_wait3A] : memref<10240x128xf32, #tpu.memory_space<vmem_shared>> -> memref<640x128xf32, #tpu.memory_space<vmem_shared>>
      tpu.wait_dma2 semaphore(%run_scoped3A : memref<!tpu.dma_semaphore, #tpu.memory_space<semaphore_mem>>) src(%arg5 : memref<640x128xf32, #tpu.memory_space<hbm>>) dst(%dma_wait3A_27 : memref<640x128xf32, #tpu.memory_space<vmem_shared>>)
      tpu.yield
    }) : () -> ()
    %barrier3A = arith.constant 0 : index
    tpu.barrier barrier_id(%barrier3A)
    %dma_start3A = arith.constant 0 : i32
    %dma_start3A_5 = arith.constant 0 : i32
    %dma_start3A_6 = tpu.memref_slice %arg8[%dma_start3A, %dma_start3A_5] : memref<40x128xi32, #tpu.memory_space<vmem>> -> memref<1x128xi32, #tpu.memory_space<vmem>>
    %dma_start3A_7 = tpu.memref_squeeze %dma_start3A_6 : memref<1x128xi32, #tpu.memory_space<vmem>> -> memref<128xi32, #tpu.memory_space<vmem>>
    %dma_start3A_8 = arith.constant 0 : i32
    %dma_start3A_9 = arith.constant 0 : i32
    %dma_start3A_10 = tpu.memref_slice %arg2[%dma_start3A_8, %dma_start3A_9] : memref<10000x128xf32, #tpu.memory_space<hbm>> -> memref<10000x128xf32, #tpu.memory_space<hbm>>
    tpu.enqueue_indirect_dma source(%dma_start3A_10 : memref<10000x128xf32, #tpu.memory_space<hbm>>) target(%arg10 : memref<128x128xf32, #tpu.memory_space<vmem>>) offsets(%dma_start3A_7 : memref<128xi32, #tpu.memory_space<vmem>>) semaphore(%arg12 : memref<!tpu.dma_semaphore, #tpu.memory_space<semaphore_mem>>)
    %scan3A = arith.constant 0 : i32
    %scan3A_11 = arith.constant 0 : i32
    %scan3A_12 = arith.constant 20 : i32
    %scan3A_13 = arith.addi %scan3A_11, %scan3A_12 : i32
    %scan3A_14 = arith.constant 1 : i32
    scf.for %scan3A_25 = %scan3A_11 to %scan3A_13 step %scan3A_14  : i32 {
      %mul3A_26 = arith.constant 2 : i32
      %mul3A_27 = arith.muli %scan3A_25, %mul3A_26 : i32
      %add3A_28 = arith.constant 1 : i32
      %add3A_29 = arith.addi %mul3A_27, %add3A_28 : i32
      %dma_wait3A = arith.constant 0 : i32
      %dma_wait3A_30 = tpu.memref_slice %arg8[%mul3A_27, %dma_wait3A] : memref<40x128xi32, #tpu.memory_space<vmem>> -> memref<1x128xi32, #tpu.memory_space<vmem>>
      %dma_wait3A_31 = tpu.memref_squeeze %dma_wait3A_30 : memref<1x128xi32, #tpu.memory_space<vmem>> -> memref<128xi32, #tpu.memory_space<vmem>>
      %dma_wait3A_32 = arith.constant 0 : i32
      %dma_wait3A_33 = arith.constant 0 : i32
      %dma_wait3A_34 = tpu.memref_slice %arg2[%dma_wait3A_32, %dma_wait3A_33] : memref<10000x128xf32, #tpu.memory_space<hbm>> -> memref<10000x128xf32, #tpu.memory_space<hbm>>
      tpu.wait_indirect_dma semaphore(%arg12 : memref<!tpu.dma_semaphore, #tpu.memory_space<semaphore_mem>>) src(%dma_wait3A_34 : memref<10000x128xf32, #tpu.memory_space<hbm>>) dst(%arg10 : memref<128x128xf32, #tpu.memory_space<vmem>>)
      %dma_start3A_35 = arith.constant 0 : i32
      %dma_start3A_36 = tpu.memref_slice %arg8[%add3A_29, %dma_start3A_35] : memref<40x128xi32, #tpu.memory_space<vmem>> -> memref<1x128xi32, #tpu.memory_space<vmem>>
      %dma_start3A_37 = tpu.memref_squeeze %dma_start3A_36 : memref<1x128xi32, #tpu.memory_space<vmem>> -> memref<128xi32, #tpu.memory_space<vmem>>
      %dma_start3A_38 = arith.constant 0 : i32
      %dma_start3A_39 = arith.constant 0 : i32
      %dma_start3A_40 = tpu.memref_slice %arg2[%dma_start3A_38, %dma_start3A_39] : memref<10000x128xf32, #tpu.memory_space<hbm>> -> memref<10000x128xf32, #tpu.memory_space<hbm>>
      tpu.enqueue_indirect_dma source(%dma_start3A_40 : memref<10000x128xf32, #tpu.memory_space<hbm>>) target(%arg11 : memref<128x128xf32, #tpu.memory_space<vmem>>) offsets(%dma_start3A_37 : memref<128xi32, #tpu.memory_space<vmem>>) semaphore(%arg13 : memref<!tpu.dma_semaphore, #tpu.memory_space<semaphore_mem>>)
      "tpu.region"() ({
        %run_scoped3A = tpu.sem_alloc : memref<!tpu.dma_semaphore, #tpu.memory_space<semaphore_mem>>
        %dma_start3A_51 = arith.constant 0 : i32
        %dma_start3A_52 = tpu.memref_slice %arg9[%mul3A_27, %dma_start3A_51] : memref<40x128xi32, #tpu.memory_space<vmem>> -> memref<1x128xi32, #tpu.memory_space<vmem>>
        %dma_start3A_53 = tpu.memref_squeeze %dma_start3A_52 : memref<1x128xi32, #tpu.memory_space<vmem>> -> memref<128xi32, #tpu.memory_space<vmem>>
        %dma_start3A_54 = arith.constant 0 : i32
        %dma_start3A_55 = arith.constant 0 : i32
        %dma_start3A_56 = tpu.memref_slice %arg7[%dma_start3A_54, %dma_start3A_55] : memref<10240x128xf32, #tpu.memory_space<vmem_shared>> -> memref<10240x128xf32, #tpu.memory_space<vmem_shared>>
        tpu.enqueue_indirect_dma source(%arg10 : memref<128x128xf32, #tpu.memory_space<vmem>>) target(%dma_start3A_56 : memref<10240x128xf32, #tpu.memory_space<vmem_shared>>) offsets(%dma_start3A_53 : memref<128xi32, #tpu.memory_space<vmem>>) semaphore(%run_scoped3A : memref<!tpu.dma_semaphore, #tpu.memory_space<semaphore_mem>>) {add = true}
        %dma_wait3A_57 = arith.constant 0 : i32
        %dma_wait3A_58 = tpu.memref_slice %arg9[%mul3A_27, %dma_wait3A_57] : memref<40x128xi32, #tpu.memory_space<vmem>> -> memref<1x128xi32, #tpu.memory_space<vmem>>
        %dma_wait3A_59 = tpu.memref_squeeze %dma_wait3A_58 : memref<1x128xi32, #tpu.memory_space<vmem>> -> memref<128xi32, #tpu.memory_space<vmem>>
        %dma_wait3A_60 = arith.constant 0 : i32
        %dma_wait3A_61 = arith.constant 0 : i32
        %dma_wait3A_62 = tpu.memref_slice %arg7[%dma_wait3A_60, %dma_wait3A_61] : memref<10240x128xf32, #tpu.memory_space<vmem_shared>> -> memref<10240x128xf32, #tpu.memory_space<vmem_shared>>
        tpu.wait_indirect_dma semaphore(%run_scoped3A : memref<!tpu.dma_semaphore, #tpu.memory_space<semaphore_mem>>) src(%arg10 : memref<128x128xf32, #tpu.memory_space<vmem>>) dst(%dma_wait3A_62 : memref<10240x128xf32, #tpu.memory_space<vmem_shared>>)
        tpu.yield
      }) : () -> ()
      %dma_wait3A_41 = arith.constant 0 : i32
      %dma_wait3A_42 = tpu.memref_slice %arg8[%add3A_29, %dma_wait3A_41] : memref<40x128xi32, #tpu.memory_space<vmem>> -> memref<1x128xi32, #tpu.memory_space<vmem>>
      %dma_wait3A_43 = tpu.memref_squeeze %dma_wait3A_42 : memref<1x128xi32, #tpu.memory_space<vmem>> -> memref<128xi32, #tpu.memory_space<vmem>>
      %dma_wait3A_44 = arith.constant 0 : i32
      %dma_wait3A_45 = arith.constant 0 : i32
      %dma_wait3A_46 = tpu.memref_slice %arg2[%dma_wait3A_44, %dma_wait3A_45] : memref<10000x128xf32, #tpu.memory_space<hbm>> -> memref<10000x128xf32, #tpu.memory_space<hbm>>
      tpu.wait_indirect_dma semaphore(%arg13 : memref<!tpu.dma_semaphore, #tpu.memory_space<semaphore_mem>>) src(%dma_wait3A_46 : memref<10000x128xf32, #tpu.memory_space<hbm>>) dst(%arg11 : memref<128x128xf32, #tpu.memory_space<vmem>>)
      %add3A_47 = arith.constant 1 : i32
      %add3A_48 = arith.addi %scan3A_25, %add3A_47 : i32
      %lt3A = arith.constant 20 : i32
      %lt3A_49 = arith.cmpi slt, %add3A_48, %lt3A : i32
      %convert_element_type3A = arith.extui %lt3A_49 : i1 to i32
      %cond3A = arith.constant 0 : i32
      %cond3A_50 = arith.cmpi ne, %convert_element_type3A, %cond3A : i32
      scf.if %cond3A_50 {
        %add3A_51 = arith.constant 2 : i32
        %add3A_52 = arith.addi %mul3A_27, %add3A_51 : i32
        %dma_start3A_53 = arith.constant 0 : i32
        %dma_start3A_54 = tpu.memref_slice %arg8[%add3A_52, %dma_start3A_53] : memref<40x128xi32, #tpu.memory_space<vmem>> -> memref<1x128xi32, #tpu.memory_space<vmem>>
        %dma_start3A_55 = tpu.memref_squeeze %dma_start3A_54 : memref<1x128xi32, #tpu.memory_space<vmem>> -> memref<128xi32, #tpu.memory_space<vmem>>
        %dma_start3A_56 = arith.constant 0 : i32
        %dma_start3A_57 = arith.constant 0 : i32
        %dma_start3A_58 = tpu.memref_slice %arg2[%dma_start3A_56, %dma_start3A_57] : memref<10000x128xf32, #tpu.memory_space<hbm>> -> memref<10000x128xf32, #tpu.memory_space<hbm>>
        tpu.enqueue_indirect_dma source(%dma_start3A_58 : memref<10000x128xf32, #tpu.memory_space<hbm>>) target(%arg10 : memref<128x128xf32, #tpu.memory_space<vmem>>) offsets(%dma_start3A_55 : memref<128xi32, #tpu.memory_space<vmem>>) semaphore(%arg12 : memref<!tpu.dma_semaphore, #tpu.memory_space<semaphore_mem>>)
      } else {
      }
      "tpu.region"() ({
        %run_scoped3A = tpu.sem_alloc : memref<!tpu.dma_semaphore, #tpu.memory_space<semaphore_mem>>
        %dma_start3A_51 = arith.constant 0 : i32
        %dma_start3A_52 = tpu.memref_slice %arg9[%add3A_29, %dma_start3A_51] : memref<40x128xi32, #tpu.memory_space<vmem>> -> memref<1x128xi32, #tpu.memory_space<vmem>>
        %dma_start3A_53 = tpu.memref_squeeze %dma_start3A_52 : memref<1x128xi32, #tpu.memory_space<vmem>> -> memref<128xi32, #tpu.memory_space<vmem>>
        %dma_start3A_54 = arith.constant 0 : i32
        %dma_start3A_55 = arith.constant 0 : i32
        %dma_start3A_56 = tpu.memref_slice %arg7[%dma_start3A_54, %dma_start3A_55] : memref<10240x128xf32, #tpu.memory_space<vmem_shared>> -> memref<10240x128xf32, #tpu.memory_space<vmem_shared>>
        tpu.enqueue_indirect_dma source(%arg11 : memref<128x128xf32, #tpu.memory_space<vmem>>) target(%dma_start3A_56 : memref<10240x128xf32, #tpu.memory_space<vmem_shared>>) offsets(%dma_start3A_53 : memref<128xi32, #tpu.memory_space<vmem>>) semaphore(%run_scoped3A : memref<!tpu.dma_semaphore, #tpu.memory_space<semaphore_mem>>) {add = true}
        %dma_wait3A_57 = arith.constant 0 : i32
        %dma_wait3A_58 = tpu.memref_slice %arg9[%add3A_29, %dma_wait3A_57] : memref<40x128xi32, #tpu.memory_space<vmem>> -> memref<1x128xi32, #tpu.memory_space<vmem>>
        %dma_wait3A_59 = tpu.memref_squeeze %dma_wait3A_58 : memref<1x128xi32, #tpu.memory_space<vmem>> -> memref<128xi32, #tpu.memory_space<vmem>>
        %dma_wait3A_60 = arith.constant 0 : i32
        %dma_wait3A_61 = arith.constant 0 : i32
        %dma_wait3A_62 = tpu.memref_slice %arg7[%dma_wait3A_60, %dma_wait3A_61] : memref<10240x128xf32, #tpu.memory_space<vmem_shared>> -> memref<10240x128xf32, #tpu.memory_space<vmem_shared>>
        tpu.wait_indirect_dma semaphore(%run_scoped3A : memref<!tpu.dma_semaphore, #tpu.memory_space<semaphore_mem>>) src(%arg11 : memref<128x128xf32, #tpu.memory_space<vmem>>) dst(%dma_wait3A_62 : memref<10240x128xf32, #tpu.memory_space<vmem_shared>>)
        tpu.yield
      }) : () -> ()
    }
    %scan3A_15 = arith.constant 20 : i32
    %barrier3A_16 = arith.constant 0 : index
    tpu.barrier barrier_id(%barrier3A_16)
    %mul3A_17 = arith.constant 640 : i32
    %mul3A_18 = arith.muli %arg1, %mul3A_17 : i32
    %mul3A_19 = arith.constant 1 : i32
    %mul3A_20 = arith.muli %arg0, %mul3A_19 : i32
    %add3A_21 = arith.constant 0 : i32
    %add3A_22 = arith.addi %mul3A_20, %add3A_21 : i32
    %mul3A_23 = arith.constant 640 : i32
    %mul3A_24 = arith.muli %arg1, %mul3A_23 : i32
    "tpu.region"() ({
      %run_scoped3A = tpu.sem_alloc : memref<!tpu.dma_semaphore, #tpu.memory_space<semaphore_mem>>
      %dma_start3A_25 = arith.constant 0 : i32
      %dma_start3A_26 = tpu.memref_slice %arg6[%add3A_22, %mul3A_24, %dma_start3A_25] : memref<2x10240x128xf32, #tpu.memory_space<hbm>> -> memref<1x640x128xf32, #tpu.memory_space<hbm>>
      %dma_start3A_27 = tpu.memref_squeeze %dma_start3A_26 : memref<1x640x128xf32, #tpu.memory_space<hbm>> -> memref<640x128xf32, #tpu.memory_space<hbm>>
      %dma_start3A_28 = arith.constant 0 : i32
      %dma_start3A_29 = tpu.memref_slice %arg7[%mul3A_18, %dma_start3A_28] : memref<10240x128xf32, #tpu.memory_space<vmem_shared>> -> memref<640x128xf32, #tpu.memory_space<vmem_shared>>
      tpu.enqueue_dma source(%dma_start3A_29 : memref<640x128xf32, #tpu.memory_space<vmem_shared>>) target(%dma_start3A_27 : memref<640x128xf32, #tpu.memory_space<hbm>>) target_semaphore(%run_scoped3A : memref<!tpu.dma_semaphore, #tpu.memory_space<semaphore_mem>>)
      %dma_wait3A = arith.constant 0 : i32
      %dma_wait3A_30 = tpu.memref_slice %arg6[%add3A_22, %mul3A_24, %dma_wait3A] : memref<2x10240x128xf32, #tpu.memory_space<hbm>> -> memref<1x640x128xf32, #tpu.memory_space<hbm>>
      %dma_wait3A_31 = tpu.memref_squeeze %dma_wait3A_30 : memref<1x640x128xf32, #tpu.memory_space<hbm>> -> memref<640x128xf32, #tpu.memory_space<hbm>>
      %dma_wait3A_32 = arith.constant 0 : i32
      %dma_wait3A_33 = tpu.memref_slice %arg7[%mul3A_18, %dma_wait3A_32] : memref<10240x128xf32, #tpu.memory_space<vmem_shared>> -> memref<640x128xf32, #tpu.memory_space<vmem_shared>>
      tpu.wait_dma2 semaphore(%run_scoped3A : memref<!tpu.dma_semaphore, #tpu.memory_space<semaphore_mem>>) src(%dma_wait3A_33 : memref<640x128xf32, #tpu.memory_space<vmem_shared>>) dst(%dma_wait3A_31 : memref<640x128xf32, #tpu.memory_space<hbm>>)
      tpu.yield
    }) : () -> ()
    return
  }
}

#map = affine_map<(d0, d1) -> (0, 0)>
#map1 = affine_map<(d0, d1) -> (0, 0, 0)>
module attributes {stable_mosaic.version = 14 : i64} {
  func.func @segsum(%arg0: i32, %arg1: i32, %arg2: memref<40000x128xf32, #tpu.memory_space<hbm>>, %arg3: memref<128x40x128xi32, #tpu.memory_space<hbm>>, %arg4: memref<32x40x128xi32, #tpu.memory_space<hbm>>, %arg5: memref<640x128xf32, #tpu.memory_space<hbm>>, %arg6: memref<4x10240x128xf32, #tpu.memory_space<hbm>>, %arg7: memref<10240x128xf32, #tpu.memory_space<vmem_shared>>, %arg8: memref<40x128xi32, #tpu.memory_space<vmem>>, %arg9: memref<40x128xi32, #tpu.memory_space<vmem>>, %arg10: memref<128x128xf32, #tpu.memory_space<vmem>>, %arg11: memref<128x128xf32, #tpu.memory_space<vmem>>, %arg12: memref<!tpu.dma_semaphore, #tpu.memory_space<semaphore_mem>>, %arg13: memref<!tpu.dma_semaphore, #tpu.memory_space<semaphore_mem>>) attributes {dimension_semantics = [#tpu.dimension_semantics<core_parallel>, #tpu.dimension_semantics<subcore_parallel>], iteration_bounds = array<i64: 2, 16>, scalar_prefetch = 0 : i64, scratch_operands = 7 : i64, tpu.core_type = #tpu.core_type<sc_vector_subcore>, window_params = [{transform_indices = #map}, {transform_indices = #map1}, {transform_indices = #map1}, {transform_indices = #map}, {transform_indices = #map1}]} {
    %scan3A = arith.constant 0 : i32
    %scan3A_0 = arith.constant 0 : i32
    %scan3A_1 = arith.constant 2 : i32
    %scan3A_2 = arith.addi %scan3A_0, %scan3A_1 : i32
    %scan3A_3 = arith.constant 1 : i32
    scf.for %scan3A_5 = %scan3A_0 to %scan3A_2 step %scan3A_3  : i32 {
      %mul3A = arith.constant 2 : i32
      %mul3A_6 = arith.muli %arg0, %mul3A : i32
      %add3A = arith.addi %mul3A_6, %scan3A_5 : i32
      %mul3A_7 = arith.constant 640 : i32
      %mul3A_8 = arith.muli %arg1, %mul3A_7 : i32
      "tpu.region"() ({
        %run_scoped3A = tpu.sem_alloc : memref<!tpu.dma_semaphore, #tpu.memory_space<semaphore_mem>>
        %dma_start3A = arith.constant 0 : i32
        %dma_start3A_20 = tpu.memref_slice %arg7[%mul3A_8, %dma_start3A] : memref<10240x128xf32, #tpu.memory_space<vmem_shared>> -> memref<640x128xf32, #tpu.memory_space<vmem_shared>>
        tpu.enqueue_dma source(%arg5 : memref<640x128xf32, #tpu.memory_space<hbm>>) target(%dma_start3A_20 : memref<640x128xf32, #tpu.memory_space<vmem_shared>>) target_semaphore(%run_scoped3A : memref<!tpu.dma_semaphore, #tpu.memory_space<semaphore_mem>>)
        %dma_wait3A = arith.constant 0 : i32
        %dma_wait3A_21 = tpu.memref_slice %arg7[%mul3A_8, %dma_wait3A] : memref<10240x128xf32, #tpu.memory_space<vmem_shared>> -> memref<640x128xf32, #tpu.memory_space<vmem_shared>>
        tpu.wait_dma2 semaphore(%run_scoped3A : memref<!tpu.dma_semaphore, #tpu.memory_space<semaphore_mem>>) src(%arg5 : memref<640x128xf32, #tpu.memory_space<hbm>>) dst(%dma_wait3A_21 : memref<640x128xf32, #tpu.memory_space<vmem_shared>>)
        tpu.yield
      }) : () -> ()
      %barrier3A = arith.constant 0 : index
      tpu.barrier barrier_id(%barrier3A)
      %scan3A_9 = arith.constant 0 : i32
      %scan3A_10 = arith.constant 0 : i32
      %scan3A_11 = arith.constant 2 : i32
      %scan3A_12 = arith.addi %scan3A_10, %scan3A_11 : i32
      %scan3A_13 = arith.constant 1 : i32
      scf.for %scan3A_20 = %scan3A_10 to %scan3A_12 step %scan3A_13  : i32 {
        %mul3A_21 = arith.constant 2 : i32
        %mul3A_22 = arith.muli %add3A, %mul3A_21 : i32
        %add3A_23 = arith.addi %mul3A_22, %scan3A_20 : i32
        %mul3A_24 = arith.constant 16 : i32
        %mul3A_25 = arith.muli %add3A_23, %mul3A_24 : i32
        %add3A_26 = arith.addi %mul3A_25, %arg1 : i32
        "tpu.region"() ({
          %run_scoped3A = tpu.sem_alloc : memref<!tpu.dma_semaphore, #tpu.memory_space<semaphore_mem>>
          %dma_start3A_42 = arith.constant 0 : i32
          %dma_start3A_43 = arith.constant 0 : i32
          %dma_start3A_44 = tpu.memref_slice %arg3[%add3A_26, %dma_start3A_42, %dma_start3A_43] : memref<128x40x128xi32, #tpu.memory_space<hbm>> -> memref<1x40x128xi32, #tpu.memory_space<hbm>>
          %dma_start3A_45 = tpu.memref_squeeze %dma_start3A_44 : memref<1x40x128xi32, #tpu.memory_space<hbm>> -> memref<40x128xi32, #tpu.memory_space<hbm>>
          %dma_start3A_46 = arith.constant 0 : i32
          %dma_start3A_47 = arith.constant 0 : i32
          %dma_start3A_48 = tpu.memref_slice %arg3[%add3A_26, %dma_start3A_46, %dma_start3A_47] : memref<128x40x128xi32, #tpu.memory_space<hbm>> -> memref<1x40x128xi32, #tpu.memory_space<hbm>>
          %dma_start3A_49 = tpu.memref_squeeze %dma_start3A_48 : memref<1x40x128xi32, #tpu.memory_space<hbm>> -> memref<40x128xi32, #tpu.memory_space<hbm>>
          tpu.enqueue_dma source(%dma_start3A_49 : memref<40x128xi32, #tpu.memory_space<hbm>>) target(%arg8 : memref<40x128xi32, #tpu.memory_space<vmem>>) target_semaphore(%run_scoped3A : memref<!tpu.dma_semaphore, #tpu.memory_space<semaphore_mem>>)
          %dma_wait3A = arith.constant 0 : i32
          %dma_wait3A_50 = arith.constant 0 : i32
          %dma_wait3A_51 = tpu.memref_slice %arg3[%add3A_26, %dma_wait3A, %dma_wait3A_50] : memref<128x40x128xi32, #tpu.memory_space<hbm>> -> memref<1x40x128xi32, #tpu.memory_space<hbm>>
          %dma_wait3A_52 = tpu.memref_squeeze %dma_wait3A_51 : memref<1x40x128xi32, #tpu.memory_space<hbm>> -> memref<40x128xi32, #tpu.memory_space<hbm>>
          %dma_wait3A_53 = arith.constant 0 : i32
          %dma_wait3A_54 = arith.constant 0 : i32
          %dma_wait3A_55 = tpu.memref_slice %arg3[%add3A_26, %dma_wait3A_53, %dma_wait3A_54] : memref<128x40x128xi32, #tpu.memory_space<hbm>> -> memref<1x40x128xi32, #tpu.memory_space<hbm>>
          %dma_wait3A_56 = tpu.memref_squeeze %dma_wait3A_55 : memref<1x40x128xi32, #tpu.memory_space<hbm>> -> memref<40x128xi32, #tpu.memory_space<hbm>>
          tpu.wait_dma2 semaphore(%run_scoped3A : memref<!tpu.dma_semaphore, #tpu.memory_space<semaphore_mem>>) src(%dma_wait3A_56 : memref<40x128xi32, #tpu.memory_space<hbm>>) dst(%arg8 : memref<40x128xi32, #tpu.memory_space<vmem>>)
          tpu.yield
        }) : () -> ()
        %mul3A_27 = arith.constant 16 : i32
        %mul3A_28 = arith.muli %scan3A_20, %mul3A_27 : i32
        %add3A_29 = arith.addi %mul3A_28, %arg1 : i32
        "tpu.region"() ({
          %run_scoped3A = tpu.sem_alloc : memref<!tpu.dma_semaphore, #tpu.memory_space<semaphore_mem>>
          %dma_start3A_42 = arith.constant 0 : i32
          %dma_start3A_43 = arith.constant 0 : i32
          %dma_start3A_44 = tpu.memref_slice %arg4[%add3A_29, %dma_start3A_42, %dma_start3A_43] : memref<32x40x128xi32, #tpu.memory_space<hbm>> -> memref<1x40x128xi32, #tpu.memory_space<hbm>>
          %dma_start3A_45 = tpu.memref_squeeze %dma_start3A_44 : memref<1x40x128xi32, #tpu.memory_space<hbm>> -> memref<40x128xi32, #tpu.memory_space<hbm>>
          %dma_start3A_46 = arith.constant 0 : i32
          %dma_start3A_47 = arith.constant 0 : i32
          %dma_start3A_48 = tpu.memref_slice %arg4[%add3A_29, %dma_start3A_46, %dma_start3A_47] : memref<32x40x128xi32, #tpu.memory_space<hbm>> -> memref<1x40x128xi32, #tpu.memory_space<hbm>>
          %dma_start3A_49 = tpu.memref_squeeze %dma_start3A_48 : memref<1x40x128xi32, #tpu.memory_space<hbm>> -> memref<40x128xi32, #tpu.memory_space<hbm>>
          tpu.enqueue_dma source(%dma_start3A_49 : memref<40x128xi32, #tpu.memory_space<hbm>>) target(%arg9 : memref<40x128xi32, #tpu.memory_space<vmem>>) target_semaphore(%run_scoped3A : memref<!tpu.dma_semaphore, #tpu.memory_space<semaphore_mem>>)
          %dma_wait3A = arith.constant 0 : i32
          %dma_wait3A_50 = arith.constant 0 : i32
          %dma_wait3A_51 = tpu.memref_slice %arg4[%add3A_29, %dma_wait3A, %dma_wait3A_50] : memref<32x40x128xi32, #tpu.memory_space<hbm>> -> memref<1x40x128xi32, #tpu.memory_space<hbm>>
          %dma_wait3A_52 = tpu.memref_squeeze %dma_wait3A_51 : memref<1x40x128xi32, #tpu.memory_space<hbm>> -> memref<40x128xi32, #tpu.memory_space<hbm>>
          %dma_wait3A_53 = arith.constant 0 : i32
          %dma_wait3A_54 = arith.constant 0 : i32
          %dma_wait3A_55 = tpu.memref_slice %arg4[%add3A_29, %dma_wait3A_53, %dma_wait3A_54] : memref<32x40x128xi32, #tpu.memory_space<hbm>> -> memref<1x40x128xi32, #tpu.memory_space<hbm>>
          %dma_wait3A_56 = tpu.memref_squeeze %dma_wait3A_55 : memref<1x40x128xi32, #tpu.memory_space<hbm>> -> memref<40x128xi32, #tpu.memory_space<hbm>>
          tpu.wait_dma2 semaphore(%run_scoped3A : memref<!tpu.dma_semaphore, #tpu.memory_space<semaphore_mem>>) src(%dma_wait3A_56 : memref<40x128xi32, #tpu.memory_space<hbm>>) dst(%arg9 : memref<40x128xi32, #tpu.memory_space<vmem>>)
          tpu.yield
        }) : () -> ()
        %dma_start3A = arith.constant 0 : i32
        %dma_start3A_30 = arith.constant 0 : i32
        %dma_start3A_31 = tpu.memref_slice %arg8[%dma_start3A, %dma_start3A_30] : memref<40x128xi32, #tpu.memory_space<vmem>> -> memref<1x128xi32, #tpu.memory_space<vmem>>
        %dma_start3A_32 = tpu.memref_squeeze %dma_start3A_31 : memref<1x128xi32, #tpu.memory_space<vmem>> -> memref<128xi32, #tpu.memory_space<vmem>>
        %dma_start3A_33 = arith.constant 0 : i32
        %dma_start3A_34 = arith.constant 0 : i32
        %dma_start3A_35 = tpu.memref_slice %arg2[%dma_start3A_33, %dma_start3A_34] : memref<40000x128xf32, #tpu.memory_space<hbm>> -> memref<40000x128xf32, #tpu.memory_space<hbm>>
        tpu.enqueue_indirect_dma source(%dma_start3A_35 : memref<40000x128xf32, #tpu.memory_space<hbm>>) target(%arg10 : memref<128x128xf32, #tpu.memory_space<vmem>>) offsets(%dma_start3A_32 : memref<128xi32, #tpu.memory_space<vmem>>) semaphore(%arg12 : memref<!tpu.dma_semaphore, #tpu.memory_space<semaphore_mem>>)
        %scan3A_36 = arith.constant 0 : i32
        %scan3A_37 = arith.constant 0 : i32
        %scan3A_38 = arith.constant 20 : i32
        %scan3A_39 = arith.addi %scan3A_37, %scan3A_38 : i32
        %scan3A_40 = arith.constant 1 : i32
        scf.for %scan3A_42 = %scan3A_37 to %scan3A_39 step %scan3A_40  : i32 {
          %mul3A_43 = arith.constant 2 : i32
          %mul3A_44 = arith.muli %scan3A_42, %mul3A_43 : i32
          %add3A_45 = arith.constant 1 : i32
          %add3A_46 = arith.addi %mul3A_44, %add3A_45 : i32
          %dma_wait3A = arith.constant 0 : i32
          %dma_wait3A_47 = tpu.memref_slice %arg8[%mul3A_44, %dma_wait3A] : memref<40x128xi32, #tpu.memory_space<vmem>> -> memref<1x128xi32, #tpu.memory_space<vmem>>
          %dma_wait3A_48 = tpu.memref_squeeze %dma_wait3A_47 : memref<1x128xi32, #tpu.memory_space<vmem>> -> memref<128xi32, #tpu.memory_space<vmem>>
          %dma_wait3A_49 = arith.constant 0 : i32
          %dma_wait3A_50 = arith.constant 0 : i32
          %dma_wait3A_51 = tpu.memref_slice %arg2[%dma_wait3A_49, %dma_wait3A_50] : memref<40000x128xf32, #tpu.memory_space<hbm>> -> memref<40000x128xf32, #tpu.memory_space<hbm>>
          tpu.wait_indirect_dma semaphore(%arg12 : memref<!tpu.dma_semaphore, #tpu.memory_space<semaphore_mem>>) src(%dma_wait3A_51 : memref<40000x128xf32, #tpu.memory_space<hbm>>) dst(%arg10 : memref<128x128xf32, #tpu.memory_space<vmem>>)
          %dma_start3A_52 = arith.constant 0 : i32
          %dma_start3A_53 = tpu.memref_slice %arg8[%add3A_46, %dma_start3A_52] : memref<40x128xi32, #tpu.memory_space<vmem>> -> memref<1x128xi32, #tpu.memory_space<vmem>>
          %dma_start3A_54 = tpu.memref_squeeze %dma_start3A_53 : memref<1x128xi32, #tpu.memory_space<vmem>> -> memref<128xi32, #tpu.memory_space<vmem>>
          %dma_start3A_55 = arith.constant 0 : i32
          %dma_start3A_56 = arith.constant 0 : i32
          %dma_start3A_57 = tpu.memref_slice %arg2[%dma_start3A_55, %dma_start3A_56] : memref<40000x128xf32, #tpu.memory_space<hbm>> -> memref<40000x128xf32, #tpu.memory_space<hbm>>
          tpu.enqueue_indirect_dma source(%dma_start3A_57 : memref<40000x128xf32, #tpu.memory_space<hbm>>) target(%arg11 : memref<128x128xf32, #tpu.memory_space<vmem>>) offsets(%dma_start3A_54 : memref<128xi32, #tpu.memory_space<vmem>>) semaphore(%arg13 : memref<!tpu.dma_semaphore, #tpu.memory_space<semaphore_mem>>)
          "tpu.region"() ({
            %run_scoped3A = tpu.sem_alloc : memref<!tpu.dma_semaphore, #tpu.memory_space<semaphore_mem>>
            %dma_start3A_68 = arith.constant 0 : i32
            %dma_start3A_69 = tpu.memref_slice %arg9[%mul3A_44, %dma_start3A_68] : memref<40x128xi32, #tpu.memory_space<vmem>> -> memref<1x128xi32, #tpu.memory_space<vmem>>
            %dma_start3A_70 = tpu.memref_squeeze %dma_start3A_69 : memref<1x128xi32, #tpu.memory_space<vmem>> -> memref<128xi32, #tpu.memory_space<vmem>>
            %dma_start3A_71 = arith.constant 0 : i32
            %dma_start3A_72 = arith.constant 0 : i32
            %dma_start3A_73 = tpu.memref_slice %arg7[%dma_start3A_71, %dma_start3A_72] : memref<10240x128xf32, #tpu.memory_space<vmem_shared>> -> memref<10240x128xf32, #tpu.memory_space<vmem_shared>>
            tpu.enqueue_indirect_dma source(%arg10 : memref<128x128xf32, #tpu.memory_space<vmem>>) target(%dma_start3A_73 : memref<10240x128xf32, #tpu.memory_space<vmem_shared>>) offsets(%dma_start3A_70 : memref<128xi32, #tpu.memory_space<vmem>>) semaphore(%run_scoped3A : memref<!tpu.dma_semaphore, #tpu.memory_space<semaphore_mem>>) {add = true}
            %dma_wait3A_74 = arith.constant 0 : i32
            %dma_wait3A_75 = tpu.memref_slice %arg9[%mul3A_44, %dma_wait3A_74] : memref<40x128xi32, #tpu.memory_space<vmem>> -> memref<1x128xi32, #tpu.memory_space<vmem>>
            %dma_wait3A_76 = tpu.memref_squeeze %dma_wait3A_75 : memref<1x128xi32, #tpu.memory_space<vmem>> -> memref<128xi32, #tpu.memory_space<vmem>>
            %dma_wait3A_77 = arith.constant 0 : i32
            %dma_wait3A_78 = arith.constant 0 : i32
            %dma_wait3A_79 = tpu.memref_slice %arg7[%dma_wait3A_77, %dma_wait3A_78] : memref<10240x128xf32, #tpu.memory_space<vmem_shared>> -> memref<10240x128xf32, #tpu.memory_space<vmem_shared>>
            tpu.wait_indirect_dma semaphore(%run_scoped3A : memref<!tpu.dma_semaphore, #tpu.memory_space<semaphore_mem>>) src(%arg10 : memref<128x128xf32, #tpu.memory_space<vmem>>) dst(%dma_wait3A_79 : memref<10240x128xf32, #tpu.memory_space<vmem_shared>>)
            tpu.yield
          }) : () -> ()
          %dma_wait3A_58 = arith.constant 0 : i32
          %dma_wait3A_59 = tpu.memref_slice %arg8[%add3A_46, %dma_wait3A_58] : memref<40x128xi32, #tpu.memory_space<vmem>> -> memref<1x128xi32, #tpu.memory_space<vmem>>
          %dma_wait3A_60 = tpu.memref_squeeze %dma_wait3A_59 : memref<1x128xi32, #tpu.memory_space<vmem>> -> memref<128xi32, #tpu.memory_space<vmem>>
          %dma_wait3A_61 = arith.constant 0 : i32
          %dma_wait3A_62 = arith.constant 0 : i32
          %dma_wait3A_63 = tpu.memref_slice %arg2[%dma_wait3A_61, %dma_wait3A_62] : memref<40000x128xf32, #tpu.memory_space<hbm>> -> memref<40000x128xf32, #tpu.memory_space<hbm>>
          tpu.wait_indirect_dma semaphore(%arg13 : memref<!tpu.dma_semaphore, #tpu.memory_space<semaphore_mem>>) src(%dma_wait3A_63 : memref<40000x128xf32, #tpu.memory_space<hbm>>) dst(%arg11 : memref<128x128xf32, #tpu.memory_space<vmem>>)
          %add3A_64 = arith.constant 1 : i32
          %add3A_65 = arith.addi %scan3A_42, %add3A_64 : i32
          %lt3A = arith.constant 20 : i32
          %lt3A_66 = arith.cmpi slt, %add3A_65, %lt3A : i32
          %convert_element_type3A = arith.extui %lt3A_66 : i1 to i32
          %cond3A = arith.constant 0 : i32
          %cond3A_67 = arith.cmpi ne, %convert_element_type3A, %cond3A : i32
          scf.if %cond3A_67 {
            %add3A_68 = arith.constant 2 : i32
            %add3A_69 = arith.addi %mul3A_44, %add3A_68 : i32
            %dma_start3A_70 = arith.constant 0 : i32
            %dma_start3A_71 = tpu.memref_slice %arg8[%add3A_69, %dma_start3A_70] : memref<40x128xi32, #tpu.memory_space<vmem>> -> memref<1x128xi32, #tpu.memory_space<vmem>>
            %dma_start3A_72 = tpu.memref_squeeze %dma_start3A_71 : memref<1x128xi32, #tpu.memory_space<vmem>> -> memref<128xi32, #tpu.memory_space<vmem>>
            %dma_start3A_73 = arith.constant 0 : i32
            %dma_start3A_74 = arith.constant 0 : i32
            %dma_start3A_75 = tpu.memref_slice %arg2[%dma_start3A_73, %dma_start3A_74] : memref<40000x128xf32, #tpu.memory_space<hbm>> -> memref<40000x128xf32, #tpu.memory_space<hbm>>
            tpu.enqueue_indirect_dma source(%dma_start3A_75 : memref<40000x128xf32, #tpu.memory_space<hbm>>) target(%arg10 : memref<128x128xf32, #tpu.memory_space<vmem>>) offsets(%dma_start3A_72 : memref<128xi32, #tpu.memory_space<vmem>>) semaphore(%arg12 : memref<!tpu.dma_semaphore, #tpu.memory_space<semaphore_mem>>)
          } else {
          }
          "tpu.region"() ({
            %run_scoped3A = tpu.sem_alloc : memref<!tpu.dma_semaphore, #tpu.memory_space<semaphore_mem>>
            %dma_start3A_68 = arith.constant 0 : i32
            %dma_start3A_69 = tpu.memref_slice %arg9[%add3A_46, %dma_start3A_68] : memref<40x128xi32, #tpu.memory_space<vmem>> -> memref<1x128xi32, #tpu.memory_space<vmem>>
            %dma_start3A_70 = tpu.memref_squeeze %dma_start3A_69 : memref<1x128xi32, #tpu.memory_space<vmem>> -> memref<128xi32, #tpu.memory_space<vmem>>
            %dma_start3A_71 = arith.constant 0 : i32
            %dma_start3A_72 = arith.constant 0 : i32
            %dma_start3A_73 = tpu.memref_slice %arg7[%dma_start3A_71, %dma_start3A_72] : memref<10240x128xf32, #tpu.memory_space<vmem_shared>> -> memref<10240x128xf32, #tpu.memory_space<vmem_shared>>
            tpu.enqueue_indirect_dma source(%arg11 : memref<128x128xf32, #tpu.memory_space<vmem>>) target(%dma_start3A_73 : memref<10240x128xf32, #tpu.memory_space<vmem_shared>>) offsets(%dma_start3A_70 : memref<128xi32, #tpu.memory_space<vmem>>) semaphore(%run_scoped3A : memref<!tpu.dma_semaphore, #tpu.memory_space<semaphore_mem>>) {add = true}
            %dma_wait3A_74 = arith.constant 0 : i32
            %dma_wait3A_75 = tpu.memref_slice %arg9[%add3A_46, %dma_wait3A_74] : memref<40x128xi32, #tpu.memory_space<vmem>> -> memref<1x128xi32, #tpu.memory_space<vmem>>
            %dma_wait3A_76 = tpu.memref_squeeze %dma_wait3A_75 : memref<1x128xi32, #tpu.memory_space<vmem>> -> memref<128xi32, #tpu.memory_space<vmem>>
            %dma_wait3A_77 = arith.constant 0 : i32
            %dma_wait3A_78 = arith.constant 0 : i32
            %dma_wait3A_79 = tpu.memref_slice %arg7[%dma_wait3A_77, %dma_wait3A_78] : memref<10240x128xf32, #tpu.memory_space<vmem_shared>> -> memref<10240x128xf32, #tpu.memory_space<vmem_shared>>
            tpu.wait_indirect_dma semaphore(%run_scoped3A : memref<!tpu.dma_semaphore, #tpu.memory_space<semaphore_mem>>) src(%arg11 : memref<128x128xf32, #tpu.memory_space<vmem>>) dst(%dma_wait3A_79 : memref<10240x128xf32, #tpu.memory_space<vmem_shared>>)
            tpu.yield
          }) : () -> ()
        }
        %scan3A_41 = arith.constant 20 : i32
      }
      %scan3A_14 = arith.constant 2 : i32
      %barrier3A_15 = arith.constant 0 : index
      tpu.barrier barrier_id(%barrier3A_15)
      %mul3A_16 = arith.constant 640 : i32
      %mul3A_17 = arith.muli %arg1, %mul3A_16 : i32
      %mul3A_18 = arith.constant 640 : i32
      %mul3A_19 = arith.muli %arg1, %mul3A_18 : i32
      "tpu.region"() ({
        %run_scoped3A = tpu.sem_alloc : memref<!tpu.dma_semaphore, #tpu.memory_space<semaphore_mem>>
        %dma_start3A = arith.constant 0 : i32
        %dma_start3A_20 = tpu.memref_slice %arg6[%add3A, %mul3A_19, %dma_start3A] : memref<4x10240x128xf32, #tpu.memory_space<hbm>> -> memref<1x640x128xf32, #tpu.memory_space<hbm>>
        %dma_start3A_21 = tpu.memref_squeeze %dma_start3A_20 : memref<1x640x128xf32, #tpu.memory_space<hbm>> -> memref<640x128xf32, #tpu.memory_space<hbm>>
        %dma_start3A_22 = arith.constant 0 : i32
        %dma_start3A_23 = tpu.memref_slice %arg7[%mul3A_17, %dma_start3A_22] : memref<10240x128xf32, #tpu.memory_space<vmem_shared>> -> memref<640x128xf32, #tpu.memory_space<vmem_shared>>
        tpu.enqueue_dma source(%dma_start3A_23 : memref<640x128xf32, #tpu.memory_space<vmem_shared>>) target(%dma_start3A_21 : memref<640x128xf32, #tpu.memory_space<hbm>>) target_semaphore(%run_scoped3A : memref<!tpu.dma_semaphore, #tpu.memory_space<semaphore_mem>>)
        %dma_wait3A = arith.constant 0 : i32
        %dma_wait3A_24 = tpu.memref_slice %arg6[%add3A, %mul3A_19, %dma_wait3A] : memref<4x10240x128xf32, #tpu.memory_space<hbm>> -> memref<1x640x128xf32, #tpu.memory_space<hbm>>
        %dma_wait3A_25 = tpu.memref_squeeze %dma_wait3A_24 : memref<1x640x128xf32, #tpu.memory_space<hbm>> -> memref<640x128xf32, #tpu.memory_space<hbm>>
        %dma_wait3A_26 = arith.constant 0 : i32
        %dma_wait3A_27 = tpu.memref_slice %arg7[%mul3A_17, %dma_wait3A_26] : memref<10240x128xf32, #tpu.memory_space<vmem_shared>> -> memref<640x128xf32, #tpu.memory_space<vmem_shared>>
        tpu.wait_dma2 semaphore(%run_scoped3A : memref<!tpu.dma_semaphore, #tpu.memory_space<semaphore_mem>>) src(%dma_wait3A_27 : memref<640x128xf32, #tpu.memory_space<vmem_shared>>) dst(%dma_wait3A_25 : memref<640x128xf32, #tpu.memory_space<hbm>>)
        tpu.yield
      }) : () -> ()
    }
    %scan3A_4 = arith.constant 2 : i32
    return
  }
}

#map = affine_map<(d0, d1) -> (0, 0)>
#map1 = affine_map<(d0, d1) -> (0, 0, 0)>
module attributes {stable_mosaic.version = 14 : i64} {
  func.func @segsum(%arg0: i32, %arg1: i32, %arg2: memref<40000x128xf32, #tpu.memory_space<hbm>>, %arg3: memref<128x40x128xi32, #tpu.memory_space<hbm>>, %arg4: memref<32x40x128xi32, #tpu.memory_space<hbm>>, %arg5: memref<640x128xf32, #tpu.memory_space<hbm>>, %arg6: memref<4x10240x128xf32, #tpu.memory_space<hbm>>, %arg7: memref<10240x128xf32, #tpu.memory_space<vmem_shared>>, %arg8: memref<40x128xi32, #tpu.memory_space<vmem>>, %arg9: memref<40x128xi32, #tpu.memory_space<vmem>>, %arg10: memref<128x128xf32, #tpu.memory_space<vmem>>, %arg11: memref<128x128xf32, #tpu.memory_space<vmem>>, %arg12: memref<!tpu.dma_semaphore, #tpu.memory_space<semaphore_mem>>, %arg13: memref<!tpu.dma_semaphore, #tpu.memory_space<semaphore_mem>>) attributes {dimension_semantics = [#tpu.dimension_semantics<core_parallel>, #tpu.dimension_semantics<subcore_parallel>], iteration_bounds = array<i64: 2, 16>, scalar_prefetch = 0 : i64, scratch_operands = 7 : i64, tpu.core_type = #tpu.core_type<sc_vector_subcore>, window_params = [{transform_indices = #map}, {transform_indices = #map1}, {transform_indices = #map1}, {transform_indices = #map}, {transform_indices = #map1}]} {
    %scan3A = arith.constant 0 : i32
    %scan3A_0 = arith.constant 0 : i32
    %scan3A_1 = arith.constant 2 : i32
    %scan3A_2 = arith.addi %scan3A_0, %scan3A_1 : i32
    %scan3A_3 = arith.constant 1 : i32
    scf.for %scan3A_5 = %scan3A_0 to %scan3A_2 step %scan3A_3  : i32 {
      %mul3A = arith.constant 2 : i32
      %mul3A_6 = arith.muli %arg0, %mul3A : i32
      %add3A = arith.addi %mul3A_6, %scan3A_5 : i32
      %mul3A_7 = arith.constant 640 : i32
      %mul3A_8 = arith.muli %arg1, %mul3A_7 : i32
      "tpu.region"() ({
        %run_scoped3A = tpu.sem_alloc : memref<!tpu.dma_semaphore, #tpu.memory_space<semaphore_mem>>
        %dma_start3A = arith.constant 0 : i32
        %dma_start3A_20 = tpu.memref_slice %arg7[%mul3A_8, %dma_start3A] : memref<10240x128xf32, #tpu.memory_space<vmem_shared>> -> memref<640x128xf32, #tpu.memory_space<vmem_shared>>
        tpu.enqueue_dma source(%arg5 : memref<640x128xf32, #tpu.memory_space<hbm>>) target(%dma_start3A_20 : memref<640x128xf32, #tpu.memory_space<vmem_shared>>) target_semaphore(%run_scoped3A : memref<!tpu.dma_semaphore, #tpu.memory_space<semaphore_mem>>)
        %dma_wait3A = arith.constant 0 : i32
        %dma_wait3A_21 = tpu.memref_slice %arg7[%mul3A_8, %dma_wait3A] : memref<10240x128xf32, #tpu.memory_space<vmem_shared>> -> memref<640x128xf32, #tpu.memory_space<vmem_shared>>
        tpu.wait_dma2 semaphore(%run_scoped3A : memref<!tpu.dma_semaphore, #tpu.memory_space<semaphore_mem>>) src(%arg5 : memref<640x128xf32, #tpu.memory_space<hbm>>) dst(%dma_wait3A_21 : memref<640x128xf32, #tpu.memory_space<vmem_shared>>)
        tpu.yield
      }) : () -> ()
      %barrier3A = arith.constant 0 : index
      tpu.barrier barrier_id(%barrier3A)
      %scan3A_9 = arith.constant 0 : i32
      %scan3A_10 = arith.constant 0 : i32
      %scan3A_11 = arith.constant 2 : i32
      %scan3A_12 = arith.addi %scan3A_10, %scan3A_11 : i32
      %scan3A_13 = arith.constant 1 : i32
      scf.for %scan3A_20 = %scan3A_10 to %scan3A_12 step %scan3A_13  : i32 {
        %mul3A_21 = arith.constant 2 : i32
        %mul3A_22 = arith.muli %add3A, %mul3A_21 : i32
        %add3A_23 = arith.addi %mul3A_22, %scan3A_20 : i32
        %mul3A_24 = arith.constant 16 : i32
        %mul3A_25 = arith.muli %add3A_23, %mul3A_24 : i32
        %add3A_26 = arith.addi %mul3A_25, %arg1 : i32
        "tpu.region"() ({
          %run_scoped3A = tpu.sem_alloc : memref<!tpu.dma_semaphore, #tpu.memory_space<semaphore_mem>>
          %dma_start3A_42 = arith.constant 0 : i32
          %dma_start3A_43 = arith.constant 0 : i32
          %dma_start3A_44 = tpu.memref_slice %arg3[%add3A_26, %dma_start3A_42, %dma_start3A_43] : memref<128x40x128xi32, #tpu.memory_space<hbm>> -> memref<1x40x128xi32, #tpu.memory_space<hbm>>
          %dma_start3A_45 = tpu.memref_squeeze %dma_start3A_44 : memref<1x40x128xi32, #tpu.memory_space<hbm>> -> memref<40x128xi32, #tpu.memory_space<hbm>>
          %dma_start3A_46 = arith.constant 0 : i32
          %dma_start3A_47 = arith.constant 0 : i32
          %dma_start3A_48 = tpu.memref_slice %arg3[%add3A_26, %dma_start3A_46, %dma_start3A_47] : memref<128x40x128xi32, #tpu.memory_space<hbm>> -> memref<1x40x128xi32, #tpu.memory_space<hbm>>
          %dma_start3A_49 = tpu.memref_squeeze %dma_start3A_48 : memref<1x40x128xi32, #tpu.memory_space<hbm>> -> memref<40x128xi32, #tpu.memory_space<hbm>>
          tpu.enqueue_dma source(%dma_start3A_49 : memref<40x128xi32, #tpu.memory_space<hbm>>) target(%arg8 : memref<40x128xi32, #tpu.memory_space<vmem>>) target_semaphore(%run_scoped3A : memref<!tpu.dma_semaphore, #tpu.memory_space<semaphore_mem>>)
          %dma_wait3A = arith.constant 0 : i32
          %dma_wait3A_50 = arith.constant 0 : i32
          %dma_wait3A_51 = tpu.memref_slice %arg3[%add3A_26, %dma_wait3A, %dma_wait3A_50] : memref<128x40x128xi32, #tpu.memory_space<hbm>> -> memref<1x40x128xi32, #tpu.memory_space<hbm>>
          %dma_wait3A_52 = tpu.memref_squeeze %dma_wait3A_51 : memref<1x40x128xi32, #tpu.memory_space<hbm>> -> memref<40x128xi32, #tpu.memory_space<hbm>>
          %dma_wait3A_53 = arith.constant 0 : i32
          %dma_wait3A_54 = arith.constant 0 : i32
          %dma_wait3A_55 = tpu.memref_slice %arg3[%add3A_26, %dma_wait3A_53, %dma_wait3A_54] : memref<128x40x128xi32, #tpu.memory_space<hbm>> -> memref<1x40x128xi32, #tpu.memory_space<hbm>>
          %dma_wait3A_56 = tpu.memref_squeeze %dma_wait3A_55 : memref<1x40x128xi32, #tpu.memory_space<hbm>> -> memref<40x128xi32, #tpu.memory_space<hbm>>
          tpu.wait_dma2 semaphore(%run_scoped3A : memref<!tpu.dma_semaphore, #tpu.memory_space<semaphore_mem>>) src(%dma_wait3A_56 : memref<40x128xi32, #tpu.memory_space<hbm>>) dst(%arg8 : memref<40x128xi32, #tpu.memory_space<vmem>>)
          tpu.yield
        }) : () -> ()
        %mul3A_27 = arith.constant 16 : i32
        %mul3A_28 = arith.muli %scan3A_20, %mul3A_27 : i32
        %add3A_29 = arith.addi %mul3A_28, %arg1 : i32
        "tpu.region"() ({
          %run_scoped3A = tpu.sem_alloc : memref<!tpu.dma_semaphore, #tpu.memory_space<semaphore_mem>>
          %dma_start3A_42 = arith.constant 0 : i32
          %dma_start3A_43 = arith.constant 0 : i32
          %dma_start3A_44 = tpu.memref_slice %arg4[%add3A_29, %dma_start3A_42, %dma_start3A_43] : memref<32x40x128xi32, #tpu.memory_space<hbm>> -> memref<1x40x128xi32, #tpu.memory_space<hbm>>
          %dma_start3A_45 = tpu.memref_squeeze %dma_start3A_44 : memref<1x40x128xi32, #tpu.memory_space<hbm>> -> memref<40x128xi32, #tpu.memory_space<hbm>>
          %dma_start3A_46 = arith.constant 0 : i32
          %dma_start3A_47 = arith.constant 0 : i32
          %dma_start3A_48 = tpu.memref_slice %arg4[%add3A_29, %dma_start3A_46, %dma_start3A_47] : memref<32x40x128xi32, #tpu.memory_space<hbm>> -> memref<1x40x128xi32, #tpu.memory_space<hbm>>
          %dma_start3A_49 = tpu.memref_squeeze %dma_start3A_48 : memref<1x40x128xi32, #tpu.memory_space<hbm>> -> memref<40x128xi32, #tpu.memory_space<hbm>>
          tpu.enqueue_dma source(%dma_start3A_49 : memref<40x128xi32, #tpu.memory_space<hbm>>) target(%arg9 : memref<40x128xi32, #tpu.memory_space<vmem>>) target_semaphore(%run_scoped3A : memref<!tpu.dma_semaphore, #tpu.memory_space<semaphore_mem>>)
          %dma_wait3A = arith.constant 0 : i32
          %dma_wait3A_50 = arith.constant 0 : i32
          %dma_wait3A_51 = tpu.memref_slice %arg4[%add3A_29, %dma_wait3A, %dma_wait3A_50] : memref<32x40x128xi32, #tpu.memory_space<hbm>> -> memref<1x40x128xi32, #tpu.memory_space<hbm>>
          %dma_wait3A_52 = tpu.memref_squeeze %dma_wait3A_51 : memref<1x40x128xi32, #tpu.memory_space<hbm>> -> memref<40x128xi32, #tpu.memory_space<hbm>>
          %dma_wait3A_53 = arith.constant 0 : i32
          %dma_wait3A_54 = arith.constant 0 : i32
          %dma_wait3A_55 = tpu.memref_slice %arg4[%add3A_29, %dma_wait3A_53, %dma_wait3A_54] : memref<32x40x128xi32, #tpu.memory_space<hbm>> -> memref<1x40x128xi32, #tpu.memory_space<hbm>>
          %dma_wait3A_56 = tpu.memref_squeeze %dma_wait3A_55 : memref<1x40x128xi32, #tpu.memory_space<hbm>> -> memref<40x128xi32, #tpu.memory_space<hbm>>
          tpu.wait_dma2 semaphore(%run_scoped3A : memref<!tpu.dma_semaphore, #tpu.memory_space<semaphore_mem>>) src(%dma_wait3A_56 : memref<40x128xi32, #tpu.memory_space<hbm>>) dst(%arg9 : memref<40x128xi32, #tpu.memory_space<vmem>>)
          tpu.yield
        }) : () -> ()
        %dma_start3A = arith.constant 0 : i32
        %dma_start3A_30 = arith.constant 0 : i32
        %dma_start3A_31 = tpu.memref_slice %arg8[%dma_start3A, %dma_start3A_30] : memref<40x128xi32, #tpu.memory_space<vmem>> -> memref<1x128xi32, #tpu.memory_space<vmem>>
        %dma_start3A_32 = tpu.memref_squeeze %dma_start3A_31 : memref<1x128xi32, #tpu.memory_space<vmem>> -> memref<128xi32, #tpu.memory_space<vmem>>
        %dma_start3A_33 = arith.constant 0 : i32
        %dma_start3A_34 = arith.constant 0 : i32
        %dma_start3A_35 = tpu.memref_slice %arg2[%dma_start3A_33, %dma_start3A_34] : memref<40000x128xf32, #tpu.memory_space<hbm>> -> memref<40000x128xf32, #tpu.memory_space<hbm>>
        tpu.enqueue_indirect_dma source(%dma_start3A_35 : memref<40000x128xf32, #tpu.memory_space<hbm>>) target(%arg10 : memref<128x128xf32, #tpu.memory_space<vmem>>) offsets(%dma_start3A_32 : memref<128xi32, #tpu.memory_space<vmem>>) semaphore(%arg12 : memref<!tpu.dma_semaphore, #tpu.memory_space<semaphore_mem>>)
        %scan3A_36 = arith.constant 0 : i32
        %scan3A_37 = arith.constant 0 : i32
        %scan3A_38 = arith.constant 20 : i32
        %scan3A_39 = arith.addi %scan3A_37, %scan3A_38 : i32
        %scan3A_40 = arith.constant 1 : i32
        scf.for %scan3A_42 = %scan3A_37 to %scan3A_39 step %scan3A_40  : i32 {
          %mul3A_43 = arith.constant 2 : i32
          %mul3A_44 = arith.muli %scan3A_42, %mul3A_43 : i32
          %add3A_45 = arith.constant 1 : i32
          %add3A_46 = arith.addi %mul3A_44, %add3A_45 : i32
          %dma_wait3A = arith.constant 0 : i32
          %dma_wait3A_47 = tpu.memref_slice %arg8[%mul3A_44, %dma_wait3A] : memref<40x128xi32, #tpu.memory_space<vmem>> -> memref<1x128xi32, #tpu.memory_space<vmem>>
          %dma_wait3A_48 = tpu.memref_squeeze %dma_wait3A_47 : memref<1x128xi32, #tpu.memory_space<vmem>> -> memref<128xi32, #tpu.memory_space<vmem>>
          %dma_wait3A_49 = arith.constant 0 : i32
          %dma_wait3A_50 = arith.constant 0 : i32
          %dma_wait3A_51 = tpu.memref_slice %arg2[%dma_wait3A_49, %dma_wait3A_50] : memref<40000x128xf32, #tpu.memory_space<hbm>> -> memref<40000x128xf32, #tpu.memory_space<hbm>>
          tpu.wait_indirect_dma semaphore(%arg12 : memref<!tpu.dma_semaphore, #tpu.memory_space<semaphore_mem>>) src(%dma_wait3A_51 : memref<40000x128xf32, #tpu.memory_space<hbm>>) dst(%arg10 : memref<128x128xf32, #tpu.memory_space<vmem>>)
          %dma_start3A_52 = arith.constant 0 : i32
          %dma_start3A_53 = tpu.memref_slice %arg8[%add3A_46, %dma_start3A_52] : memref<40x128xi32, #tpu.memory_space<vmem>> -> memref<1x128xi32, #tpu.memory_space<vmem>>
          %dma_start3A_54 = tpu.memref_squeeze %dma_start3A_53 : memref<1x128xi32, #tpu.memory_space<vmem>> -> memref<128xi32, #tpu.memory_space<vmem>>
          %dma_start3A_55 = arith.constant 0 : i32
          %dma_start3A_56 = arith.constant 0 : i32
          %dma_start3A_57 = tpu.memref_slice %arg2[%dma_start3A_55, %dma_start3A_56] : memref<40000x128xf32, #tpu.memory_space<hbm>> -> memref<40000x128xf32, #tpu.memory_space<hbm>>
          tpu.enqueue_indirect_dma source(%dma_start3A_57 : memref<40000x128xf32, #tpu.memory_space<hbm>>) target(%arg11 : memref<128x128xf32, #tpu.memory_space<vmem>>) offsets(%dma_start3A_54 : memref<128xi32, #tpu.memory_space<vmem>>) semaphore(%arg13 : memref<!tpu.dma_semaphore, #tpu.memory_space<semaphore_mem>>)
          "tpu.region"() ({
            %run_scoped3A = tpu.sem_alloc : memref<!tpu.dma_semaphore, #tpu.memory_space<semaphore_mem>>
            %dma_start3A_68 = arith.constant 0 : i32
            %dma_start3A_69 = tpu.memref_slice %arg9[%mul3A_44, %dma_start3A_68] : memref<40x128xi32, #tpu.memory_space<vmem>> -> memref<1x128xi32, #tpu.memory_space<vmem>>
            %dma_start3A_70 = tpu.memref_squeeze %dma_start3A_69 : memref<1x128xi32, #tpu.memory_space<vmem>> -> memref<128xi32, #tpu.memory_space<vmem>>
            %dma_start3A_71 = arith.constant 0 : i32
            %dma_start3A_72 = arith.constant 0 : i32
            %dma_start3A_73 = tpu.memref_slice %arg7[%dma_start3A_71, %dma_start3A_72] : memref<10240x128xf32, #tpu.memory_space<vmem_shared>> -> memref<10240x128xf32, #tpu.memory_space<vmem_shared>>
            tpu.enqueue_indirect_dma source(%arg10 : memref<128x128xf32, #tpu.memory_space<vmem>>) target(%dma_start3A_73 : memref<10240x128xf32, #tpu.memory_space<vmem_shared>>) offsets(%dma_start3A_70 : memref<128xi32, #tpu.memory_space<vmem>>) semaphore(%run_scoped3A : memref<!tpu.dma_semaphore, #tpu.memory_space<semaphore_mem>>) {add = true}
            %dma_wait3A_74 = arith.constant 0 : i32
            %dma_wait3A_75 = tpu.memref_slice %arg9[%mul3A_44, %dma_wait3A_74] : memref<40x128xi32, #tpu.memory_space<vmem>> -> memref<1x128xi32, #tpu.memory_space<vmem>>
            %dma_wait3A_76 = tpu.memref_squeeze %dma_wait3A_75 : memref<1x128xi32, #tpu.memory_space<vmem>> -> memref<128xi32, #tpu.memory_space<vmem>>
            %dma_wait3A_77 = arith.constant 0 : i32
            %dma_wait3A_78 = arith.constant 0 : i32
            %dma_wait3A_79 = tpu.memref_slice %arg7[%dma_wait3A_77, %dma_wait3A_78] : memref<10240x128xf32, #tpu.memory_space<vmem_shared>> -> memref<10240x128xf32, #tpu.memory_space<vmem_shared>>
            tpu.wait_indirect_dma semaphore(%run_scoped3A : memref<!tpu.dma_semaphore, #tpu.memory_space<semaphore_mem>>) src(%arg10 : memref<128x128xf32, #tpu.memory_space<vmem>>) dst(%dma_wait3A_79 : memref<10240x128xf32, #tpu.memory_space<vmem_shared>>)
            tpu.yield
          }) : () -> ()
          %dma_wait3A_58 = arith.constant 0 : i32
          %dma_wait3A_59 = tpu.memref_slice %arg8[%add3A_46, %dma_wait3A_58] : memref<40x128xi32, #tpu.memory_space<vmem>> -> memref<1x128xi32, #tpu.memory_space<vmem>>
          %dma_wait3A_60 = tpu.memref_squeeze %dma_wait3A_59 : memref<1x128xi32, #tpu.memory_space<vmem>> -> memref<128xi32, #tpu.memory_space<vmem>>
          %dma_wait3A_61 = arith.constant 0 : i32
          %dma_wait3A_62 = arith.constant 0 : i32
          %dma_wait3A_63 = tpu.memref_slice %arg2[%dma_wait3A_61, %dma_wait3A_62] : memref<40000x128xf32, #tpu.memory_space<hbm>> -> memref<40000x128xf32, #tpu.memory_space<hbm>>
          tpu.wait_indirect_dma semaphore(%arg13 : memref<!tpu.dma_semaphore, #tpu.memory_space<semaphore_mem>>) src(%dma_wait3A_63 : memref<40000x128xf32, #tpu.memory_space<hbm>>) dst(%arg11 : memref<128x128xf32, #tpu.memory_space<vmem>>)
          %add3A_64 = arith.constant 1 : i32
          %add3A_65 = arith.addi %scan3A_42, %add3A_64 : i32
          %lt3A = arith.constant 20 : i32
          %lt3A_66 = arith.cmpi slt, %add3A_65, %lt3A : i32
          %convert_element_type3A = arith.extui %lt3A_66 : i1 to i32
          %cond3A = arith.constant 0 : i32
          %cond3A_67 = arith.cmpi ne, %convert_element_type3A, %cond3A : i32
          scf.if %cond3A_67 {
            %add3A_68 = arith.constant 2 : i32
            %add3A_69 = arith.addi %mul3A_44, %add3A_68 : i32
            %dma_start3A_70 = arith.constant 0 : i32
            %dma_start3A_71 = tpu.memref_slice %arg8[%add3A_69, %dma_start3A_70] : memref<40x128xi32, #tpu.memory_space<vmem>> -> memref<1x128xi32, #tpu.memory_space<vmem>>
            %dma_start3A_72 = tpu.memref_squeeze %dma_start3A_71 : memref<1x128xi32, #tpu.memory_space<vmem>> -> memref<128xi32, #tpu.memory_space<vmem>>
            %dma_start3A_73 = arith.constant 0 : i32
            %dma_start3A_74 = arith.constant 0 : i32
            %dma_start3A_75 = tpu.memref_slice %arg2[%dma_start3A_73, %dma_start3A_74] : memref<40000x128xf32, #tpu.memory_space<hbm>> -> memref<40000x128xf32, #tpu.memory_space<hbm>>
            tpu.enqueue_indirect_dma source(%dma_start3A_75 : memref<40000x128xf32, #tpu.memory_space<hbm>>) target(%arg10 : memref<128x128xf32, #tpu.memory_space<vmem>>) offsets(%dma_start3A_72 : memref<128xi32, #tpu.memory_space<vmem>>) semaphore(%arg12 : memref<!tpu.dma_semaphore, #tpu.memory_space<semaphore_mem>>)
          } else {
          }
          "tpu.region"() ({
            %run_scoped3A = tpu.sem_alloc : memref<!tpu.dma_semaphore, #tpu.memory_space<semaphore_mem>>
            %dma_start3A_68 = arith.constant 0 : i32
            %dma_start3A_69 = tpu.memref_slice %arg9[%add3A_46, %dma_start3A_68] : memref<40x128xi32, #tpu.memory_space<vmem>> -> memref<1x128xi32, #tpu.memory_space<vmem>>
            %dma_start3A_70 = tpu.memref_squeeze %dma_start3A_69 : memref<1x128xi32, #tpu.memory_space<vmem>> -> memref<128xi32, #tpu.memory_space<vmem>>
            %dma_start3A_71 = arith.constant 0 : i32
            %dma_start3A_72 = arith.constant 0 : i32
            %dma_start3A_73 = tpu.memref_slice %arg7[%dma_start3A_71, %dma_start3A_72] : memref<10240x128xf32, #tpu.memory_space<vmem_shared>> -> memref<10240x128xf32, #tpu.memory_space<vmem_shared>>
            tpu.enqueue_indirect_dma source(%arg11 : memref<128x128xf32, #tpu.memory_space<vmem>>) target(%dma_start3A_73 : memref<10240x128xf32, #tpu.memory_space<vmem_shared>>) offsets(%dma_start3A_70 : memref<128xi32, #tpu.memory_space<vmem>>) semaphore(%run_scoped3A : memref<!tpu.dma_semaphore, #tpu.memory_space<semaphore_mem>>) {add = true}
            %dma_wait3A_74 = arith.constant 0 : i32
            %dma_wait3A_75 = tpu.memref_slice %arg9[%add3A_46, %dma_wait3A_74] : memref<40x128xi32, #tpu.memory_space<vmem>> -> memref<1x128xi32, #tpu.memory_space<vmem>>
            %dma_wait3A_76 = tpu.memref_squeeze %dma_wait3A_75 : memref<1x128xi32, #tpu.memory_space<vmem>> -> memref<128xi32, #tpu.memory_space<vmem>>
            %dma_wait3A_77 = arith.constant 0 : i32
            %dma_wait3A_78 = arith.constant 0 : i32
            %dma_wait3A_79 = tpu.memref_slice %arg7[%dma_wait3A_77, %dma_wait3A_78] : memref<10240x128xf32, #tpu.memory_space<vmem_shared>> -> memref<10240x128xf32, #tpu.memory_space<vmem_shared>>
            tpu.wait_indirect_dma semaphore(%run_scoped3A : memref<!tpu.dma_semaphore, #tpu.memory_space<semaphore_mem>>) src(%arg11 : memref<128x128xf32, #tpu.memory_space<vmem>>) dst(%dma_wait3A_79 : memref<10240x128xf32, #tpu.memory_space<vmem_shared>>)
            tpu.yield
          }) : () -> ()
        }
        %scan3A_41 = arith.constant 20 : i32
      }
      %scan3A_14 = arith.constant 2 : i32
      %barrier3A_15 = arith.constant 0 : index
      tpu.barrier barrier_id(%barrier3A_15)
      %mul3A_16 = arith.constant 640 : i32
      %mul3A_17 = arith.muli %arg1, %mul3A_16 : i32
      %mul3A_18 = arith.constant 640 : i32
      %mul3A_19 = arith.muli %arg1, %mul3A_18 : i32
      "tpu.region"() ({
        %run_scoped3A = tpu.sem_alloc : memref<!tpu.dma_semaphore, #tpu.memory_space<semaphore_mem>>
        %dma_start3A = arith.constant 0 : i32
        %dma_start3A_20 = tpu.memref_slice %arg6[%add3A, %mul3A_19, %dma_start3A] : memref<4x10240x128xf32, #tpu.memory_space<hbm>> -> memref<1x640x128xf32, #tpu.memory_space<hbm>>
        %dma_start3A_21 = tpu.memref_squeeze %dma_start3A_20 : memref<1x640x128xf32, #tpu.memory_space<hbm>> -> memref<640x128xf32, #tpu.memory_space<hbm>>
        %dma_start3A_22 = arith.constant 0 : i32
        %dma_start3A_23 = tpu.memref_slice %arg7[%mul3A_17, %dma_start3A_22] : memref<10240x128xf32, #tpu.memory_space<vmem_shared>> -> memref<640x128xf32, #tpu.memory_space<vmem_shared>>
        tpu.enqueue_dma source(%dma_start3A_23 : memref<640x128xf32, #tpu.memory_space<vmem_shared>>) target(%dma_start3A_21 : memref<640x128xf32, #tpu.memory_space<hbm>>) target_semaphore(%run_scoped3A : memref<!tpu.dma_semaphore, #tpu.memory_space<semaphore_mem>>)
        %dma_wait3A = arith.constant 0 : i32
        %dma_wait3A_24 = tpu.memref_slice %arg6[%add3A, %mul3A_19, %dma_wait3A] : memref<4x10240x128xf32, #tpu.memory_space<hbm>> -> memref<1x640x128xf32, #tpu.memory_space<hbm>>
        %dma_wait3A_25 = tpu.memref_squeeze %dma_wait3A_24 : memref<1x640x128xf32, #tpu.memory_space<hbm>> -> memref<640x128xf32, #tpu.memory_space<hbm>>
        %dma_wait3A_26 = arith.constant 0 : i32
        %dma_wait3A_27 = tpu.memref_slice %arg7[%mul3A_17, %dma_wait3A_26] : memref<10240x128xf32, #tpu.memory_space<vmem_shared>> -> memref<640x128xf32, #tpu.memory_space<vmem_shared>>
        tpu.wait_dma2 semaphore(%run_scoped3A : memref<!tpu.dma_semaphore, #tpu.memory_space<semaphore_mem>>) src(%dma_wait3A_27 : memref<640x128xf32, #tpu.memory_space<vmem_shared>>) dst(%dma_wait3A_25 : memref<640x128xf32, #tpu.memory_space<hbm>>)
        tpu.yield
      }) : () -> ()
    }
    %scan3A_4 = arith.constant 2 : i32
    return
  }
}

#map = affine_map<(d0, d1) -> (0, 0)>
#map1 = affine_map<(d0, d1) -> (0, 0, 0)>
module attributes {stable_mosaic.version = 14 : i64} {
  func.func @segsum(%arg0: i32, %arg1: i32, %arg2: memref<40000x128xf32, #tpu.memory_space<hbm>>, %arg3: memref<128x40x128xi32, #tpu.memory_space<hbm>>, %arg4: memref<32x40x128xi32, #tpu.memory_space<hbm>>, %arg5: memref<640x128xf32, #tpu.memory_space<hbm>>, %arg6: memref<4x10240x128xf32, #tpu.memory_space<hbm>>, %arg7: memref<10240x128xf32, #tpu.memory_space<vmem_shared>>, %arg8: memref<40x128xi32, #tpu.memory_space<vmem>>, %arg9: memref<40x128xi32, #tpu.memory_space<vmem>>, %arg10: memref<128x128xf32, #tpu.memory_space<vmem>>, %arg11: memref<128x128xf32, #tpu.memory_space<vmem>>, %arg12: memref<!tpu.dma_semaphore, #tpu.memory_space<semaphore_mem>>, %arg13: memref<!tpu.dma_semaphore, #tpu.memory_space<semaphore_mem>>) attributes {dimension_semantics = [#tpu.dimension_semantics<core_parallel>, #tpu.dimension_semantics<subcore_parallel>], iteration_bounds = array<i64: 2, 16>, scalar_prefetch = 0 : i64, scratch_operands = 7 : i64, tpu.core_type = #tpu.core_type<sc_vector_subcore>, window_params = [{transform_indices = #map}, {transform_indices = #map1}, {transform_indices = #map1}, {transform_indices = #map}, {transform_indices = #map1}]} {
    %scan3A = arith.constant 0 : i32
    %scan3A_0 = arith.constant 0 : i32
    %scan3A_1 = arith.constant 2 : i32
    %scan3A_2 = arith.addi %scan3A_0, %scan3A_1 : i32
    %scan3A_3 = arith.constant 1 : i32
    scf.for %scan3A_5 = %scan3A_0 to %scan3A_2 step %scan3A_3  : i32 {
      %mul3A = arith.constant 2 : i32
      %mul3A_6 = arith.muli %arg0, %mul3A : i32
      %add3A = arith.addi %mul3A_6, %scan3A_5 : i32
      %mul3A_7 = arith.constant 640 : i32
      %mul3A_8 = arith.muli %arg1, %mul3A_7 : i32
      "tpu.region"() ({
        %run_scoped3A = tpu.sem_alloc : memref<!tpu.dma_semaphore, #tpu.memory_space<semaphore_mem>>
        %dma_start3A = arith.constant 0 : i32
        %dma_start3A_20 = tpu.memref_slice %arg7[%mul3A_8, %dma_start3A] : memref<10240x128xf32, #tpu.memory_space<vmem_shared>> -> memref<640x128xf32, #tpu.memory_space<vmem_shared>>
        tpu.enqueue_dma source(%arg5 : memref<640x128xf32, #tpu.memory_space<hbm>>) target(%dma_start3A_20 : memref<640x128xf32, #tpu.memory_space<vmem_shared>>) target_semaphore(%run_scoped3A : memref<!tpu.dma_semaphore, #tpu.memory_space<semaphore_mem>>)
        %dma_wait3A = arith.constant 0 : i32
        %dma_wait3A_21 = tpu.memref_slice %arg7[%mul3A_8, %dma_wait3A] : memref<10240x128xf32, #tpu.memory_space<vmem_shared>> -> memref<640x128xf32, #tpu.memory_space<vmem_shared>>
        tpu.wait_dma2 semaphore(%run_scoped3A : memref<!tpu.dma_semaphore, #tpu.memory_space<semaphore_mem>>) src(%arg5 : memref<640x128xf32, #tpu.memory_space<hbm>>) dst(%dma_wait3A_21 : memref<640x128xf32, #tpu.memory_space<vmem_shared>>)
        tpu.yield
      }) : () -> ()
      %barrier3A = arith.constant 0 : index
      tpu.barrier barrier_id(%barrier3A)
      %scan3A_9 = arith.constant 0 : i32
      %scan3A_10 = arith.constant 0 : i32
      %scan3A_11 = arith.constant 2 : i32
      %scan3A_12 = arith.addi %scan3A_10, %scan3A_11 : i32
      %scan3A_13 = arith.constant 1 : i32
      scf.for %scan3A_20 = %scan3A_10 to %scan3A_12 step %scan3A_13  : i32 {
        %mul3A_21 = arith.constant 2 : i32
        %mul3A_22 = arith.muli %add3A, %mul3A_21 : i32
        %add3A_23 = arith.addi %mul3A_22, %scan3A_20 : i32
        %mul3A_24 = arith.constant 16 : i32
        %mul3A_25 = arith.muli %add3A_23, %mul3A_24 : i32
        %add3A_26 = arith.addi %mul3A_25, %arg1 : i32
        "tpu.region"() ({
          %run_scoped3A = tpu.sem_alloc : memref<!tpu.dma_semaphore, #tpu.memory_space<semaphore_mem>>
          %dma_start3A_42 = arith.constant 0 : i32
          %dma_start3A_43 = arith.constant 0 : i32
          %dma_start3A_44 = tpu.memref_slice %arg3[%add3A_26, %dma_start3A_42, %dma_start3A_43] : memref<128x40x128xi32, #tpu.memory_space<hbm>> -> memref<1x40x128xi32, #tpu.memory_space<hbm>>
          %dma_start3A_45 = tpu.memref_squeeze %dma_start3A_44 : memref<1x40x128xi32, #tpu.memory_space<hbm>> -> memref<40x128xi32, #tpu.memory_space<hbm>>
          %dma_start3A_46 = arith.constant 0 : i32
          %dma_start3A_47 = arith.constant 0 : i32
          %dma_start3A_48 = tpu.memref_slice %arg3[%add3A_26, %dma_start3A_46, %dma_start3A_47] : memref<128x40x128xi32, #tpu.memory_space<hbm>> -> memref<1x40x128xi32, #tpu.memory_space<hbm>>
          %dma_start3A_49 = tpu.memref_squeeze %dma_start3A_48 : memref<1x40x128xi32, #tpu.memory_space<hbm>> -> memref<40x128xi32, #tpu.memory_space<hbm>>
          tpu.enqueue_dma source(%dma_start3A_49 : memref<40x128xi32, #tpu.memory_space<hbm>>) target(%arg8 : memref<40x128xi32, #tpu.memory_space<vmem>>) target_semaphore(%run_scoped3A : memref<!tpu.dma_semaphore, #tpu.memory_space<semaphore_mem>>)
          %dma_wait3A = arith.constant 0 : i32
          %dma_wait3A_50 = arith.constant 0 : i32
          %dma_wait3A_51 = tpu.memref_slice %arg3[%add3A_26, %dma_wait3A, %dma_wait3A_50] : memref<128x40x128xi32, #tpu.memory_space<hbm>> -> memref<1x40x128xi32, #tpu.memory_space<hbm>>
          %dma_wait3A_52 = tpu.memref_squeeze %dma_wait3A_51 : memref<1x40x128xi32, #tpu.memory_space<hbm>> -> memref<40x128xi32, #tpu.memory_space<hbm>>
          %dma_wait3A_53 = arith.constant 0 : i32
          %dma_wait3A_54 = arith.constant 0 : i32
          %dma_wait3A_55 = tpu.memref_slice %arg3[%add3A_26, %dma_wait3A_53, %dma_wait3A_54] : memref<128x40x128xi32, #tpu.memory_space<hbm>> -> memref<1x40x128xi32, #tpu.memory_space<hbm>>
          %dma_wait3A_56 = tpu.memref_squeeze %dma_wait3A_55 : memref<1x40x128xi32, #tpu.memory_space<hbm>> -> memref<40x128xi32, #tpu.memory_space<hbm>>
          tpu.wait_dma2 semaphore(%run_scoped3A : memref<!tpu.dma_semaphore, #tpu.memory_space<semaphore_mem>>) src(%dma_wait3A_56 : memref<40x128xi32, #tpu.memory_space<hbm>>) dst(%arg8 : memref<40x128xi32, #tpu.memory_space<vmem>>)
          tpu.yield
        }) : () -> ()
        %mul3A_27 = arith.constant 16 : i32
        %mul3A_28 = arith.muli %scan3A_20, %mul3A_27 : i32
        %add3A_29 = arith.addi %mul3A_28, %arg1 : i32
        "tpu.region"() ({
          %run_scoped3A = tpu.sem_alloc : memref<!tpu.dma_semaphore, #tpu.memory_space<semaphore_mem>>
          %dma_start3A_42 = arith.constant 0 : i32
          %dma_start3A_43 = arith.constant 0 : i32
          %dma_start3A_44 = tpu.memref_slice %arg4[%add3A_29, %dma_start3A_42, %dma_start3A_43] : memref<32x40x128xi32, #tpu.memory_space<hbm>> -> memref<1x40x128xi32, #tpu.memory_space<hbm>>
          %dma_start3A_45 = tpu.memref_squeeze %dma_start3A_44 : memref<1x40x128xi32, #tpu.memory_space<hbm>> -> memref<40x128xi32, #tpu.memory_space<hbm>>
          %dma_start3A_46 = arith.constant 0 : i32
          %dma_start3A_47 = arith.constant 0 : i32
          %dma_start3A_48 = tpu.memref_slice %arg4[%add3A_29, %dma_start3A_46, %dma_start3A_47] : memref<32x40x128xi32, #tpu.memory_space<hbm>> -> memref<1x40x128xi32, #tpu.memory_space<hbm>>
          %dma_start3A_49 = tpu.memref_squeeze %dma_start3A_48 : memref<1x40x128xi32, #tpu.memory_space<hbm>> -> memref<40x128xi32, #tpu.memory_space<hbm>>
          tpu.enqueue_dma source(%dma_start3A_49 : memref<40x128xi32, #tpu.memory_space<hbm>>) target(%arg9 : memref<40x128xi32, #tpu.memory_space<vmem>>) target_semaphore(%run_scoped3A : memref<!tpu.dma_semaphore, #tpu.memory_space<semaphore_mem>>)
          %dma_wait3A = arith.constant 0 : i32
          %dma_wait3A_50 = arith.constant 0 : i32
          %dma_wait3A_51 = tpu.memref_slice %arg4[%add3A_29, %dma_wait3A, %dma_wait3A_50] : memref<32x40x128xi32, #tpu.memory_space<hbm>> -> memref<1x40x128xi32, #tpu.memory_space<hbm>>
          %dma_wait3A_52 = tpu.memref_squeeze %dma_wait3A_51 : memref<1x40x128xi32, #tpu.memory_space<hbm>> -> memref<40x128xi32, #tpu.memory_space<hbm>>
          %dma_wait3A_53 = arith.constant 0 : i32
          %dma_wait3A_54 = arith.constant 0 : i32
          %dma_wait3A_55 = tpu.memref_slice %arg4[%add3A_29, %dma_wait3A_53, %dma_wait3A_54] : memref<32x40x128xi32, #tpu.memory_space<hbm>> -> memref<1x40x128xi32, #tpu.memory_space<hbm>>
          %dma_wait3A_56 = tpu.memref_squeeze %dma_wait3A_55 : memref<1x40x128xi32, #tpu.memory_space<hbm>> -> memref<40x128xi32, #tpu.memory_space<hbm>>
          tpu.wait_dma2 semaphore(%run_scoped3A : memref<!tpu.dma_semaphore, #tpu.memory_space<semaphore_mem>>) src(%dma_wait3A_56 : memref<40x128xi32, #tpu.memory_space<hbm>>) dst(%arg9 : memref<40x128xi32, #tpu.memory_space<vmem>>)
          tpu.yield
        }) : () -> ()
        %dma_start3A = arith.constant 0 : i32
        %dma_start3A_30 = arith.constant 0 : i32
        %dma_start3A_31 = tpu.memref_slice %arg8[%dma_start3A, %dma_start3A_30] : memref<40x128xi32, #tpu.memory_space<vmem>> -> memref<1x128xi32, #tpu.memory_space<vmem>>
        %dma_start3A_32 = tpu.memref_squeeze %dma_start3A_31 : memref<1x128xi32, #tpu.memory_space<vmem>> -> memref<128xi32, #tpu.memory_space<vmem>>
        %dma_start3A_33 = arith.constant 0 : i32
        %dma_start3A_34 = arith.constant 0 : i32
        %dma_start3A_35 = tpu.memref_slice %arg2[%dma_start3A_33, %dma_start3A_34] : memref<40000x128xf32, #tpu.memory_space<hbm>> -> memref<40000x128xf32, #tpu.memory_space<hbm>>
        tpu.enqueue_indirect_dma source(%dma_start3A_35 : memref<40000x128xf32, #tpu.memory_space<hbm>>) target(%arg10 : memref<128x128xf32, #tpu.memory_space<vmem>>) offsets(%dma_start3A_32 : memref<128xi32, #tpu.memory_space<vmem>>) semaphore(%arg12 : memref<!tpu.dma_semaphore, #tpu.memory_space<semaphore_mem>>)
        %scan3A_36 = arith.constant 0 : i32
        %scan3A_37 = arith.constant 0 : i32
        %scan3A_38 = arith.constant 20 : i32
        %scan3A_39 = arith.addi %scan3A_37, %scan3A_38 : i32
        %scan3A_40 = arith.constant 1 : i32
        scf.for %scan3A_42 = %scan3A_37 to %scan3A_39 step %scan3A_40  : i32 {
          %mul3A_43 = arith.constant 2 : i32
          %mul3A_44 = arith.muli %scan3A_42, %mul3A_43 : i32
          %add3A_45 = arith.constant 1 : i32
          %add3A_46 = arith.addi %mul3A_44, %add3A_45 : i32
          %dma_wait3A = arith.constant 0 : i32
          %dma_wait3A_47 = tpu.memref_slice %arg8[%mul3A_44, %dma_wait3A] : memref<40x128xi32, #tpu.memory_space<vmem>> -> memref<1x128xi32, #tpu.memory_space<vmem>>
          %dma_wait3A_48 = tpu.memref_squeeze %dma_wait3A_47 : memref<1x128xi32, #tpu.memory_space<vmem>> -> memref<128xi32, #tpu.memory_space<vmem>>
          %dma_wait3A_49 = arith.constant 0 : i32
          %dma_wait3A_50 = arith.constant 0 : i32
          %dma_wait3A_51 = tpu.memref_slice %arg2[%dma_wait3A_49, %dma_wait3A_50] : memref<40000x128xf32, #tpu.memory_space<hbm>> -> memref<40000x128xf32, #tpu.memory_space<hbm>>
          tpu.wait_indirect_dma semaphore(%arg12 : memref<!tpu.dma_semaphore, #tpu.memory_space<semaphore_mem>>) src(%dma_wait3A_51 : memref<40000x128xf32, #tpu.memory_space<hbm>>) dst(%arg10 : memref<128x128xf32, #tpu.memory_space<vmem>>)
          %dma_start3A_52 = arith.constant 0 : i32
          %dma_start3A_53 = tpu.memref_slice %arg8[%add3A_46, %dma_start3A_52] : memref<40x128xi32, #tpu.memory_space<vmem>> -> memref<1x128xi32, #tpu.memory_space<vmem>>
          %dma_start3A_54 = tpu.memref_squeeze %dma_start3A_53 : memref<1x128xi32, #tpu.memory_space<vmem>> -> memref<128xi32, #tpu.memory_space<vmem>>
          %dma_start3A_55 = arith.constant 0 : i32
          %dma_start3A_56 = arith.constant 0 : i32
          %dma_start3A_57 = tpu.memref_slice %arg2[%dma_start3A_55, %dma_start3A_56] : memref<40000x128xf32, #tpu.memory_space<hbm>> -> memref<40000x128xf32, #tpu.memory_space<hbm>>
          tpu.enqueue_indirect_dma source(%dma_start3A_57 : memref<40000x128xf32, #tpu.memory_space<hbm>>) target(%arg11 : memref<128x128xf32, #tpu.memory_space<vmem>>) offsets(%dma_start3A_54 : memref<128xi32, #tpu.memory_space<vmem>>) semaphore(%arg13 : memref<!tpu.dma_semaphore, #tpu.memory_space<semaphore_mem>>)
          "tpu.region"() ({
            %run_scoped3A = tpu.sem_alloc : memref<!tpu.dma_semaphore, #tpu.memory_space<semaphore_mem>>
            %dma_start3A_68 = arith.constant 0 : i32
            %dma_start3A_69 = tpu.memref_slice %arg9[%mul3A_44, %dma_start3A_68] : memref<40x128xi32, #tpu.memory_space<vmem>> -> memref<1x128xi32, #tpu.memory_space<vmem>>
            %dma_start3A_70 = tpu.memref_squeeze %dma_start3A_69 : memref<1x128xi32, #tpu.memory_space<vmem>> -> memref<128xi32, #tpu.memory_space<vmem>>
            %dma_start3A_71 = arith.constant 0 : i32
            %dma_start3A_72 = arith.constant 0 : i32
            %dma_start3A_73 = tpu.memref_slice %arg7[%dma_start3A_71, %dma_start3A_72] : memref<10240x128xf32, #tpu.memory_space<vmem_shared>> -> memref<10240x128xf32, #tpu.memory_space<vmem_shared>>
            tpu.enqueue_indirect_dma source(%arg10 : memref<128x128xf32, #tpu.memory_space<vmem>>) target(%dma_start3A_73 : memref<10240x128xf32, #tpu.memory_space<vmem_shared>>) offsets(%dma_start3A_70 : memref<128xi32, #tpu.memory_space<vmem>>) semaphore(%run_scoped3A : memref<!tpu.dma_semaphore, #tpu.memory_space<semaphore_mem>>) {add = true}
            %dma_wait3A_74 = arith.constant 0 : i32
            %dma_wait3A_75 = tpu.memref_slice %arg9[%mul3A_44, %dma_wait3A_74] : memref<40x128xi32, #tpu.memory_space<vmem>> -> memref<1x128xi32, #tpu.memory_space<vmem>>
            %dma_wait3A_76 = tpu.memref_squeeze %dma_wait3A_75 : memref<1x128xi32, #tpu.memory_space<vmem>> -> memref<128xi32, #tpu.memory_space<vmem>>
            %dma_wait3A_77 = arith.constant 0 : i32
            %dma_wait3A_78 = arith.constant 0 : i32
            %dma_wait3A_79 = tpu.memref_slice %arg7[%dma_wait3A_77, %dma_wait3A_78] : memref<10240x128xf32, #tpu.memory_space<vmem_shared>> -> memref<10240x128xf32, #tpu.memory_space<vmem_shared>>
            tpu.wait_indirect_dma semaphore(%run_scoped3A : memref<!tpu.dma_semaphore, #tpu.memory_space<semaphore_mem>>) src(%arg10 : memref<128x128xf32, #tpu.memory_space<vmem>>) dst(%dma_wait3A_79 : memref<10240x128xf32, #tpu.memory_space<vmem_shared>>)
            tpu.yield
          }) : () -> ()
          %dma_wait3A_58 = arith.constant 0 : i32
          %dma_wait3A_59 = tpu.memref_slice %arg8[%add3A_46, %dma_wait3A_58] : memref<40x128xi32, #tpu.memory_space<vmem>> -> memref<1x128xi32, #tpu.memory_space<vmem>>
          %dma_wait3A_60 = tpu.memref_squeeze %dma_wait3A_59 : memref<1x128xi32, #tpu.memory_space<vmem>> -> memref<128xi32, #tpu.memory_space<vmem>>
          %dma_wait3A_61 = arith.constant 0 : i32
          %dma_wait3A_62 = arith.constant 0 : i32
          %dma_wait3A_63 = tpu.memref_slice %arg2[%dma_wait3A_61, %dma_wait3A_62] : memref<40000x128xf32, #tpu.memory_space<hbm>> -> memref<40000x128xf32, #tpu.memory_space<hbm>>
          tpu.wait_indirect_dma semaphore(%arg13 : memref<!tpu.dma_semaphore, #tpu.memory_space<semaphore_mem>>) src(%dma_wait3A_63 : memref<40000x128xf32, #tpu.memory_space<hbm>>) dst(%arg11 : memref<128x128xf32, #tpu.memory_space<vmem>>)
          %add3A_64 = arith.constant 1 : i32
          %add3A_65 = arith.addi %scan3A_42, %add3A_64 : i32
          %lt3A = arith.constant 20 : i32
          %lt3A_66 = arith.cmpi slt, %add3A_65, %lt3A : i32
          %convert_element_type3A = arith.extui %lt3A_66 : i1 to i32
          %cond3A = arith.constant 0 : i32
          %cond3A_67 = arith.cmpi ne, %convert_element_type3A, %cond3A : i32
          scf.if %cond3A_67 {
            %add3A_68 = arith.constant 2 : i32
            %add3A_69 = arith.addi %mul3A_44, %add3A_68 : i32
            %dma_start3A_70 = arith.constant 0 : i32
            %dma_start3A_71 = tpu.memref_slice %arg8[%add3A_69, %dma_start3A_70] : memref<40x128xi32, #tpu.memory_space<vmem>> -> memref<1x128xi32, #tpu.memory_space<vmem>>
            %dma_start3A_72 = tpu.memref_squeeze %dma_start3A_71 : memref<1x128xi32, #tpu.memory_space<vmem>> -> memref<128xi32, #tpu.memory_space<vmem>>
            %dma_start3A_73 = arith.constant 0 : i32
            %dma_start3A_74 = arith.constant 0 : i32
            %dma_start3A_75 = tpu.memref_slice %arg2[%dma_start3A_73, %dma_start3A_74] : memref<40000x128xf32, #tpu.memory_space<hbm>> -> memref<40000x128xf32, #tpu.memory_space<hbm>>
            tpu.enqueue_indirect_dma source(%dma_start3A_75 : memref<40000x128xf32, #tpu.memory_space<hbm>>) target(%arg10 : memref<128x128xf32, #tpu.memory_space<vmem>>) offsets(%dma_start3A_72 : memref<128xi32, #tpu.memory_space<vmem>>) semaphore(%arg12 : memref<!tpu.dma_semaphore, #tpu.memory_space<semaphore_mem>>)
          } else {
          }
          "tpu.region"() ({
            %run_scoped3A = tpu.sem_alloc : memref<!tpu.dma_semaphore, #tpu.memory_space<semaphore_mem>>
            %dma_start3A_68 = arith.constant 0 : i32
            %dma_start3A_69 = tpu.memref_slice %arg9[%add3A_46, %dma_start3A_68] : memref<40x128xi32, #tpu.memory_space<vmem>> -> memref<1x128xi32, #tpu.memory_space<vmem>>
            %dma_start3A_70 = tpu.memref_squeeze %dma_start3A_69 : memref<1x128xi32, #tpu.memory_space<vmem>> -> memref<128xi32, #tpu.memory_space<vmem>>
            %dma_start3A_71 = arith.constant 0 : i32
            %dma_start3A_72 = arith.constant 0 : i32
            %dma_start3A_73 = tpu.memref_slice %arg7[%dma_start3A_71, %dma_start3A_72] : memref<10240x128xf32, #tpu.memory_space<vmem_shared>> -> memref<10240x128xf32, #tpu.memory_space<vmem_shared>>
            tpu.enqueue_indirect_dma source(%arg11 : memref<128x128xf32, #tpu.memory_space<vmem>>) target(%dma_start3A_73 : memref<10240x128xf32, #tpu.memory_space<vmem_shared>>) offsets(%dma_start3A_70 : memref<128xi32, #tpu.memory_space<vmem>>) semaphore(%run_scoped3A : memref<!tpu.dma_semaphore, #tpu.memory_space<semaphore_mem>>) {add = true}
            %dma_wait3A_74 = arith.constant 0 : i32
            %dma_wait3A_75 = tpu.memref_slice %arg9[%add3A_46, %dma_wait3A_74] : memref<40x128xi32, #tpu.memory_space<vmem>> -> memref<1x128xi32, #tpu.memory_space<vmem>>
            %dma_wait3A_76 = tpu.memref_squeeze %dma_wait3A_75 : memref<1x128xi32, #tpu.memory_space<vmem>> -> memref<128xi32, #tpu.memory_space<vmem>>
            %dma_wait3A_77 = arith.constant 0 : i32
            %dma_wait3A_78 = arith.constant 0 : i32
            %dma_wait3A_79 = tpu.memref_slice %arg7[%dma_wait3A_77, %dma_wait3A_78] : memref<10240x128xf32, #tpu.memory_space<vmem_shared>> -> memref<10240x128xf32, #tpu.memory_space<vmem_shared>>
            tpu.wait_indirect_dma semaphore(%run_scoped3A : memref<!tpu.dma_semaphore, #tpu.memory_space<semaphore_mem>>) src(%arg11 : memref<128x128xf32, #tpu.memory_space<vmem>>) dst(%dma_wait3A_79 : memref<10240x128xf32, #tpu.memory_space<vmem_shared>>)
            tpu.yield
          }) : () -> ()
        }
        %scan3A_41 = arith.constant 20 : i32
      }
      %scan3A_14 = arith.constant 2 : i32
      %barrier3A_15 = arith.constant 0 : index
      tpu.barrier barrier_id(%barrier3A_15)
      %mul3A_16 = arith.constant 640 : i32
      %mul3A_17 = arith.muli %arg1, %mul3A_16 : i32
      %mul3A_18 = arith.constant 640 : i32
      %mul3A_19 = arith.muli %arg1, %mul3A_18 : i32
      "tpu.region"() ({
        %run_scoped3A = tpu.sem_alloc : memref<!tpu.dma_semaphore, #tpu.memory_space<semaphore_mem>>
        %dma_start3A = arith.constant 0 : i32
        %dma_start3A_20 = tpu.memref_slice %arg6[%add3A, %mul3A_19, %dma_start3A] : memref<4x10240x128xf32, #tpu.memory_space<hbm>> -> memref<1x640x128xf32, #tpu.memory_space<hbm>>
        %dma_start3A_21 = tpu.memref_squeeze %dma_start3A_20 : memref<1x640x128xf32, #tpu.memory_space<hbm>> -> memref<640x128xf32, #tpu.memory_space<hbm>>
        %dma_start3A_22 = arith.constant 0 : i32
        %dma_start3A_23 = tpu.memref_slice %arg7[%mul3A_17, %dma_start3A_22] : memref<10240x128xf32, #tpu.memory_space<vmem_shared>> -> memref<640x128xf32, #tpu.memory_space<vmem_shared>>
        tpu.enqueue_dma source(%dma_start3A_23 : memref<640x128xf32, #tpu.memory_space<vmem_shared>>) target(%dma_start3A_21 : memref<640x128xf32, #tpu.memory_space<hbm>>) target_semaphore(%run_scoped3A : memref<!tpu.dma_semaphore, #tpu.memory_space<semaphore_mem>>)
        %dma_wait3A = arith.constant 0 : i32
        %dma_wait3A_24 = tpu.memref_slice %arg6[%add3A, %mul3A_19, %dma_wait3A] : memref<4x10240x128xf32, #tpu.memory_space<hbm>> -> memref<1x640x128xf32, #tpu.memory_space<hbm>>
        %dma_wait3A_25 = tpu.memref_squeeze %dma_wait3A_24 : memref<1x640x128xf32, #tpu.memory_space<hbm>> -> memref<640x128xf32, #tpu.memory_space<hbm>>
        %dma_wait3A_26 = arith.constant 0 : i32
        %dma_wait3A_27 = tpu.memref_slice %arg7[%mul3A_17, %dma_wait3A_26] : memref<10240x128xf32, #tpu.memory_space<vmem_shared>> -> memref<640x128xf32, #tpu.memory_space<vmem_shared>>
        tpu.wait_dma2 semaphore(%run_scoped3A : memref<!tpu.dma_semaphore, #tpu.memory_space<semaphore_mem>>) src(%dma_wait3A_27 : memref<640x128xf32, #tpu.memory_space<vmem_shared>>) dst(%dma_wait3A_25 : memref<640x128xf32, #tpu.memory_space<hbm>>)
        tpu.yield
      }) : () -> ()
    }
    %scan3A_4 = arith.constant 2 : i32
    return
  }
}

module attributes {stable_mosaic.version = 14 : i64} {
  func.func @body(%arg0: i32, %arg1: memref<2000x256xf32, #tpu.memory_space<vmem>>, %arg2: memref<256x512xbf16, #tpu.memory_space<vmem>>, %arg3: memref<4x2000x128xf32, #tpu.memory_space<vmem>>) attributes {dimension_semantics = [#tpu.dimension_semantics<arbitrary>], iteration_bounds = array<i64: 5>, scalar_prefetch = 0 : i64, scratch_operands = 0 : i64, tpu.core_type = #tpu.core_type<tc>, window_params = [{transform_indices = @transform_0, window_bounds = array<i64: 2000, 256>}, {pipeline_mode = #tpu.pipeline_mode<synchronous>, transform_indices = @transform_1, window_bounds = array<i64: 256, 512>}, {transform_indices = @transform_2, window_bounds = array<i64: 4, 2000, 128>}]} {
    %get3A = arith.constant 0 : index
    %get3A_0 = arith.constant 0 : index
    %get3A_1 = vector.load %arg1[%get3A, %get3A_0] : memref<2000x256xf32, #tpu.memory_space<vmem>>, vector<2000x256xf32>
    %get3A_2 = arith.constant 0 : index
    %get3A_3 = arith.constant 0 : index
    %get3A_4 = vector.load %arg2[%get3A_2, %get3A_3] : memref<256x512xbf16, #tpu.memory_space<vmem>>, vector<256x512xbf16>
    %dot_general3A = arith.constant dense<0.000000e+00> : vector<2000x512xf32>
    %dot_general3A_5 = tpu.matmul %get3A_1, %get3A_4, %dot_general3A {dimension_numbers = #tpu.dot_dimension_numbers<[1], [0], [0], [1], [0, 0, 1, 1], [], []>, transpose_lhs_hint = false} : vector<2000x256xf32>, vector<256x512xbf16>, vector<2000x512xf32> -> vector<2000x512xf32>
    %slice3A = vector.extract_strided_slice %dot_general3A_5 {offsets = [0, 0], sizes = [2000, 128], strides = [1, 1]} : vector<2000x512xf32> to vector<2000x128xf32>
    %swap3A = arith.constant 0 : index
    %swap3A_6 = arith.constant 0 : index
    %swap3A_7 = arith.constant 0 : index
    %swap3A_8 = vector.load %arg3[%swap3A, %swap3A_6, %swap3A_7] : memref<4x2000x128xf32, #tpu.memory_space<vmem>>, vector<1x2000x128xf32>
    %swap3A_9 = vector.shape_cast %swap3A_8 : vector<1x2000x128xf32> to vector<2000x128xf32>
    %swap3A_10 = vector.shape_cast %slice3A : vector<2000x128xf32> to vector<1x2000x128xf32>
    tpu.vector_store %arg3[%swap3A, %swap3A_6, %swap3A_7], %swap3A_10 {strides = array<i32>} : memref<4x2000x128xf32, #tpu.memory_space<vmem>>, vector<1x2000x128xf32>,
    %slice3A_11 = vector.extract_strided_slice %dot_general3A_5 {offsets = [0, 128], sizes = [2000, 128], strides = [1, 1]} : vector<2000x512xf32> to vector<2000x128xf32>
    %swap3A_12 = arith.constant 1 : index
    %swap3A_13 = arith.constant 0 : index
    %swap3A_14 = arith.constant 0 : index
    %swap3A_15 = vector.load %arg3[%swap3A_12, %swap3A_13, %swap3A_14] : memref<4x2000x128xf32, #tpu.memory_space<vmem>>, vector<1x2000x128xf32>
    %swap3A_16 = vector.shape_cast %swap3A_15 : vector<1x2000x128xf32> to vector<2000x128xf32>
    %swap3A_17 = vector.shape_cast %slice3A_11 : vector<2000x128xf32> to vector<1x2000x128xf32>
    tpu.vector_store %arg3[%swap3A_12, %swap3A_13, %swap3A_14], %swap3A_17 {strides = array<i32>} : memref<4x2000x128xf32, #tpu.memory_space<vmem>>, vector<1x2000x128xf32>,
    %slice3A_18 = vector.extract_strided_slice %dot_general3A_5 {offsets = [0, 256], sizes = [2000, 128], strides = [1, 1]} : vector<2000x512xf32> to vector<2000x128xf32>
    %swap3A_19 = arith.constant 2 : index
    %swap3A_20 = arith.constant 0 : index
    %swap3A_21 = arith.constant 0 : index
    %swap3A_22 = vector.load %arg3[%swap3A_19, %swap3A_20, %swap3A_21] : memref<4x2000x128xf32, #tpu.memory_space<vmem>>, vector<1x2000x128xf32>
    %swap3A_23 = vector.shape_cast %swap3A_22 : vector<1x2000x128xf32> to vector<2000x128xf32>
    %swap3A_24 = vector.shape_cast %slice3A_18 : vector<2000x128xf32> to vector<1x2000x128xf32>
    tpu.vector_store %arg3[%swap3A_19, %swap3A_20, %swap3A_21], %swap3A_24 {strides = array<i32>} : memref<4x2000x128xf32, #tpu.memory_space<vmem>>, vector<1x2000x128xf32>,
    %slice3A_25 = vector.extract_strided_slice %dot_general3A_5 {offsets = [0, 384], sizes = [2000, 128], strides = [1, 1]} : vector<2000x512xf32> to vector<2000x128xf32>
    %swap3A_26 = arith.constant 3 : index
    %swap3A_27 = arith.constant 0 : index
    %swap3A_28 = arith.constant 0 : index
    %swap3A_29 = vector.load %arg3[%swap3A_26, %swap3A_27, %swap3A_28] : memref<4x2000x128xf32, #tpu.memory_space<vmem>>, vector<1x2000x128xf32>
    %swap3A_30 = vector.shape_cast %swap3A_29 : vector<1x2000x128xf32> to vector<2000x128xf32>
    %swap3A_31 = vector.shape_cast %slice3A_25 : vector<2000x128xf32> to vector<1x2000x128xf32>
    tpu.vector_store %arg3[%swap3A_26, %swap3A_27, %swap3A_28], %swap3A_31 {strides = array<i32>} : memref<4x2000x128xf32, #tpu.memory_space<vmem>>, vector<1x2000x128xf32>,
    return
  }
  func.func @transform_0(%arg0: i32) -> (i32, i32) {
    %c0_i32 = arith.constant 0 : i32
    %c0_i32_0 = arith.constant 0 : i32
    return %arg0, %c0_i32 : i32, i32
  }
  func.func @transform_1(%arg0: i32) -> (i32, i32) {
    %c0_i32 = arith.constant 0 : i32
    %c0_i32_0 = arith.constant 0 : i32
    %c0_i32_1 = arith.constant 0 : i32
    return %c0_i32, %c0_i32_0 : i32, i32
  }
  func.func @transform_2(%arg0: i32) -> (i32, i32, i32) {
    %c0_i32 = arith.constant 0 : i32
    %c0_i32_0 = arith.constant 0 : i32
    %c0_i32_1 = arith.constant 0 : i32
    return %c0_i32, %arg0, %c0_i32_0 : i32, i32, i32
  }
}

module attributes {stable_mosaic.version = 14 : i64} {
  func.func @body(%arg0: i32, %arg1: memref<4x2000x128xf32, #tpu.memory_space<vmem>>, %arg2: memref<512x512xbf16, #tpu.memory_space<vmem>>, %arg3: memref<2000x512xbf16, #tpu.memory_space<vmem>>, %arg4: memref<4x2000x128xf32, #tpu.memory_space<vmem>>) attributes {dimension_semantics = [#tpu.dimension_semantics<arbitrary>], iteration_bounds = array<i64: 5>, scalar_prefetch = 0 : i64, scratch_operands = 0 : i64, tpu.core_type = #tpu.core_type<tc>, window_params = [{transform_indices = @transform_0, window_bounds = array<i64: 4, 2000, 128>}, {pipeline_mode = #tpu.pipeline_mode<synchronous>, transform_indices = @transform_1, window_bounds = array<i64: 512, 512>}, {transform_indices = @transform_2, window_bounds = array<i64: 2000, 512>}, {transform_indices = @transform_3, window_bounds = array<i64: 4, 2000, 128>}]} {
    %get3A = arith.constant 0 : index
    %get3A_0 = arith.constant 0 : index
    %get3A_1 = arith.constant 0 : index
    %get3A_2 = vector.load %arg1[%get3A, %get3A_0, %get3A_1] : memref<4x2000x128xf32, #tpu.memory_space<vmem>>, vector<1x2000x128xf32>
    %get3A_3 = vector.shape_cast %get3A_2 : vector<1x2000x128xf32> to vector<2000x128xf32>
    %tanh3A = math.tanh %get3A_3 : vector<2000x128xf32>
    %get3A_4 = arith.constant 1 : index
    %get3A_5 = arith.constant 0 : index
    %get3A_6 = arith.constant 0 : index
    %get3A_7 = vector.load %arg1[%get3A_4, %get3A_5, %get3A_6] : memref<4x2000x128xf32, #tpu.memory_space<vmem>>, vector<1x2000x128xf32>
    %get3A_8 = vector.shape_cast %get3A_7 : vector<1x2000x128xf32> to vector<2000x128xf32>
    %tanh3A_9 = math.tanh %get3A_8 : vector<2000x128xf32>
    %get3A_10 = arith.constant 2 : index
    %get3A_11 = arith.constant 0 : index
    %get3A_12 = arith.constant 0 : index
    %get3A_13 = vector.load %arg1[%get3A_10, %get3A_11, %get3A_12] : memref<4x2000x128xf32, #tpu.memory_space<vmem>>, vector<1x2000x128xf32>
    %get3A_14 = vector.shape_cast %get3A_13 : vector<1x2000x128xf32> to vector<2000x128xf32>
    %tanh3A_15 = math.tanh %get3A_14 : vector<2000x128xf32>
    %get3A_16 = arith.constant 3 : index
    %get3A_17 = arith.constant 0 : index
    %get3A_18 = arith.constant 0 : index
    %get3A_19 = vector.load %arg1[%get3A_16, %get3A_17, %get3A_18] : memref<4x2000x128xf32, #tpu.memory_space<vmem>>, vector<1x2000x128xf32>
    %get3A_20 = vector.shape_cast %get3A_19 : vector<1x2000x128xf32> to vector<2000x128xf32>
    %tanh3A_21 = math.tanh %get3A_20 : vector<2000x128xf32>
    %concatenate3A = tpu.concatenate %tanh3A, %tanh3A_9, %tanh3A_15, %tanh3A_21 in 1 : vector<2000x128xf32>, vector<2000x128xf32>, vector<2000x128xf32>, vector<2000x128xf32> -> vector<2000x512xf32>
    %convert_element_type3A = arith.truncf %concatenate3A : vector<2000x512xf32> to vector<2000x512xbf16>
    %swap3A = arith.constant 0 : index
    %swap3A_22 = arith.constant 0 : index
    %swap3A_23 = vector.load %arg3[%swap3A, %swap3A_22] : memref<2000x512xbf16, #tpu.memory_space<vmem>>, vector<2000x512xbf16>
    tpu.vector_store %arg3[%swap3A, %swap3A_22], %convert_element_type3A {strides = array<i32>} : memref<2000x512xbf16, #tpu.memory_space<vmem>>, vector<2000x512xbf16>,
    %get3A_24 = arith.constant 0 : index
    %get3A_25 = arith.constant 0 : index
    %get3A_26 = vector.load %arg2[%get3A_24, %get3A_25] : memref<512x512xbf16, #tpu.memory_space<vmem>>, vector<512x512xbf16>
    %dot_general3A = arith.constant dense<0.000000e+00> : vector<2000x512xf32>
    %dot_general3A_27 = tpu.matmul %convert_element_type3A, %get3A_26, %dot_general3A {dimension_numbers = #tpu.dot_dimension_numbers<[1], [0], [0], [1], [0, 0, 1, 1], [], []>, transpose_lhs_hint = false} : vector<2000x512xbf16>, vector<512x512xbf16>, vector<2000x512xf32> -> vector<2000x512xf32>
    %slice3A = vector.extract_strided_slice %dot_general3A_27 {offsets = [0, 0], sizes = [2000, 128], strides = [1, 1]} : vector<2000x512xf32> to vector<2000x128xf32>
    %swap3A_28 = arith.constant 0 : index
    %swap3A_29 = arith.constant 0 : index
    %swap3A_30 = arith.constant 0 : index
    %swap3A_31 = vector.load %arg4[%swap3A_28, %swap3A_29, %swap3A_30] : memref<4x2000x128xf32, #tpu.memory_space<vmem>>, vector<1x2000x128xf32>
    %swap3A_32 = vector.shape_cast %swap3A_31 : vector<1x2000x128xf32> to vector<2000x128xf32>
    %swap3A_33 = vector.shape_cast %slice3A : vector<2000x128xf32> to vector<1x2000x128xf32>
    tpu.vector_store %arg4[%swap3A_28, %swap3A_29, %swap3A_30], %swap3A_33 {strides = array<i32>} : memref<4x2000x128xf32, #tpu.memory_space<vmem>>, vector<1x2000x128xf32>,
    %slice3A_34 = vector.extract_strided_slice %dot_general3A_27 {offsets = [0, 128], sizes = [2000, 128], strides = [1, 1]} : vector<2000x512xf32> to vector<2000x128xf32>
    %swap3A_35 = arith.constant 1 : index
    %swap3A_36 = arith.constant 0 : index
    %swap3A_37 = arith.constant 0 : index
    %swap3A_38 = vector.load %arg4[%swap3A_35, %swap3A_36, %swap3A_37] : memref<4x2000x128xf32, #tpu.memory_space<vmem>>, vector<1x2000x128xf32>
    %swap3A_39 = vector.shape_cast %swap3A_38 : vector<1x2000x128xf32> to vector<2000x128xf32>
    %swap3A_40 = vector.shape_cast %slice3A_34 : vector<2000x128xf32> to vector<1x2000x128xf32>
    tpu.vector_store %arg4[%swap3A_35, %swap3A_36, %swap3A_37], %swap3A_40 {strides = array<i32>} : memref<4x2000x128xf32, #tpu.memory_space<vmem>>, vector<1x2000x128xf32>,
    %slice3A_41 = vector.extract_strided_slice %dot_general3A_27 {offsets = [0, 256], sizes = [2000, 128], strides = [1, 1]} : vector<2000x512xf32> to vector<2000x128xf32>
    %swap3A_42 = arith.constant 2 : index
    %swap3A_43 = arith.constant 0 : index
    %swap3A_44 = arith.constant 0 : index
    %swap3A_45 = vector.load %arg4[%swap3A_42, %swap3A_43, %swap3A_44] : memref<4x2000x128xf32, #tpu.memory_space<vmem>>, vector<1x2000x128xf32>
    %swap3A_46 = vector.shape_cast %swap3A_45 : vector<1x2000x128xf32> to vector<2000x128xf32>
    %swap3A_47 = vector.shape_cast %slice3A_41 : vector<2000x128xf32> to vector<1x2000x128xf32>
    tpu.vector_store %arg4[%swap3A_42, %swap3A_43, %swap3A_44], %swap3A_47 {strides = array<i32>} : memref<4x2000x128xf32, #tpu.memory_space<vmem>>, vector<1x2000x128xf32>,
    %slice3A_48 = vector.extract_strided_slice %dot_general3A_27 {offsets = [0, 384], sizes = [2000, 128], strides = [1, 1]} : vector<2000x512xf32> to vector<2000x128xf32>
    %swap3A_49 = arith.constant 3 : index
    %swap3A_50 = arith.constant 0 : index
    %swap3A_51 = arith.constant 0 : index
    %swap3A_52 = vector.load %arg4[%swap3A_49, %swap3A_50, %swap3A_51] : memref<4x2000x128xf32, #tpu.memory_space<vmem>>, vector<1x2000x128xf32>
    %swap3A_53 = vector.shape_cast %swap3A_52 : vector<1x2000x128xf32> to vector<2000x128xf32>
    %swap3A_54 = vector.shape_cast %slice3A_48 : vector<2000x128xf32> to vector<1x2000x128xf32>
    tpu.vector_store %arg4[%swap3A_49, %swap3A_50, %swap3A_51], %swap3A_54 {strides = array<i32>} : memref<4x2000x128xf32, #tpu.memory_space<vmem>>, vector<1x2000x128xf32>,
    return
  }
  func.func @transform_0(%arg0: i32) -> (i32, i32, i32) {
    %c0_i32 = arith.constant 0 : i32
    %c0_i32_0 = arith.constant 0 : i32
    %c0_i32_1 = arith.constant 0 : i32
    return %c0_i32, %arg0, %c0_i32_0 : i32, i32, i32
  }
  func.func @transform_1(%arg0: i32) -> (i32, i32) {
    %c0_i32 = arith.constant 0 : i32
    %c0_i32_0 = arith.constant 0 : i32
    %c0_i32_1 = arith.constant 0 : i32
    return %c0_i32, %c0_i32_0 : i32, i32
  }
  func.func @transform_2(%arg0: i32) -> (i32, i32) {
    %c0_i32 = arith.constant 0 : i32
    %c0_i32_0 = arith.constant 0 : i32
    return %arg0, %c0_i32 : i32, i32
  }
  func.func @transform_3(%arg0: i32) -> (i32, i32, i32) {
    %c0_i32 = arith.constant 0 : i32
    %c0_i32_0 = arith.constant 0 : i32
    %c0_i32_1 = arith.constant 0 : i32
    return %c0_i32, %arg0, %c0_i32_0 : i32, i32, i32
  }
}

module attributes {stable_mosaic.version = 14 : i64} {
  func.func @body(%arg0: i32, %arg1: memref<4x2000x128xf32, #tpu.memory_space<vmem>>, %arg2: memref<2000x512xbf16, #tpu.memory_space<vmem>>, %arg3: memref<1024x512xbf16, #tpu.memory_space<vmem>>, %arg4: memref<2000x512xbf16, #tpu.memory_space<vmem>>, %arg5: memref<4x2000x128xf32, #tpu.memory_space<vmem>>) attributes {dimension_semantics = [#tpu.dimension_semantics<arbitrary>], iteration_bounds = array<i64: 5>, scalar_prefetch = 0 : i64, scratch_operands = 0 : i64, tpu.core_type = #tpu.core_type<tc>, window_params = [{transform_indices = @transform_0, window_bounds = array<i64: 4, 2000, 128>}, {transform_indices = @transform_1, window_bounds = array<i64: 2000, 512>}, {pipeline_mode = #tpu.pipeline_mode<synchronous>, transform_indices = @transform_2, window_bounds = array<i64: 1024, 512>}, {transform_indices = @transform_3, window_bounds = array<i64: 2000, 512>}, {transform_indices = @transform_4, window_bounds = array<i64: 4, 2000, 128>}]} {
    %get3A = arith.constant 0 : index
    %get3A_0 = arith.constant 0 : index
    %get3A_1 = arith.constant 0 : index
    %get3A_2 = vector.load %arg1[%get3A, %get3A_0, %get3A_1] : memref<4x2000x128xf32, #tpu.memory_space<vmem>>, vector<1x2000x128xf32>
    %get3A_3 = vector.shape_cast %get3A_2 : vector<1x2000x128xf32> to vector<2000x128xf32>
    %tanh3A = math.tanh %get3A_3 : vector<2000x128xf32>
    %get3A_4 = arith.constant 1 : index
    %get3A_5 = arith.constant 0 : index
    %get3A_6 = arith.constant 0 : index
    %get3A_7 = vector.load %arg1[%get3A_4, %get3A_5, %get3A_6] : memref<4x2000x128xf32, #tpu.memory_space<vmem>>, vector<1x2000x128xf32>
    %get3A_8 = vector.shape_cast %get3A_7 : vector<1x2000x128xf32> to vector<2000x128xf32>
    %tanh3A_9 = math.tanh %get3A_8 : vector<2000x128xf32>
    %get3A_10 = arith.constant 2 : index
    %get3A_11 = arith.constant 0 : index
    %get3A_12 = arith.constant 0 : index
    %get3A_13 = vector.load %arg1[%get3A_10, %get3A_11, %get3A_12] : memref<4x2000x128xf32, #tpu.memory_space<vmem>>, vector<1x2000x128xf32>
    %get3A_14 = vector.shape_cast %get3A_13 : vector<1x2000x128xf32> to vector<2000x128xf32>
    %tanh3A_15 = math.tanh %get3A_14 : vector<2000x128xf32>
    %get3A_16 = arith.constant 3 : index
    %get3A_17 = arith.constant 0 : index
    %get3A_18 = arith.constant 0 : index
    %get3A_19 = vector.load %arg1[%get3A_16, %get3A_17, %get3A_18] : memref<4x2000x128xf32, #tpu.memory_space<vmem>>, vector<1x2000x128xf32>
    %get3A_20 = vector.shape_cast %get3A_19 : vector<1x2000x128xf32> to vector<2000x128xf32>
    %tanh3A_21 = math.tanh %get3A_20 : vector<2000x128xf32>
    %concatenate3A = tpu.concatenate %tanh3A, %tanh3A_9, %tanh3A_15, %tanh3A_21 in 1 : vector<2000x128xf32>, vector<2000x128xf32>, vector<2000x128xf32>, vector<2000x128xf32> -> vector<2000x512xf32>
    %convert_element_type3A = arith.truncf %concatenate3A : vector<2000x512xf32> to vector<2000x512xbf16>
    %swap3A = arith.constant 0 : index
    %swap3A_22 = arith.constant 0 : index
    %swap3A_23 = vector.load %arg4[%swap3A, %swap3A_22] : memref<2000x512xbf16, #tpu.memory_space<vmem>>, vector<2000x512xbf16>
    tpu.vector_store %arg4[%swap3A, %swap3A_22], %convert_element_type3A {strides = array<i32>} : memref<2000x512xbf16, #tpu.memory_space<vmem>>, vector<2000x512xbf16>,
    %get3A_24 = arith.constant 512 : index
    %get3A_25 = arith.constant 0 : index
    %get3A_26 = vector.load %arg3[%get3A_24, %get3A_25] : memref<1024x512xbf16, #tpu.memory_space<vmem>>, vector<512x512xbf16>
    %dot_general3A = arith.constant dense<0.000000e+00> : vector<2000x512xf32>
    %dot_general3A_27 = tpu.matmul %convert_element_type3A, %get3A_26, %dot_general3A {dimension_numbers = #tpu.dot_dimension_numbers<[1], [0], [0], [1], [0, 0, 1, 1], [], []>, transpose_lhs_hint = false} : vector<2000x512xbf16>, vector<512x512xbf16>, vector<2000x512xf32> -> vector<2000x512xf32>
    %get3A_28 = arith.constant 0 : index
    %get3A_29 = arith.constant 0 : index
    %get3A_30 = vector.load %arg2[%get3A_28, %get3A_29] : memref<2000x512xbf16, #tpu.memory_space<vmem>>, vector<2000x512xbf16>
    %get3A_31 = arith.constant 0 : index
    %get3A_32 = arith.constant 0 : index
    %get3A_33 = vector.load %arg3[%get3A_31, %get3A_32] : memref<1024x512xbf16, #tpu.memory_space<vmem>>, vector<512x512xbf16>
    %dot_general3A_34 = arith.constant dense<0.000000e+00> : vector<2000x512xf32>
    %dot_general3A_35 = tpu.matmul %get3A_30, %get3A_33, %dot_general3A_34 {dimension_numbers = #tpu.dot_dimension_numbers<[1], [0], [0], [1], [0, 0, 1, 1], [], []>, transpose_lhs_hint = false} : vector<2000x512xbf16>, vector<512x512xbf16>, vector<2000x512xf32> -> vector<2000x512xf32>
    %add3A = arith.addf %dot_general3A_27, %dot_general3A_35 : vector<2000x512xf32>
    %slice3A = vector.extract_strided_slice %add3A {offsets = [0, 0], sizes = [2000, 128], strides = [1, 1]} : vector<2000x512xf32> to vector<2000x128xf32>
    %swap3A_36 = arith.constant 0 : index
    %swap3A_37 = arith.constant 0 : index
    %swap3A_38 = arith.constant 0 : index
    %swap3A_39 = vector.load %arg5[%swap3A_36, %swap3A_37, %swap3A_38] : memref<4x2000x128xf32, #tpu.memory_space<vmem>>, vector<1x2000x128xf32>
    %swap3A_40 = vector.shape_cast %swap3A_39 : vector<1x2000x128xf32> to vector<2000x128xf32>
    %swap3A_41 = vector.shape_cast %slice3A : vector<2000x128xf32> to vector<1x2000x128xf32>
    tpu.vector_store %arg5[%swap3A_36, %swap3A_37, %swap3A_38], %swap3A_41 {strides = array<i32>} : memref<4x2000x128xf32, #tpu.memory_space<vmem>>, vector<1x2000x128xf32>,
    %slice3A_42 = vector.extract_strided_slice %add3A {offsets = [0, 128], sizes = [2000, 128], strides = [1, 1]} : vector<2000x512xf32> to vector<2000x128xf32>
    %swap3A_43 = arith.constant 1 : index
    %swap3A_44 = arith.constant 0 : index
    %swap3A_45 = arith.constant 0 : index
    %swap3A_46 = vector.load %arg5[%swap3A_43, %swap3A_44, %swap3A_45] : memref<4x2000x128xf32, #tpu.memory_space<vmem>>, vector<1x2000x128xf32>
    %swap3A_47 = vector.shape_cast %swap3A_46 : vector<1x2000x128xf32> to vector<2000x128xf32>
    %swap3A_48 = vector.shape_cast %slice3A_42 : vector<2000x128xf32> to vector<1x2000x128xf32>
    tpu.vector_store %arg5[%swap3A_43, %swap3A_44, %swap3A_45], %swap3A_48 {strides = array<i32>} : memref<4x2000x128xf32, #tpu.memory_space<vmem>>, vector<1x2000x128xf32>,
    %slice3A_49 = vector.extract_strided_slice %add3A {offsets = [0, 256], sizes = [2000, 128], strides = [1, 1]} : vector<2000x512xf32> to vector<2000x128xf32>
    %swap3A_50 = arith.constant 2 : index
    %swap3A_51 = arith.constant 0 : index
    %swap3A_52 = arith.constant 0 : index
    %swap3A_53 = vector.load %arg5[%swap3A_50, %swap3A_51, %swap3A_52] : memref<4x2000x128xf32, #tpu.memory_space<vmem>>, vector<1x2000x128xf32>
    %swap3A_54 = vector.shape_cast %swap3A_53 : vector<1x2000x128xf32> to vector<2000x128xf32>
    %swap3A_55 = vector.shape_cast %slice3A_49 : vector<2000x128xf32> to vector<1x2000x128xf32>
    tpu.vector_store %arg5[%swap3A_50, %swap3A_51, %swap3A_52], %swap3A_55 {strides = array<i32>} : memref<4x2000x128xf32, #tpu.memory_space<vmem>>, vector<1x2000x128xf32>,
    %slice3A_56 = vector.extract_strided_slice %add3A {offsets = [0, 384], sizes = [2000, 128], strides = [1, 1]} : vector<2000x512xf32> to vector<2000x128xf32>
    %swap3A_57 = arith.constant 3 : index
    %swap3A_58 = arith.constant 0 : index
    %swap3A_59 = arith.constant 0 : index
    %swap3A_60 = vector.load %arg5[%swap3A_57, %swap3A_58, %swap3A_59] : memref<4x2000x128xf32, #tpu.memory_space<vmem>>, vector<1x2000x128xf32>
    %swap3A_61 = vector.shape_cast %swap3A_60 : vector<1x2000x128xf32> to vector<2000x128xf32>
    %swap3A_62 = vector.shape_cast %slice3A_56 : vector<2000x128xf32> to vector<1x2000x128xf32>
    tpu.vector_store %arg5[%swap3A_57, %swap3A_58, %swap3A_59], %swap3A_62 {strides = array<i32>} : memref<4x2000x128xf32, #tpu.memory_space<vmem>>, vector<1x2000x128xf32>,
    return
  }
  func.func @transform_0(%arg0: i32) -> (i32, i32, i32) {
    %c0_i32 = arith.constant 0 : i32
    %c0_i32_0 = arith.constant 0 : i32
    %c0_i32_1 = arith.constant 0 : i32
    return %c0_i32, %arg0, %c0_i32_0 : i32, i32, i32
  }
  func.func @transform_1(%arg0: i32) -> (i32, i32) {
    %c0_i32 = arith.constant 0 : i32
    %c0_i32_0 = arith.constant 0 : i32
    return %arg0, %c0_i32 : i32, i32
  }
  func.func @transform_2(%arg0: i32) -> (i32, i32) {
    %c0_i32 = arith.constant 0 : i32
    %c0_i32_0 = arith.constant 0 : i32
    %c0_i32_1 = arith.constant 0 : i32
    return %c0_i32, %c0_i32_0 : i32, i32
  }
  func.func @transform_3(%arg0: i32) -> (i32, i32) {
    %c0_i32 = arith.constant 0 : i32
    %c0_i32_0 = arith.constant 0 : i32
    return %arg0, %c0_i32 : i32, i32
  }
  func.func @transform_4(%arg0: i32) -> (i32, i32, i32) {
    %c0_i32 = arith.constant 0 : i32
    %c0_i32_0 = arith.constant 0 : i32
    %c0_i32_1 = arith.constant 0 : i32
    return %c0_i32, %arg0, %c0_i32_0 : i32, i32, i32
  }
}

module attributes {stable_mosaic.version = 14 : i64} {
  func.func @body(%arg0: i32, %arg1: memref<2000x512xbf16, #tpu.memory_space<vmem>>, %arg2: memref<2000x512xbf16, #tpu.memory_space<vmem>>, %arg3: memref<1024x128xbf16, #tpu.memory_space<vmem>>, %arg4: memref<1x2000x128xf32, #tpu.memory_space<vmem>>) attributes {dimension_semantics = [#tpu.dimension_semantics<arbitrary>], iteration_bounds = array<i64: 5>, scalar_prefetch = 0 : i64, scratch_operands = 0 : i64, tpu.core_type = #tpu.core_type<tc>, window_params = [{transform_indices = @transform_0, window_bounds = array<i64: 2000, 512>}, {transform_indices = @transform_1, window_bounds = array<i64: 2000, 512>}, {pipeline_mode = #tpu.pipeline_mode<synchronous>, transform_indices = @transform_2, window_bounds = array<i64: 1024, 128>}, {transform_indices = @transform_3, window_bounds = array<i64: 1, 2000, 128>}]} {
    %get3A = arith.constant 0 : index
    %get3A_0 = arith.constant 0 : index
    %get3A_1 = vector.load %arg1[%get3A, %get3A_0] : memref<2000x512xbf16, #tpu.memory_space<vmem>>, vector<2000x512xbf16>
    %get3A_2 = arith.constant 0 : index
    %get3A_3 = arith.constant 0 : index
    %get3A_4 = vector.load %arg3[%get3A_2, %get3A_3] : memref<1024x128xbf16, #tpu.memory_space<vmem>>, vector<512x128xbf16>
    %dot_general3A = arith.constant dense<0.000000e+00> : vector<2000x128xf32>
    %dot_general3A_5 = tpu.matmul %get3A_1, %get3A_4, %dot_general3A {dimension_numbers = #tpu.dot_dimension_numbers<[1], [0], [0], [1], [0, 0, 1, 1], [], []>, transpose_lhs_hint = false} : vector<2000x512xbf16>, vector<512x128xbf16>, vector<2000x128xf32> -> vector<2000x128xf32>
    %get3A_6 = arith.constant 0 : index
    %get3A_7 = arith.constant 0 : index
    %get3A_8 = vector.load %arg2[%get3A_6, %get3A_7] : memref<2000x512xbf16, #tpu.memory_space<vmem>>, vector<2000x512xbf16>
    %get3A_9 = arith.constant 512 : index
    %get3A_10 = arith.constant 0 : index
    %get3A_11 = vector.load %arg3[%get3A_9, %get3A_10] : memref<1024x128xbf16, #tpu.memory_space<vmem>>, vector<512x128xbf16>
    %dot_general3A_12 = arith.constant dense<0.000000e+00> : vector<2000x128xf32>
    %dot_general3A_13 = tpu.matmul %get3A_8, %get3A_11, %dot_general3A_12 {dimension_numbers = #tpu.dot_dimension_numbers<[1], [0], [0], [1], [0, 0, 1, 1], [], []>, transpose_lhs_hint = false} : vector<2000x512xbf16>, vector<512x128xbf16>, vector<2000x128xf32> -> vector<2000x128xf32>
    %add3A = arith.addf %dot_general3A_5, %dot_general3A_13 : vector<2000x128xf32>
    %swap3A = arith.constant 0 : index
    %swap3A_14 = arith.constant 0 : index
    %swap3A_15 = arith.constant 0 : index
    %swap3A_16 = vector.load %arg4[%swap3A, %swap3A_14, %swap3A_15] : memref<1x2000x128xf32, #tpu.memory_space<vmem>>, vector<1x2000x128xf32>
    %swap3A_17 = vector.shape_cast %swap3A_16 : vector<1x2000x128xf32> to vector<2000x128xf32>
    %swap3A_18 = vector.shape_cast %add3A : vector<2000x128xf32> to vector<1x2000x128xf32>
    tpu.vector_store %arg4[%swap3A, %swap3A_14, %swap3A_15], %swap3A_18 {strides = array<i32>} : memref<1x2000x128xf32, #tpu.memory_space<vmem>>, vector<1x2000x128xf32>,
    return
  }
  func.func @transform_0(%arg0: i32) -> (i32, i32) {
    %c0_i32 = arith.constant 0 : i32
    %c0_i32_0 = arith.constant 0 : i32
    return %arg0, %c0_i32 : i32, i32
  }
  func.func @transform_1(%arg0: i32) -> (i32, i32) {
    %c0_i32 = arith.constant 0 : i32
    %c0_i32_0 = arith.constant 0 : i32
    return %arg0, %c0_i32 : i32, i32
  }
  func.func @transform_2(%arg0: i32) -> (i32, i32) {
    %c0_i32 = arith.constant 0 : i32
    %c0_i32_0 = arith.constant 0 : i32
    %c0_i32_1 = arith.constant 0 : i32
    return %c0_i32, %c0_i32_0 : i32, i32
  }
  func.func @transform_3(%arg0: i32) -> (i32, i32, i32) {
    %c0_i32 = arith.constant 0 : i32
    %c0_i32_0 = arith.constant 0 : i32
    %c0_i32_1 = arith.constant 0 : i32
    return %c0_i32, %arg0, %c0_i32_0 : i32, i32, i32
  }
}

module attributes {stable_mosaic.version = 14 : i64} {
  func.func @body(%arg0: i32, %arg1: memref<4x2000x128xf32, #tpu.memory_space<vmem>>, %arg2: memref<512x128xbf16, #tpu.memory_space<vmem>>, %arg3: memref<1x2000x128xf32, #tpu.memory_space<vmem>>, %arg4: memref<2000x512xbf16, #tpu.memory_space<vmem>>, %arg5: memref<1x2000x128xf32, #tpu.memory_space<vmem>>) attributes {dimension_semantics = [#tpu.dimension_semantics<arbitrary>], iteration_bounds = array<i64: 5>, scalar_prefetch = 0 : i64, scratch_operands = 0 : i64, tpu.core_type = #tpu.core_type<tc>, window_params = [{transform_indices = @transform_0, window_bounds = array<i64: 4, 2000, 128>}, {pipeline_mode = #tpu.pipeline_mode<synchronous>, transform_indices = @transform_1, window_bounds = array<i64: 512, 128>}, {transform_indices = @transform_2, window_bounds = array<i64: 1, 2000, 128>}, {transform_indices = @transform_3, window_bounds = array<i64: 2000, 512>}, {transform_indices = @transform_4, window_bounds = array<i64: 1, 2000, 128>}]} {
    %get3A = arith.constant 0 : index
    %get3A_0 = arith.constant 0 : index
    %get3A_1 = arith.constant 0 : index
    %get3A_2 = vector.load %arg1[%get3A, %get3A_0, %get3A_1] : memref<4x2000x128xf32, #tpu.memory_space<vmem>>, vector<1x2000x128xf32>
    %get3A_3 = vector.shape_cast %get3A_2 : vector<1x2000x128xf32> to vector<2000x128xf32>
    %tanh3A = math.tanh %get3A_3 : vector<2000x128xf32>
    %get3A_4 = arith.constant 1 : index
    %get3A_5 = arith.constant 0 : index
    %get3A_6 = arith.constant 0 : index
    %get3A_7 = vector.load %arg1[%get3A_4, %get3A_5, %get3A_6] : memref<4x2000x128xf32, #tpu.memory_space<vmem>>, vector<1x2000x128xf32>
    %get3A_8 = vector.shape_cast %get3A_7 : vector<1x2000x128xf32> to vector<2000x128xf32>
    %tanh3A_9 = math.tanh %get3A_8 : vector<2000x128xf32>
    %get3A_10 = arith.constant 2 : index
    %get3A_11 = arith.constant 0 : index
    %get3A_12 = arith.constant 0 : index
    %get3A_13 = vector.load %arg1[%get3A_10, %get3A_11, %get3A_12] : memref<4x2000x128xf32, #tpu.memory_space<vmem>>, vector<1x2000x128xf32>
    %get3A_14 = vector.shape_cast %get3A_13 : vector<1x2000x128xf32> to vector<2000x128xf32>
    %tanh3A_15 = math.tanh %get3A_14 : vector<2000x128xf32>
    %get3A_16 = arith.constant 3 : index
    %get3A_17 = arith.constant 0 : index
    %get3A_18 = arith.constant 0 : index
    %get3A_19 = vector.load %arg1[%get3A_16, %get3A_17, %get3A_18] : memref<4x2000x128xf32, #tpu.memory_space<vmem>>, vector<1x2000x128xf32>
    %get3A_20 = vector.shape_cast %get3A_19 : vector<1x2000x128xf32> to vector<2000x128xf32>
    %tanh3A_21 = math.tanh %get3A_20 : vector<2000x128xf32>
    %concatenate3A = tpu.concatenate %tanh3A, %tanh3A_9, %tanh3A_15, %tanh3A_21 in 1 : vector<2000x128xf32>, vector<2000x128xf32>, vector<2000x128xf32>, vector<2000x128xf32> -> vector<2000x512xf32>
    %convert_element_type3A = arith.truncf %concatenate3A : vector<2000x512xf32> to vector<2000x512xbf16>
    %swap3A = arith.constant 0 : index
    %swap3A_22 = arith.constant 0 : index
    %swap3A_23 = vector.load %arg4[%swap3A, %swap3A_22] : memref<2000x512xbf16, #tpu.memory_space<vmem>>, vector<2000x512xbf16>
    tpu.vector_store %arg4[%swap3A, %swap3A_22], %convert_element_type3A {strides = array<i32>} : memref<2000x512xbf16, #tpu.memory_space<vmem>>, vector<2000x512xbf16>,
    %get3A_24 = arith.constant 0 : index
    %get3A_25 = arith.constant 0 : index
    %get3A_26 = vector.load %arg2[%get3A_24, %get3A_25] : memref<512x128xbf16, #tpu.memory_space<vmem>>, vector<512x128xbf16>
    %dot_general3A = arith.constant dense<0.000000e+00> : vector<2000x128xf32>
    %dot_general3A_27 = tpu.matmul %convert_element_type3A, %get3A_26, %dot_general3A {dimension_numbers = #tpu.dot_dimension_numbers<[1], [0], [0], [1], [0, 0, 1, 1], [], []>, transpose_lhs_hint = false} : vector<2000x512xbf16>, vector<512x128xbf16>, vector<2000x128xf32> -> vector<2000x128xf32>
    %get3A_28 = arith.constant 0 : index
    %get3A_29 = arith.constant 0 : index
    %get3A_30 = arith.constant 0 : index
    %get3A_31 = vector.load %arg3[%get3A_28, %get3A_29, %get3A_30] : memref<1x2000x128xf32, #tpu.memory_space<vmem>>, vector<1x2000x128xf32>
    %get3A_32 = vector.shape_cast %get3A_31 : vector<1x2000x128xf32> to vector<2000x128xf32>
    %add3A = arith.addf %dot_general3A_27, %get3A_32 : vector<2000x128xf32>
    %swap3A_33 = arith.constant 0 : index
    %swap3A_34 = arith.constant 0 : index
    %swap3A_35 = arith.constant 0 : index
    %swap3A_36 = vector.load %arg5[%swap3A_33, %swap3A_34, %swap3A_35] : memref<1x2000x128xf32, #tpu.memory_space<vmem>>, vector<1x2000x128xf32>
    %swap3A_37 = vector.shape_cast %swap3A_36 : vector<1x2000x128xf32> to vector<2000x128xf32>
    %swap3A_38 = vector.shape_cast %add3A : vector<2000x128xf32> to vector<1x2000x128xf32>
    tpu.vector_store %arg5[%swap3A_33, %swap3A_34, %swap3A_35], %swap3A_38 {strides = array<i32>} : memref<1x2000x128xf32, #tpu.memory_space<vmem>>, vector<1x2000x128xf32>,
    return
  }
  func.func @transform_0(%arg0: i32) -> (i32, i32, i32) {
    %c0_i32 = arith.constant 0 : i32
    %c0_i32_0 = arith.constant 0 : i32
    %c0_i32_1 = arith.constant 0 : i32
    return %c0_i32, %arg0, %c0_i32_0 : i32, i32, i32
  }
  func.func @transform_1(%arg0: i32) -> (i32, i32) {
    %c0_i32 = arith.constant 0 : i32
    %c0_i32_0 = arith.constant 0 : i32
    %c0_i32_1 = arith.constant 0 : i32
    return %c0_i32, %c0_i32_0 : i32, i32
  }
  func.func @transform_2(%arg0: i32) -> (i32, i32, i32) {
    %c0_i32 = arith.constant 0 : i32
    %c0_i32_0 = arith.constant 0 : i32
    %c0_i32_1 = arith.constant 0 : i32
    return %c0_i32, %arg0, %c0_i32_0 : i32, i32, i32
  }
  func.func @transform_3(%arg0: i32) -> (i32, i32) {
    %c0_i32 = arith.constant 0 : i32
    %c0_i32_0 = arith.constant 0 : i32
    return %arg0, %c0_i32 : i32, i32
  }
  func.func @transform_4(%arg0: i32) -> (i32, i32, i32) {
    %c0_i32 = arith.constant 0 : i32
    %c0_i32_0 = arith.constant 0 : i32
    %c0_i32_1 = arith.constant 0 : i32
    return %c0_i32, %arg0, %c0_i32_0 : i32, i32, i32
  }
}

module attributes {stable_mosaic.version = 14 : i64} {
  func.func @_final_tanh_body(%arg0: i32, %arg1: memref<1x2000x128xf32, #tpu.memory_space<vmem>>, %arg2: memref<1x2000x128xf32, #tpu.memory_space<vmem>>, %arg3: memref<2000x64xf32, #tpu.memory_space<vmem>>) attributes {dimension_semantics = [#tpu.dimension_semantics<arbitrary>], iteration_bounds = array<i64: 5>, scalar_prefetch = 0 : i64, scratch_operands = 0 : i64, tpu.core_type = #tpu.core_type<tc>, window_params = [{transform_indices = @transform_0, window_bounds = array<i64: 1, 2000, 128>}, {transform_indices = @transform_1, window_bounds = array<i64: 1, 2000, 128>}, {transform_indices = @transform_2, window_bounds = array<i64: 2000, 64>}]} {
    %get3A = arith.constant 0 : index
    %get3A_0 = arith.constant 0 : index
    %get3A_1 = arith.constant 0 : index
    %get3A_2 = vector.load %arg1[%get3A, %get3A_0, %get3A_1] : memref<1x2000x128xf32, #tpu.memory_space<vmem>>, vector<1x2000x128xf32>
    %get3A_3 = vector.shape_cast %get3A_2 : vector<1x2000x128xf32> to vector<2000x128xf32>
    %get3A_4 = arith.constant 0 : index
    %get3A_5 = arith.constant 0 : index
    %get3A_6 = arith.constant 0 : index
    %get3A_7 = vector.load %arg2[%get3A_4, %get3A_5, %get3A_6] : memref<1x2000x128xf32, #tpu.memory_space<vmem>>, vector<1x2000x128xf32>
    %get3A_8 = vector.shape_cast %get3A_7 : vector<1x2000x128xf32> to vector<2000x128xf32>
    %add3A = arith.addf %get3A_3, %get3A_8 : vector<2000x128xf32>
    %tanh3A = math.tanh %add3A : vector<2000x128xf32>
    %slice3A = vector.extract_strided_slice %tanh3A {offsets = [0, 0], sizes = [2000, 64], strides = [1, 1]} : vector<2000x128xf32> to vector<2000x64xf32>
    %swap3A = arith.constant 0 : index
    %swap3A_9 = arith.constant 0 : index
    %swap3A_10 = vector.load %arg3[%swap3A, %swap3A_9] : memref<2000x64xf32, #tpu.memory_space<vmem>>, vector<2000x64xf32>
    tpu.vector_store %arg3[%swap3A, %swap3A_9], %slice3A {strides = array<i32>} : memref<2000x64xf32, #tpu.memory_space<vmem>>, vector<2000x64xf32>,
    return
  }
  func.func @transform_0(%arg0: i32) -> (i32, i32, i32) {
    %c0_i32 = arith.constant 0 : i32
    %c0_i32_0 = arith.constant 0 : i32
    %c0_i32_1 = arith.constant 0 : i32
    return %c0_i32, %arg0, %c0_i32_0 : i32, i32, i32
  }
  func.func @transform_1(%arg0: i32) -> (i32, i32, i32) {
    %c1_i32 = arith.constant 1 : i32
    %c0_i32 = arith.constant 0 : i32
    %c0_i32_0 = arith.constant 0 : i32
    return %c1_i32, %arg0, %c0_i32 : i32, i32, i32
  }
  func.func @transform_2(%arg0: i32) -> (i32, i32) {
    %c0_i32 = arith.constant 0 : i32
    %c0_i32_0 = arith.constant 0 : i32
    return %arg0, %c0_i32 : i32, i32
  }
}

</mosaic_0001>

<sc_bundles>
// kernel: kernel.12.cloned.1.call-start
scs
__scs_entry_jumppad:
0x0: {  	(pc) =	sbr.rel $0x88, $3  }
0x1: {  	(tag) =	ssettag $0x0;
	lr =	simm.s32 $0x1  }
0x2: {  	[smem:$0x3F9B] =	sst lr;
	_ =	strace $0xD0000000  }
0x3: {  	_ = 	snop  }
0x4: {  	_ = 	snop  }
0x5: {  	_ = 	snop  }
0x6: {  	_ = 	snop  }
0x7: {  	_ = 	snop  }
__scs_overlays_trampoline_lowered:
0x8: {  	[smem:$0x3FAA] =	sst s0  }
0x9: {  	[smem:$0x3FAB] =	sst s1  }
0xa: {  	[smem:$0x3FAC] =	sst s2  }
0xb: {  	[smem:$0x3FAD] =	sst s3  }
0xc: {  	[smem:$0x3FAE] =	sst s4  }
0xd: {  	[smem:$0x3FAF] =	sst s5  }
0xe: {  	[smem:$0x3FB0] =	sst s6  }
0xf: {  	[smem:$0x3FB1] =	sst s7  }
0x10: {  	[smem:$0x3FB2] =	sst s8  }
0x11: {  	[smem:$0x3FB3] =	sst s9;
	s0 =	simm.s32 @!p0 $0x0  }
0x12: {  	s1 =	sld [smem:$0x3F99];
	s0 =	simm.s32 @p0 $0x1  }
0x13: {  	[smem:$0x3FB4] =	sst s0;
	s0 =	simm.s32 @!p1 $0x0  }
0x14: {  	s2 =	sld [smem:$0x3F98];
	s0 =	simm.s32 @p1 $0x1  }
0x15: {  	[smem:$0x3FB5] =	sst s0;
	s0 =	simm.s32 @!p2 $0x0  }
0x16: {  	s3 =	sld [smem:$0x3FDB];
	s0 =	simm.s32 @p2 $0x1  }
0x17: {  	s4 =	simm.s32 $0x1BF5;
	[smem:$0x3FB7] =	sst s0  }
0x18: {  	s0 =	sld [smem:$0x3F9A];
	_ =	swait.ge [sflag:s4], $0x0  }
0x19: {  	s7 =	sld [smem:$0x3F9B]  }
0x1a: {  	s8 =	sadd.s32 $0xFFFFE003, lr  }
0x1b: {  	s9 =	sadd.s32 $0xFFFFFEF7, lr;
	s5 =	simm.s32 $0xFFFFFFFF;
	p2 =	slt.u32 s8, $0xFFFFF086  }
0x1c: {  	p1 =	slt.u32 s9, $0xF7A;
	s5 =	simm.s32 @!p2 $0x0  }
0x1d: {  	s5 =	simm.s32 @p1 $0x1;
	p0 =	seq.s32 s7, s2  }
0x1e: {  	s7 =	smul.u32 @!p0 $0xF7A, s2;
	p2 =	seq.s32 @!p0 s5, $0x0  }
0x1f: {  	s9 =	smul.u32 $0xF7A, s1;
	s8 =	simm.s32 @!p0 $0x1BF5;
	p2 =	por !p2, p0  }
0x20: {  	[sflag:s8] =	ssyncset.s32 @!p0 $0xFFFFF086;
	s6 =	sadd.s32 @!p0 s3, s7;
	s7 =	simm.s32 @!p0 $0x108  }
0x21: {  	s3 =	sadd.s32 s3, s9;
	s6 =	sadd.s32 @!p0 $0x88, s6;
	s7 =	simm.s32 @p2 $0x1082  }
0x22: {  	[simem:s7], [sflag:s8] =	dma.local @!p0 [hbm:s6], $0xF7A  }
0x23: {  	s9 =	sor.u32 $0xD0000000, s2;
	s6 =	simm.s32 $0x108;
	_ =	swait.ge @!p0 [sflag:s8], $0x0  }
0x24: {  	s3 =	sadd.s32 $0x88, s3;
	s6 =	simm.s32 @!p1 $0x1082;
	[sflag:s4] =	ssyncset.s32 $0xFFFFF086  }
0x25: {  	[simem:s6], [sflag:s4] =	dma.local [hbm:s3], $0xF7A  }
0x26: {  	[smem:$0x3F9B] =	sst s1;
	(tag) =	ssettag s2;
	_ =	strace s9  }
0x27: {  	s1 =	sld [smem:$0x3FAB]  }
0x28: {  	s2 =	sld [smem:$0x3FAC]  }
0x29: {  	s4 =	sld [smem:$0x3FAE]  }
0x2a: {  	p0 =	seq.s32 s5, $0x0;
	s5 =	sld [smem:$0x3FAF]  }
0x2b: {  	s6 =	sld [smem:$0x3FB0]  }
0x2c: {  	s7 =	sld [smem:$0x3FB1]  }
0x2d: {  	s3 =	simm.s32 $0x108;
	s8 =	sld [smem:$0x3FB2]  }
0x2e: {  	s3 =	simm.s32 @!p0 $0x1082;
	s9 =	sld [smem:$0x3FB3]  }
0x2f: {  	lr =	sadd.s32 s0, s3;
	s0 =	sld [smem:$0x3FAA]  }
0x30: {  	s3 =	sld [smem:$0x3FAD]  }
0x31: {  	[smem:$0x3FB6] =	sst s10  }
0x32: {  	s10 =	sld [smem:$0x3FB4];
	_ =	sdelay $0x3  }
0x33: {  	p0 =	seq.s32 s10, $0x1;
	s10 =	sld [smem:$0x3FB6];
	_ =	sdelay $0x3  }
0x34: {  	[smem:$0x3FB6] =	sst s10  }
0x35: {  	s10 =	sld [smem:$0x3FB5];
	_ =	sdelay $0x3  }
0x36: {  	p1 =	seq.s32 s10, $0x1;
	s10 =	sld [smem:$0x3FB6];
	_ =	sdelay $0x3  }
0x37: {  	[smem:$0x3FB6] =	sst s10  }
0x38: {  	s10 =	sld [smem:$0x3FB7]  }
0x39: {  	_ = 	snop;
	(pc) =	sbr.ind lr, $3  }
0x3a: {  	_ = 	snop  }
0x3b: {  	_ = 	snop  }
0x3c: {  	p2 =	seq.s32 s10, $0x1;
	s10 =	sld [smem:$0x3FB6]  }
0x3d: {  	_ =	shalt  }
0x3e: {  	_ =	shalt  }
0x3f: {  	_ =	shalt  }
0x40: {  	_ =	shalt  }
0x41: {  	_ =	shalt  }
0x42: {  	_ =	shalt  }
0x43: {  	_ =	shalt  }
0x44: {  	_ =	shalt  }
0x45: {  	_ =	shalt  }
0x46: {  	_ =	shalt  }
0x47: {  	_ =	shalt  }
0x48: {  	_ =	shalt  }
0x49: {  	_ =	shalt  }
0x4a: {  	_ =	shalt  }
0x4b: {  	_ =	shalt  }
0x4c: {  	_ =	shalt  }
0x4d: {  	_ =	shalt  }
0x4e: {  	_ =	shalt  }
0x4f: {  	_ =	shalt  }
0x50: {  	_ =	shalt  }
0x51: {  	_ =	shalt  }
0x52: {  	_ =	shalt  }
0x53: {  	_ =	shalt  }
0x54: {  	_ =	shalt  }
0x55: {  	_ =	shalt  }
0x56: {  	_ =	shalt  }
0x57: {  	_ =	shalt  }
0x58: {  	_ =	shalt  }
0x59: {  	_ =	shalt  }
0x5a: {  	_ =	shalt  }
0x5b: {  	_ =	shalt  }
0x5c: {  	_ =	shalt  }
0x5d: {  	_ =	shalt  }
0x5e: {  	_ =	shalt  }
0x5f: {  	_ =	shalt  }
0x60: {  	_ =	shalt  }
0x61: {  	_ =	shalt  }
0x62: {  	_ =	shalt  }
0x63: {  	_ =	shalt  }
0x64: {  	_ =	shalt  }
0x65: {  	_ =	shalt  }
0x66: {  	_ =	shalt  }
0x67: {  	_ =	shalt  }
0x68: {  	_ =	shalt  }
0x69: {  	_ =	shalt  }
0x6a: {  	_ =	shalt  }
0x6b: {  	_ =	shalt  }
0x6c: {  	_ =	shalt  }
0x6d: {  	_ =	shalt  }
0x6e: {  	_ =	shalt  }
0x6f: {  	_ =	shalt  }
0x70: {  	_ =	shalt  }
0x71: {  	_ =	shalt  }
0x72: {  	_ =	shalt  }
0x73: {  	_ =	shalt  }
0x74: {  	_ =	shalt  }
0x75: {  	_ =	shalt  }
0x76: {  	_ =	shalt  }
0x77: {  	_ =	shalt  }
0x78: {  	_ =	shalt  }
0x79: {  	_ =	shalt  }
0x7a: {  	_ =	shalt  }
0x7b: {  	_ =	shalt  }
0x7c: {  	_ =	shalt  }
0x7d: {  	_ =	shalt  }
0x7e: {  	_ =	shalt  }
0x7f: {  	_ =	shalt  }
0x80: {  	_ =	shalt  }
0x81: {  	_ =	shalt  }
0x82: {  	_ =	shalt  }
0x83: {  	_ =	shalt  }
0x84: {  	_ =	shalt  }
0x85: {  	_ =	shalt  }
0x86: {  	_ =	shalt  }
0x87: {  	_ =	shalt  }
.Lfunc_end0:
.L_simem_size_0:
called_computation_lowered:
.L_overlay_start_0:
0x88: {  	s2 =	sld [smem:$0x3FD9]  }
0x89: {  	s3 =	sld [smem:$0x3FFE];
	_ =	sdelay $0x1  }
0x8a: {  	s1 =	srdreg.scid  }
0x8b: {  	s0 =	sand.u32 $0x1, s1  }
0x8c: {  	s17 =	sshll.u32 s0, $0xA;
	s2 =	sadd.s32 s3, s2  }
0x8d: {  	s2 =	sadd.s32 s2, s17  }
0x8e: {  	[smem:$0x3FC2] =	sst s2  }
0x8f: {  	_ = 	snop  }
0x90: {  	s2 =	sld [smem:$0x3FD0];
	(tm) =	ssettm $0x1  }
0x91: {  	s18 =	sld [smem:$0x3FFB];
	_ =	sdelay $0x3  }
0x92: {  	_ =	strace s18  }
0x93: {  	s3 =	sld [smem:$0x3FFC];
	_ =	sdelay $0x3  }
0x94: {  	_ =	strace s3  }
0x95: {  	s3 =	sld [smem:$0x3FFD];
	_ =	sdelay $0x3  }
0x96: {  	_ =	strace s3  }
0x97: {  	_ =	strace $0x8FFFFFFF  }
0x98: {  	s19 =	sld [smem:$0x3FDB];
	_ =	sdelay $0x1  }
0x99: {  	s4 =	simm.s32 $_scs_section_size  }
0x9a: {  	s5 =	simm.s32 $_size__tile_overlayer_lowered;
	s6 =	simm.s32 $_tile_overlayer_lowered  }
0x9b: {  	s22 =	simm.s32 $0x1BFF;
	s21 =	sshll.u32 s6, $0x1;
	s3 =	sadd.s32 s4, s19  }
0x9c: {  	s7 =	simm.s32 $0x0;
	s20 =	sshll.u32 s5, $0x1;
	s5 =	sadd.s32 s21, s3  }
0x9d: {  	[timem:s7], [sflag:s22] =	dma.local [hbm:s5], s20  }
0x9e: {  	_ =	swait.ge [sflag:s22], s20  }
0x9f: {  	s4 =	ssub.s32 $0x0, s20;
	[sflag:s22] =	ssyncset.done $0x0  }
0xa0: {  	[sflag:s22] =	ssyncadd.s32 s4;
	_ =	sdelay $0x1  }
0xa1: {  	s23 =	simm.s32 $0x1B8B  }
0xa2: {  	_ =	swait.ge [sflag:s23], $0x1  }
0xa3: {  	[sflag:s23] =	ssyncset.done $0x0  }
0xa4: {  	s25 =	simm.s32 $0x1B8E;
	s24 =	sld [smem:$0x3FFE];
	[sflag:s23] =	ssyncadd.s32 $0xFFFFFFFF  }
0xa5: {  	s26 =	simm.s32 $execute0_lowered;
	[smem:$0x3FD2] =	sst s25  }
0xa6: {  	s5 =	sshll.u32 s26, $0x1;
	_ =	strace $0x80000046;
	[dreg:$0x1] =	wrdreg $0xFFFFFFFF  }
0xa7: {  	s28 =	simm.s32 $_size_execute0_lowered;
	s3 =	sadd.s32 s3, s5;
	[dreg:$0x0] =	wrdreg $0x0  }
0xa8: {  	s5 =	sshll.u32 s28, $0x1;
	[dreg:$0x2] =	wrdreg s3  }
0xa9: {  	[dreg:$0x3] =	wrdreg s5  }
0xaa: {  	[dreg:$0x4] =	wrdreg $0xC0  }
0xab: {  	_ =	task [dreg:s7], $0x5FFFF  }
0xac: {  	[dreg:$0x1] =	wrdreg $0xFFFFFFFF  }
0xad: {  	[dreg:$0x0] =	wrdreg $0x60  }
0xae: {  	[dreg:$0x2] =	wrdreg s24  }
0xaf: {  	[dreg:$0x3] =	wrdreg s2  }
0xb0: {  	[dreg:$0x4] =	wrdreg $0x0  }
0xb1: {  	[dreg:$0x5] =	wrdreg $0x9  }
0xb2: {  	_ =	task.clear_ibuf [dreg:s7], $0x6FFFF;
	_ =	strace $0x90000046  }
0xb3: {  	s29 =	simm.s32 $0x9;
	_ =	strace $0x80000048  }
0xb4: {  	_ =	swait.ge [sflag:s29], $0x1  }
0xb5: {  	[sflag:s29] =	ssyncadd.s32 $0xFFFFFFFF  }
0xb6: {  	_ =	strace $0x90000048  }
0xb7: {  	_ =	sfence  }
0xb8: {  	s30 =	sld [smem:$0x0];
	_ =	sdelay $0x2  }
0xb9: {  	s31 =	sshll.u32 s1, $0xD;
	s1 =	sshrl.u32 s1, $0x2  }
0xba: {  	s3 =	sand.u32 $0x4000, s31;
	s1 =	sadd.s32 s1, s30  }
0xbb: {  	s0 =	sor.u32 s3, s0;
	s1 =	sshll.u32 s1, $0x11  }
0xbc: {  	s0 =	sor.u32 s1, s0  }
0xbd: {  	s0 =	sadd.s32 $0x8F2B, s0  }
0xbe: {  	[sflag:s0] =	ssyncadd.remote.s32 $0x1  }
0xbf: {  	_ =	sfence.sel $0xFFFF  }
0xc0: {  	[dreg:$0x0] =	wrdreg $0xFFFFFFFF;
	(pc) =	sbr.abs _section_cstart, $3  }
0xc1: {  	[dreg:$0x1] =	wrdreg $0xFFFFFFFF  }
0xc2: {  	_ =	task.clear_ibuf [dreg:s7], $0x2FFFF;
	_ =	strace $0x9FFFFFFF  }
0xc3: {  	(tm) =	ssettm $0x7FFFFFFF  }
tec
execute0_lowered:
.L_overlay_start_1:
0x0: {  	(tag) =	ssettag $0x1  }
0x1: {  	s13 =	rddreg [dreg:$0x0]  }
0x2: {  	s11 =	rddreg [dreg:$0x1]  }
0x3: {  	s1 =	rddreg [dreg:$0x2];
	s2 =	simm.s32 $0x0  }
0x4: {  	s5 =	srdreg.scid;
	s3 =	stileid.u32;
	s16 =	simm.s32 $0x3  }
0x5: {  	s17 =	simm.s32 $0x14000;
	s18 =	simm.s32 $0x15400;
	s19 =	simm.s32 $0x80  }
0x6: {  	s20 =	simm.s32 $0x16800;
	s21 =	simm.s32 $0x1;
	s22 =	simm.s32 $0x1A800  }
0x7: {  	s23 =	simm.s32 $0x2;
	s24 =	simm.s32 $0x15380;
	s25 =	simm.s32 $0x16700  }
0x8: {  	s26 =	simm.s32 $0x16780;
	[smem:$0x7FF] =	sst s2;
	s4 =	sadd.s32 $0x21000, s13  }
0x9: {  	s8 =	sand.u32 $0x1, s5;
	s5 =	sadd.s32 $0xD000, s13;
	s10 =	smul.u32 $0x50000, s3  }
0xa: {  	s6 =	sadd.s32 $0xBD400, s13;
	s7 =	sadd.s32 $0xBFC00, s13;
	s14 =	smul.u32 $0x280, s3  }
0xb: {  	s31 =	sshll.u32 s3, $0x6;
	s13 =	sadd.s32 $0xF800, s13;
	s9 =	ssub.s32 $0x2, s8  }
0xc: {  	_ =	strace $0x80000047;
	s8 =	sshll.u32 s8, $0x1;
	s12 =	sshrl.u32 s9, $0x1  }
0xd: {  	s30 =	sshrl.u32 s10, $0x2;
	s10 =	smul.u32 $0x14000, s3;
	s11 =	sadd.s32 s11, s14  }
0xe: {  	s12 =	ssub.s32 s9, s12;
	s15 =	sadd.s32 s30, s1;
	s9 =	sor.u32 $0x1C03, s31  }
0xf: {  	s14 =	sadd.s32 $0x2800, s11;
	s12 =	smax.u32 s12, $0x1;
	s15 =	sshrl.u32 s15, $0x3  }
.LBB2_1:
0x10: {  	p1 =	por $0x1, $0x1;
	s29 =	simm.s32 $0x0  }
.LBB2_2:
0x11: {  	s28 =	sor.u32 s8, s29  }
0x12: {  	[spmem:s15], [sflag:s9] =	dma.local [hbm:s6], $0x2800  }
0x13: {  	s29 =	sshll.u32 s28, $0x5  }
0x14: {  	_ =	swait.ge [sflag:s16], $0x2800;
	s29 =	sor.u32 s3, s29  }
0x15: {  	[sflag:s16] =	ssyncset.done $0x0;
	s29 =	smul.u32 $0x280, s29  }
0x16: {  	[sflag:s16] =	ssyncadd.s32 $0xFFFFD800  }
0x17: {  	s31 =	simm.s32 $0x0;
	[bflag:$0x0] =	sbarrier.arrive $0xFFFF;
	s30 =	sadd.s32 s5, s29  }
0x18: {  	[tilespmem:s17], [sflag:$0x3] =	stream.linear.gather [hbm4b:s30+s31], $0x1400, $0x38;
	[tilespmem:$0x1E800] =	vst v63  }
0x19: {  	_ =	swait.ge [sflag:s16], $0x1400  }
0x1a: {  	[sflag:s16] =	ssyncset.done $0x0  }
0x1b: {  	[sflag:s16] =	ssyncadd.s32 $0xFFFFEC00  }
0x1c: {  	[tilespmem:s18], [sflag:$0x3] =	stream.linear.gather [hbm4b:s11+s31], $0x1400, $0x38;
	[tilespmem:$0x1E800] =	vst v63  }
0x1d: {  	_ =	swait.ge [sflag:s16], $0x1400  }
0x1e: {  	[sflag:s16] =	ssyncset.done $0x0  }
0x1f: {  	[sflag:s16] =	ssyncadd.s32 $0xFFFFEC00  }
0x20: {  	[tilespmem:s20], [sflag:$0x1] =	stream.indirect.gather [hbm4b:s4+s19], $0x80, s17, s19, $0xb8;
	[tilespmem:$0x1E800] =	vst v63  }
0x21: {  	_ =	swait.ge [sflag:s21], $0x4000  }
0x22: {  	[sflag:s21] =	ssyncset.done $0x0  }
0x23: {  	s30 =	simm.s32 $0x14080;
	[sflag:s21] =	ssyncadd.s32 $0xFFFFC000  }
0x24: {  	[tilespmem:s22], [sflag:$0x2] =	stream.indirect.gather [hbm4b:s4+s19], $0x80, s30, s19, $0xb8;
	[tilespmem:$0x1E800] =	vst v63  }
0x25: {  	s30 =	simm.s32 $0x15400  }
0x26: {  	[spmem:s1] =	stream.indirect.scatter.add.f32 [tilespmem:s20], [sflag:$0x3], $0x80, s30, s19, $0xb8;
	[tilespmem:$0x1E800] =	vst v63  }
0x27: {  	_ =	swait.ge [sflag:s16], $0x4000  }
0x28: {  	[sflag:s16] =	ssyncset.done $0x0  }
0x29: {  	[sflag:s16] =	ssyncadd.s32 $0xFFFFC000  }
0x2a: {  	_ =	swait.ge [sflag:s23], $0x4000  }
0x2b: {  	[sflag:s23] =	ssyncset.done $0x0  }
0x2c: {  	s30 =	simm.s32 $0x14100;
	[sflag:s23] =	ssyncadd.s32 $0xFFFFC000  }
0x2d: {  	[tilespmem:s20], [sflag:$0x1] =	stream.indirect.gather [hbm4b:s4+s19], $0x80, s30, s19, $0xb8;
	[tilespmem:$0x1E800] =	vst v63  }
0x2e: {  	s30 =	simm.s32 $0x15480  }
0x2f: {  	[spmem:s1] =	stream.indirect.scatter.add.f32 [tilespmem:s22], [sflag:$0x3], $0x80, s30, s19, $0xb8;
	[tilespmem:$0x1E800] =	vst v63  }
0x30: {  	_ =	swait.ge [sflag:s16], $0x4000  }
0x31: {  	p0 =	por p1, p1;
	s30 =	simm.s32 $0x400;
	[sflag:s16] =	ssyncset.done $0x0  }
.LBB2_3:
0x32: {  	p1 =	sne.s32 s30, $0x4800  }
0x33: {  	[sflag:s16] =	ssyncadd.s32 $0xFFFFC000;
	s31 =	smov.u32 s30;
	s30 =	sadd.s32 $0x400, s30  }
0x34: {  	_ = 	snop  }
0x35: {  	_ =	swait.ge [sflag:s21], $0x4000  }
0x36: {  	s31 =	sshra.s32 s31, $0x2;
	[sflag:s21] =	ssyncset.done $0x0  }
0x37: {  	s0 =	sadd.s32 $0x14080, s31;
	[sflag:s21] =	ssyncadd.s32 $0xFFFFC000  }
0x38: {  	[tilespmem:s22], [sflag:$0x2] =	stream.indirect.gather [hbm4b:s4+s19], $0x80, s0, s19, $0xb8;
	[tilespmem:$0x1E800] =	vst v63  }
0x39: {  	s0 =	sadd.s32 $0x15400, s31  }
0x3a: {  	[spmem:s1] =	stream.indirect.scatter.add.f32 [tilespmem:s20], [sflag:$0x3], $0x80, s0, s19, $0xb8;
	[tilespmem:$0x1E800] =	vst v63  }
0x3b: {  	_ =	swait.ge [sflag:s16], $0x4000  }
0x3c: {  	[sflag:s16] =	ssyncset.done $0x0  }
0x3d: {  	[sflag:s16] =	ssyncadd.s32 $0xFFFFC000  }
0x3e: {  	_ =	swait.ge [sflag:s23], $0x4000  }
0x3f: {  	[sflag:s23] =	ssyncset.done $0x0  }
0x40: {  	s0 =	sadd.s32 $0x14100, s31;
	[sflag:s23] =	ssyncadd.s32 $0xFFFFC000  }
0x41: {  	[tilespmem:s20], [sflag:$0x1] =	stream.indirect.gather [hbm4b:s4+s19], $0x80, s0, s19, $0xb8;
	[tilespmem:$0x1E800] =	vst v63  }
.Ltmp0:
0x42: {  	_ = 	snop;
	(pc) =	sbr.rel @p1 .LBB2_3-.Ltmp0, $4  }
0x43: {  	s0 =	sadd.s32 $0x15480, s31  }
0x44: {  	[spmem:s1] =	stream.indirect.scatter.add.f32 [tilespmem:s22], [sflag:$0x3], $0x80, s0, s19, $0xb8;
	[tilespmem:$0x1E800] =	vst v63  }
0x45: {  	_ =	swait.ge [sflag:s16], $0x4000  }
0x46: {  	[sflag:s16] =	ssyncset.done $0x0  }
0x47: {  	[sflag:s16] =	ssyncadd.s32 $0xFFFFC000  }
0x48: {  	_ =	swait.ge [sflag:s21], $0x4000  }
0x49: {  	[sflag:s21] =	ssyncset.done $0x0  }
0x4a: {  	[sflag:s21] =	ssyncadd.s32 $0xFFFFC000  }
0x4b: {  	[tilespmem:s22], [sflag:$0x2] =	stream.indirect.gather [hbm4b:s4+s19], $0x80, s24, s19, $0xb8;
	[tilespmem:$0x1E800] =	vst v63  }
0x4c: {  	_ = 	snop  }
0x4d: {  	[spmem:s1] =	stream.indirect.scatter.add.f32 [tilespmem:s20], [sflag:$0x3], $0x80, s25, s19, $0xb8;
	[tilespmem:$0x1E800] =	vst v63  }
0x4e: {  	_ =	swait.ge [sflag:s16], $0x4000  }
0x4f: {  	[sflag:s16] =	ssyncset.done $0x0  }
0x50: {  	[sflag:s16] =	ssyncadd.s32 $0xFFFFC000  }
0x51: {  	_ =	swait.ge [sflag:s23], $0x4000  }
0x52: {  	[sflag:s23] =	ssyncset.done $0x0  }
0x53: {  	[sflag:s23] =	ssyncadd.s32 $0xFFFFC000  }
0x54: {  	[spmem:s1] =	stream.indirect.scatter.add.f32 [tilespmem:s22], [sflag:$0x3], $0x80, s26, s19, $0xb8;
	[tilespmem:$0x1E800] =	vst v63  }
0x55: {  	_ =	swait.ge [sflag:s16], $0x4000  }
0x56: {  	[sflag:s16] =	ssyncset.done $0x0  }
0x57: {  	s0 =	sadd.s32 s13, s29;
	s29 =	simm.s32 $0x0;
	[sflag:s16] =	ssyncadd.s32 $0xFFFFC000  }
0x58: {  	[tilespmem:s17], [sflag:$0x3] =	stream.linear.gather [hbm4b:s0+s29], $0x1400, $0x38;
	[tilespmem:$0x1E800] =	vst v63  }
0x59: {  	_ =	swait.ge [sflag:s16], $0x1400  }
0x5a: {  	[sflag:s16] =	ssyncset.done $0x0  }
0x5b: {  	[sflag:s16] =	ssyncadd.s32 $0xFFFFEC00  }
0x5c: {  	[tilespmem:s18], [sflag:$0x3] =	stream.linear.gather [hbm4b:s14+s29], $0x1400, $0x38;
	[tilespmem:$0x1E800] =	vst v63  }
0x5d: {  	_ =	swait.ge [sflag:s16], $0x1400  }
0x5e: {  	[sflag:s16] =	ssyncset.done $0x0  }
0x5f: {  	[sflag:s16] =	ssyncadd.s32 $0xFFFFEC00  }
0x60: {  	[tilespmem:s20], [sflag:$0x1] =	stream.indirect.gather [hbm4b:s4+s19], $0x80, s17, s19, $0xb8;
	[tilespmem:$0x1E800] =	vst v63  }
0x61: {  	_ =	swait.ge [sflag:s21], $0x4000  }
0x62: {  	[sflag:s21] =	ssyncset.done $0x0  }
0x63: {  	s30 =	simm.s32 $0x14080;
	[sflag:s21] =	ssyncadd.s32 $0xFFFFC000  }
0x64: {  	[tilespmem:s22], [sflag:$0x2] =	stream.indirect.gather [hbm4b:s4+s19], $0x80, s30, s19, $0xb8;
	[tilespmem:$0x1E800] =	vst v63  }
0x65: {  	s31 =	simm.s32 $0x15400  }
0x66: {  	[spmem:s1] =	stream.indirect.scatter.add.f32 [tilespmem:s20], [sflag:$0x3], $0x80, s31, s19, $0xb8;
	[tilespmem:$0x1E800] =	vst v63  }
0x67: {  	_ =	swait.ge [sflag:s16], $0x4000  }
0x68: {  	[sflag:s16] =	ssyncset.done $0x0  }
0x69: {  	[sflag:s16] =	ssyncadd.s32 $0xFFFFC000  }
0x6a: {  	_ =	swait.ge [sflag:s23], $0x4000  }
0x6b: {  	[sflag:s23] =	ssyncset.done $0x0  }
0x6c: {  	s30 =	simm.s32 $0x14100;
	[sflag:s23] =	ssyncadd.s32 $0xFFFFC000  }
0x6d: {  	[tilespmem:s20], [sflag:$0x1] =	stream.indirect.gather [hbm4b:s4+s19], $0x80, s30, s19, $0xb8;
	[tilespmem:$0x1E800] =	vst v63  }
0x6e: {  	s31 =	simm.s32 $0x15480  }
0x6f: {  	[spmem:s1] =	stream.indirect.scatter.add.f32 [tilespmem:s22], [sflag:$0x3], $0x80, s31, s19, $0xb8;
	[tilespmem:$0x1E800] =	vst v63  }
0x70: {  	_ =	swait.ge [sflag:s16], $0x4000  }
0x71: {  	s29 =	simm.s32 $0x400;
	[sflag:s16] =	ssyncset.done $0x0  }
.LBB2_5:
0x72: {  	p1 =	sne.s32 s29, $0x4800  }
0x73: {  	[sflag:s16] =	ssyncadd.s32 $0xFFFFC000;
	s0 =	smov.u32 s29;
	s29 =	sadd.s32 $0x400, s29  }
0x74: {  	_ = 	snop  }
0x75: {  	_ =	swait.ge [sflag:s21], $0x4000  }
0x76: {  	s0 =	sshra.s32 s0, $0x2;
	[sflag:s21] =	ssyncset.done $0x0  }
0x77: {  	s30 =	sadd.s32 $0x14080, s0;
	[sflag:s21] =	ssyncadd.s32 $0xFFFFC000  }
0x78: {  	[tilespmem:s22], [sflag:$0x2] =	stream.indirect.gather [hbm4b:s4+s19], $0x80, s30, s19, $0xb8;
	[tilespmem:$0x1E800] =	vst v63  }
0x79: {  	s30 =	sadd.s32 $0x15400, s0  }
0x7a: {  	[spmem:s1] =	stream.indirect.scatter.add.f32 [tilespmem:s20], [sflag:$0x3], $0x80, s30, s19, $0xb8;
	[tilespmem:$0x1E800] =	vst v63  }
0x7b: {  	_ =	swait.ge [sflag:s16], $0x4000  }
0x7c: {  	[sflag:s16] =	ssyncset.done $0x0  }
0x7d: {  	[sflag:s16] =	ssyncadd.s32 $0xFFFFC000  }
0x7e: {  	_ =	swait.ge [sflag:s23], $0x4000  }
0x7f: {  	[sflag:s23] =	ssyncset.done $0x0  }
0x80: {  	s30 =	sadd.s32 $0x14100, s0;
	[sflag:s23] =	ssyncadd.s32 $0xFFFFC000  }
0x81: {  	[tilespmem:s20], [sflag:$0x1] =	stream.indirect.gather [hbm4b:s4+s19], $0x80, s30, s19, $0xb8;
	[tilespmem:$0x1E800] =	vst v63  }
.Ltmp1:
0x82: {  	_ = 	snop;
	(pc) =	sbr.rel @p1 .LBB2_5-.Ltmp1, $4  }
0x83: {  	s0 =	sadd.s32 $0x15480, s0  }
0x84: {  	[spmem:s1] =	stream.indirect.scatter.add.f32 [tilespmem:s22], [sflag:$0x3], $0x80, s0, s19, $0xb8;
	[tilespmem:$0x1E800] =	vst v63  }
0x85: {  	_ =	swait.ge [sflag:s16], $0x4000  }
0x86: {  	[sflag:s16] =	ssyncset.done $0x0  }
0x87: {  	[sflag:s16] =	ssyncadd.s32 $0xFFFFC000;
	s29 =	simm.s32 $0x1  }
0x88: {  	_ =	swait.ge [sflag:s29], $0x4000  }
0x89: {  	[sflag:s29] =	ssyncset.done $0x0  }
0x8a: {  	[sflag:s29] =	ssyncadd.s32 $0xFFFFC000  }
0x8b: {  	[tilespmem:s22], [sflag:$0x2] =	stream.indirect.gather [hbm4b:s4+s19], $0x80, s24, s19, $0xb8;
	[tilespmem:$0x1E800] =	vst v63  }
0x8c: {  	_ = 	snop  }
0x8d: {  	[spmem:s1] =	stream.indirect.scatter.add.f32 [tilespmem:s20], [sflag:$0x3], $0x80, s25, s19, $0xb8;
	[tilespmem:$0x1E800] =	vst v63  }
0x8e: {  	_ =	swait.ge [sflag:s16], $0x4000  }
0x8f: {  	[sflag:s16] =	ssyncset.done $0x0  }
0x90: {  	[sflag:s16] =	ssyncadd.s32 $0xFFFFC000  }
0x91: {  	_ =	swait.ge [sflag:s23], $0x4000  }
0x92: {  	[sflag:s23] =	ssyncset.done $0x0  }
0x93: {  	s0 =	smul.u32 $0x140000, s28;
	[sflag:s23] =	ssyncadd.s32 $0xFFFFC000  }
0x94: {  	[spmem:s1] =	stream.indirect.scatter.add.f32 [tilespmem:s22], [sflag:$0x3], $0x80, s26, s19, $0xb8;
	[tilespmem:$0x1E800] =	vst v63  }
0x95: {  	_ =	swait.ge [sflag:s16], $0x4000  }
0x96: {  	s0 =	sadd.s32 s10, s0;
	[sflag:s16] =	ssyncset.done $0x0  }
0x97: {  	s0 =	sshrl.u32 s0, $0x3;
	[sflag:s16] =	ssyncadd.s32 $0xFFFFC000  }
.Ltmp2:
0x98: {  	s0 =	sadd.s32 s7, s0;
	[bflag:$0x0] =	sbarrier.arrive $0xFFFF;
	(pc) =	sbr.rel @p0 .LBB2_2-.Ltmp2, $4  }
0x99: {  	[hbm:s0], [sflag:s9] =	dma.local [spmem:s15], $0x2800  }
0x9a: {  	_ =	swait.ge [sflag:s16], $0x2800  }
0x9b: {  	[sflag:s16] =	ssyncset.done $0x0  }
0x9c: {  	p1 =	por $0x0, $0x0;
	[sflag:s16] =	ssyncadd.s32 $0xFFFFD800  }
0x9d: {  	s2 =	sadd.s32 $0x1, s2  }
0x9e: {  	p0 =	sne.s32 s2, s12  }
.Ltmp3:
0x9f: {  	_ = 	snop;
	(pc) =	sbr.rel @p0 .LBB2_1-.Ltmp3, $1  }
0xa0: {  	_ =	sdelay $0x3  }
0xa1: {  	_ =	sfence.sel $0x180000  }
0xa2: {  	[bflag:$0x0] =	sbarrier.arrive $0xFFFF  }
0xa3: {  	_ =	strace $0x90000047  }
0xa4: {  	[bflag:$0x2] =	sbarrier.arrive $0xFFFF  }
0xa5: {  	p0 =	sne.s32 s3, $0x0;
	s0 =	rddreg [dreg:$0x3]  }
0xa6: {  	s0 =	sadd.s32 @!p0 $0x100000, s0  }
0xa7: {  	[sflag:s0] =	ssyncadd.tile.s32 @!p0 $0x1;
	_ =	shalt  }
.Lfunc_end2:
_tile_overlayer_lowered:
.L_overlay_start_2:
0xa8: {  	(tag) =	ssettag $0x2  }
0xa9: {  	s0 =	rddreg [dreg:$0x0];
	s2 =	stileid.u32  }
0xaa: {  	s1 =	rddreg [dreg:$0x1];
	p0 =	sne.s32 s2, $0x0  }
0xab: {  	s3 =	rddreg [dreg:$0x2];
	[bflag:$0x3] =	sbarrier.arrive $0xFFFF;
	s2 =	simm.s32 @!p0 $0x1C03  }
0xac: {  	[timem:s3], [sflag:s2] =	dma.local @!p0 [hbm:s0], s1  }
0xad: {  	s0 =	simm.s32 @!p0 $0x3  }
0xae: {  	_ =	swait.ge @!p0 [sflag:s0], s1  }
0xaf: {  	s1 =	ssub.s32 @!p0 $0x0, s1;
	[sflag:s0] =	ssyncset.done @!p0 $0x0  }
0xb0: {  	[sflag:s0] =	ssyncadd.s32 @!p0 s1  }
0xb1: {  	[bflag:$0x3] =	sbarrier.arrive $0xFFFF  }
0xb2: {  	_ =	shalt  }

// kernel: kernel.15.cloned.1.call-start
scs
__scs_entry_jumppad:
0x0: {  	(pc) =	sbr.rel $0x88, $3  }
0x1: {  	(tag) =	ssettag $0x0;
	lr =	simm.s32 $0x1  }
0x2: {  	[smem:$0x3F9B] =	sst lr;
	_ =	strace $0xD0000000  }
0x3: {  	_ = 	snop  }
0x4: {  	_ = 	snop  }
0x5: {  	_ = 	snop  }
0x6: {  	_ = 	snop  }
0x7: {  	_ = 	snop  }
__scs_overlays_trampoline_lowered:
0x8: {  	[smem:$0x3FAA] =	sst s0  }
0x9: {  	[smem:$0x3FAB] =	sst s1  }
0xa: {  	[smem:$0x3FAC] =	sst s2  }
0xb: {  	[smem:$0x3FAD] =	sst s3  }
0xc: {  	[smem:$0x3FAE] =	sst s4  }
0xd: {  	[smem:$0x3FAF] =	sst s5  }
0xe: {  	[smem:$0x3FB0] =	sst s6  }
0xf: {  	[smem:$0x3FB1] =	sst s7  }
0x10: {  	[smem:$0x3FB2] =	sst s8  }
0x11: {  	[smem:$0x3FB3] =	sst s9;
	s0 =	simm.s32 @!p0 $0x0  }
0x12: {  	s1 =	sld [smem:$0x3F99];
	s0 =	simm.s32 @p0 $0x1  }
0x13: {  	[smem:$0x3FB4] =	sst s0;
	s0 =	simm.s32 @!p1 $0x0  }
0x14: {  	s2 =	sld [smem:$0x3F98];
	s0 =	simm.s32 @p1 $0x1  }
0x15: {  	[smem:$0x3FB5] =	sst s0;
	s0 =	simm.s32 @!p2 $0x0  }
0x16: {  	s3 =	sld [smem:$0x3FDB];
	s0 =	simm.s32 @p2 $0x1  }
0x17: {  	s4 =	simm.s32 $0x1BF5;
	[smem:$0x3FB7] =	sst s0  }
0x18: {  	s0 =	sld [smem:$0x3F9A];
	_ =	swait.ge [sflag:s4], $0x0  }
0x19: {  	s7 =	sld [smem:$0x3F9B]  }
0x1a: {  	s8 =	sadd.s32 $0xFFFFE003, lr  }
0x1b: {  	s9 =	sadd.s32 $0xFFFFFEF7, lr;
	s5 =	simm.s32 $0xFFFFFFFF;
	p2 =	slt.u32 s8, $0xFFFFF086  }
0x1c: {  	p1 =	slt.u32 s9, $0xF7A;
	s5 =	simm.s32 @!p2 $0x0  }
0x1d: {  	s5 =	simm.s32 @p1 $0x1;
	p0 =	seq.s32 s7, s2  }
0x1e: {  	s7 =	smul.u32 @!p0 $0xF7A, s2;
	p2 =	seq.s32 @!p0 s5, $0x0  }
0x1f: {  	s9 =	smul.u32 $0xF7A, s1;
	s8 =	simm.s32 @!p0 $0x1BF5;
	p2 =	por !p2, p0  }
0x20: {  	[sflag:s8] =	ssyncset.s32 @!p0 $0xFFFFF086;
	s6 =	sadd.s32 @!p0 s3, s7;
	s7 =	simm.s32 @!p0 $0x108  }
0x21: {  	s3 =	sadd.s32 s3, s9;
	s6 =	sadd.s32 @!p0 $0x88, s6;
	s7 =	simm.s32 @p2 $0x1082  }
0x22: {  	[simem:s7], [sflag:s8] =	dma.local @!p0 [hbm:s6], $0xF7A  }
0x23: {  	s9 =	sor.u32 $0xD0000000, s2;
	s6 =	simm.s32 $0x108;
	_ =	swait.ge @!p0 [sflag:s8], $0x0  }
0x24: {  	s3 =	sadd.s32 $0x88, s3;
	s6 =	simm.s32 @!p1 $0x1082;
	[sflag:s4] =	ssyncset.s32 $0xFFFFF086  }
0x25: {  	[simem:s6], [sflag:s4] =	dma.local [hbm:s3], $0xF7A  }
0x26: {  	[smem:$0x3F9B] =	sst s1;
	(tag) =	ssettag s2;
	_ =	strace s9  }
0x27: {  	s1 =	sld [smem:$0x3FAB]  }
0x28: {  	s2 =	sld [smem:$0x3FAC]  }
0x29: {  	s4 =	sld [smem:$0x3FAE]  }
0x2a: {  	p0 =	seq.s32 s5, $0x0;
	s5 =	sld [smem:$0x3FAF]  }
0x2b: {  	s6 =	sld [smem:$0x3FB0]  }
0x2c: {  	s7 =	sld [smem:$0x3FB1]  }
0x2d: {  	s3 =	simm.s32 $0x108;
	s8 =	sld [smem:$0x3FB2]  }
0x2e: {  	s3 =	simm.s32 @!p0 $0x1082;
	s9 =	sld [smem:$0x3FB3]  }
0x2f: {  	lr =	sadd.s32 s0, s3;
	s0 =	sld [smem:$0x3FAA]  }
0x30: {  	s3 =	sld [smem:$0x3FAD]  }
0x31: {  	[smem:$0x3FB6] =	sst s10  }
0x32: {  	s10 =	sld [smem:$0x3FB4];
	_ =	sdelay $0x3  }
0x33: {  	p0 =	seq.s32 s10, $0x1;
	s10 =	sld [smem:$0x3FB6];
	_ =	sdelay $0x3  }
0x34: {  	[smem:$0x3FB6] =	sst s10  }
0x35: {  	s10 =	sld [smem:$0x3FB5];
	_ =	sdelay $0x3  }
0x36: {  	p1 =	seq.s32 s10, $0x1;
	s10 =	sld [smem:$0x3FB6];
	_ =	sdelay $0x3  }
0x37: {  	[smem:$0x3FB6] =	sst s10  }
0x38: {  	s10 =	sld [smem:$0x3FB7]  }
0x39: {  	_ = 	snop;
	(pc) =	sbr.ind lr, $3  }
0x3a: {  	_ = 	snop  }
0x3b: {  	_ = 	snop  }
0x3c: {  	p2 =	seq.s32 s10, $0x1;
	s10 =	sld [smem:$0x3FB6]  }
0x3d: {  	_ =	shalt  }
0x3e: {  	_ =	shalt  }
0x3f: {  	_ =	shalt  }
0x40: {  	_ =	shalt  }
0x41: {  	_ =	shalt  }
0x42: {  	_ =	shalt  }
0x43: {  	_ =	shalt  }
0x44: {  	_ =	shalt  }
0x45: {  	_ =	shalt  }
0x46: {  	_ =	shalt  }
0x47: {  	_ =	shalt  }
0x48: {  	_ =	shalt  }
0x49: {  	_ =	shalt  }
0x4a: {  	_ =	shalt  }
0x4b: {  	_ =	shalt  }
0x4c: {  	_ =	shalt  }
0x4d: {  	_ =	shalt  }
0x4e: {  	_ =	shalt  }
0x4f: {  	_ =	shalt  }
0x50: {  	_ =	shalt  }
0x51: {  	_ =	shalt  }
0x52: {  	_ =	shalt  }
0x53: {  	_ =	shalt  }
0x54: {  	_ =	shalt  }
0x55: {  	_ =	shalt  }
0x56: {  	_ =	shalt  }
0x57: {  	_ =	shalt  }
0x58: {  	_ =	shalt  }
0x59: {  	_ =	shalt  }
0x5a: {  	_ =	shalt  }
0x5b: {  	_ =	shalt  }
0x5c: {  	_ =	shalt  }
0x5d: {  	_ =	shalt  }
0x5e: {  	_ =	shalt  }
0x5f: {  	_ =	shalt  }
0x60: {  	_ =	shalt  }
0x61: {  	_ =	shalt  }
0x62: {  	_ =	shalt  }
0x63: {  	_ =	shalt  }
0x64: {  	_ =	shalt  }
0x65: {  	_ =	shalt  }
0x66: {  	_ =	shalt  }
0x67: {  	_ =	shalt  }
0x68: {  	_ =	shalt  }
0x69: {  	_ =	shalt  }
0x6a: {  	_ =	shalt  }
0x6b: {  	_ =	shalt  }
0x6c: {  	_ =	shalt  }
0x6d: {  	_ =	shalt  }
0x6e: {  	_ =	shalt  }
0x6f: {  	_ =	shalt  }
0x70: {  	_ =	shalt  }
0x71: {  	_ =	shalt  }
0x72: {  	_ =	shalt  }
0x73: {  	_ =	shalt  }
0x74: {  	_ =	shalt  }
0x75: {  	_ =	shalt  }
0x76: {  	_ =	shalt  }
0x77: {  	_ =	shalt  }
0x78: {  	_ =	shalt  }
0x79: {  	_ =	shalt  }
0x7a: {  	_ =	shalt  }
0x7b: {  	_ =	shalt  }
0x7c: {  	_ =	shalt  }
0x7d: {  	_ =	shalt  }
0x7e: {  	_ =	shalt  }
0x7f: {  	_ =	shalt  }
0x80: {  	_ =	shalt  }
0x81: {  	_ =	shalt  }
0x82: {  	_ =	shalt  }
0x83: {  	_ =	shalt  }
0x84: {  	_ =	shalt  }
0x85: {  	_ =	shalt  }
0x86: {  	_ =	shalt  }
0x87: {  	_ =	shalt  }
.Lfunc_end0:
.L_simem_size_0:
called_computation.1_lowered:
.L_overlay_start_0:
0x88: {  	s2 =	sld [smem:$0x3FD9]  }
0x89: {  	s3 =	sld [smem:$0x3FFE];
	_ =	sdelay $0x1  }
0x8a: {  	s1 =	srdreg.scid  }
0x8b: {  	s0 =	sand.u32 $0x1, s1  }
0x8c: {  	s17 =	sshll.u32 s0, $0xA;
	s2 =	sadd.s32 s3, s2  }
0x8d: {  	s2 =	sadd.s32 s2, s17  }
0x8e: {  	[smem:$0x3FC2] =	sst s2  }
0x8f: {  	_ = 	snop  }
0x90: {  	s2 =	sld [smem:$0x3FD0];
	(tm) =	ssettm $0x1  }
0x91: {  	s18 =	sld [smem:$0x3FFB];
	_ =	sdelay $0x3  }
0x92: {  	_ =	strace s18  }
0x93: {  	s3 =	sld [smem:$0x3FFC];
	_ =	sdelay $0x3  }
0x94: {  	_ =	strace s3  }
0x95: {  	s3 =	sld [smem:$0x3FFD];
	_ =	sdelay $0x3  }
0x96: {  	_ =	strace s3  }
0x97: {  	_ =	strace $0x8FFFFFFF  }
0x98: {  	s19 =	sld [smem:$0x3FDB];
	_ =	sdelay $0x1  }
0x99: {  	s4 =	simm.s32 $_scs_section_size  }
0x9a: {  	s5 =	simm.s32 $_size__tile_overlayer_lowered;
	s6 =	simm.s32 $_tile_overlayer_lowered  }
0x9b: {  	s22 =	simm.s32 $0x1BFF;
	s21 =	sshll.u32 s6, $0x1;
	s3 =	sadd.s32 s4, s19  }
0x9c: {  	s7 =	simm.s32 $0x0;
	s20 =	sshll.u32 s5, $0x1;
	s5 =	sadd.s32 s21, s3  }
0x9d: {  	[timem:s7], [sflag:s22] =	dma.local [hbm:s5], s20  }
0x9e: {  	_ =	swait.ge [sflag:s22], s20  }
0x9f: {  	s4 =	ssub.s32 $0x0, s20;
	[sflag:s22] =	ssyncset.done $0x0  }
0xa0: {  	[sflag:s22] =	ssyncadd.s32 s4;
	_ =	sdelay $0x1  }
0xa1: {  	s23 =	simm.s32 $0x1B8B  }
0xa2: {  	_ =	swait.ge [sflag:s23], $0x1  }
0xa3: {  	[sflag:s23] =	ssyncset.done $0x0  }
0xa4: {  	s25 =	simm.s32 $0x1B8E;
	s24 =	sld [smem:$0x3FFE];
	[sflag:s23] =	ssyncadd.s32 $0xFFFFFFFF  }
0xa5: {  	s26 =	simm.s32 $execute0_lowered;
	[smem:$0x3FD2] =	sst s25  }
0xa6: {  	s5 =	sshll.u32 s26, $0x1;
	_ =	strace $0x80000049;
	[dreg:$0x1] =	wrdreg $0xFFFFFFFF  }
0xa7: {  	s28 =	simm.s32 $_size_execute0_lowered;
	s3 =	sadd.s32 s3, s5;
	[dreg:$0x0] =	wrdreg $0x0  }
0xa8: {  	s5 =	sshll.u32 s28, $0x1;
	[dreg:$0x2] =	wrdreg s3  }
0xa9: {  	[dreg:$0x3] =	wrdreg s5  }
0xaa: {  	[dreg:$0x4] =	wrdreg $0xC0  }
0xab: {  	_ =	task [dreg:s7], $0x5FFFF  }
0xac: {  	[dreg:$0x1] =	wrdreg $0xFFFFFFFF  }
0xad: {  	[dreg:$0x0] =	wrdreg $0x60  }
0xae: {  	[dreg:$0x2] =	wrdreg s24  }
0xaf: {  	[dreg:$0x3] =	wrdreg s2  }
0xb0: {  	[dreg:$0x4] =	wrdreg $0x0  }
0xb1: {  	[dreg:$0x5] =	wrdreg $0x9  }
0xb2: {  	_ =	task.clear_ibuf [dreg:s7], $0x6FFFF;
	_ =	strace $0x90000049  }
0xb3: {  	s29 =	simm.s32 $0x9;
	_ =	strace $0x8000004B  }
0xb4: {  	_ =	swait.ge [sflag:s29], $0x1  }
0xb5: {  	[sflag:s29] =	ssyncadd.s32 $0xFFFFFFFF  }
0xb6: {  	_ =	strace $0x9000004B  }
0xb7: {  	_ =	sfence  }
0xb8: {  	s30 =	sld [smem:$0x0];
	_ =	sdelay $0x2  }
0xb9: {  	s31 =	sshll.u32 s1, $0xD;
	s1 =	sshrl.u32 s1, $0x2  }
0xba: {  	s3 =	sand.u32 $0x4000, s31;
	s1 =	sadd.s32 s1, s30  }
0xbb: {  	s0 =	sor.u32 s3, s0;
	s1 =	sshll.u32 s1, $0x11  }
0xbc: {  	s0 =	sor.u32 s1, s0  }
0xbd: {  	s0 =	sadd.s32 $0x8F2B, s0  }
0xbe: {  	[sflag:s0] =	ssyncadd.remote.s32 $0x1  }
0xbf: {  	_ =	sfence.sel $0xFFFF  }
0xc0: {  	[dreg:$0x0] =	wrdreg $0xFFFFFFFF;
	(pc) =	sbr.abs _section_cstart, $3  }
0xc1: {  	[dreg:$0x1] =	wrdreg $0xFFFFFFFF  }
0xc2: {  	_ =	task.clear_ibuf [dreg:s7], $0x2FFFF;
	_ =	strace $0x9FFFFFFF  }
0xc3: {  	(tm) =	ssettm $0x7FFFFFFF  }
tec
execute0_lowered:
.L_overlay_start_1:
0x0: {  	(tag) =	ssettag $0x1  }
0x1: {  	s13 =	rddreg [dreg:$0x0]  }
0x2: {  	s11 =	rddreg [dreg:$0x1]  }
0x3: {  	s1 =	rddreg [dreg:$0x2];
	s2 =	simm.s32 $0x0  }
0x4: {  	s5 =	srdreg.scid;
	s3 =	stileid.u32;
	s16 =	simm.s32 $0x3  }
0x5: {  	s17 =	simm.s32 $0x14000;
	s18 =	simm.s32 $0x15400;
	s19 =	simm.s32 $0x80  }
0x6: {  	s20 =	simm.s32 $0x16800;
	s21 =	simm.s32 $0x1;
	s22 =	simm.s32 $0x1A800  }
0x7: {  	s23 =	simm.s32 $0x2;
	s24 =	simm.s32 $0x15380;
	s25 =	simm.s32 $0x16700  }
0x8: {  	s26 =	simm.s32 $0x16780;
	[smem:$0x7FF] =	sst s2;
	s4 =	sadd.s32 $0x21000, s13  }
0x9: {  	s8 =	sand.u32 $0x1, s5;
	s5 =	sadd.s32 $0xD000, s13;
	s10 =	smul.u32 $0x50000, s3  }
0xa: {  	s6 =	sadd.s32 $0xBD400, s13;
	s7 =	sadd.s32 $0xBFC00, s13;
	s14 =	smul.u32 $0x280, s3  }
0xb: {  	s31 =	sshll.u32 s3, $0x6;
	s13 =	sadd.s32 $0xF800, s13;
	s9 =	ssub.s32 $0x2, s8  }
0xc: {  	_ =	strace $0x8000004A;
	s8 =	sshll.u32 s8, $0x1;
	s12 =	sshrl.u32 s9, $0x1  }
0xd: {  	s30 =	sshrl.u32 s10, $0x2;
	s10 =	smul.u32 $0x14000, s3;
	s11 =	sadd.s32 s11, s14  }
0xe: {  	s12 =	ssub.s32 s9, s12;
	s15 =	sadd.s32 s30, s1;
	s9 =	sor.u32 $0x1C03, s31  }
0xf: {  	s14 =	sadd.s32 $0x2800, s11;
	s12 =	smax.u32 s12, $0x1;
	s15 =	sshrl.u32 s15, $0x3  }
.LBB2_1:
0x10: {  	p1 =	por $0x1, $0x1;
	s29 =	simm.s32 $0x0  }
.LBB2_2:
0x11: {  	s28 =	sor.u32 s8, s29  }
0x12: {  	[spmem:s15], [sflag:s9] =	dma.local [hbm:s6], $0x2800  }
0x13: {  	s29 =	sshll.u32 s28, $0x5  }
0x14: {  	_ =	swait.ge [sflag:s16], $0x2800;
	s29 =	sor.u32 s3, s29  }
0x15: {  	[sflag:s16] =	ssyncset.done $0x0;
	s29 =	smul.u32 $0x280, s29  }
0x16: {  	[sflag:s16] =	ssyncadd.s32 $0xFFFFD800  }
0x17: {  	s31 =	simm.s32 $0x0;
	[bflag:$0x0] =	sbarrier.arrive $0xFFFF;
	s30 =	sadd.s32 s5, s29  }
0x18: {  	[tilespmem:s17], [sflag:$0x3] =	stream.linear.gather [hbm4b:s30+s31], $0x1400, $0x38;
	[tilespmem:$0x1E800] =	vst v63  }
0x19: {  	_ =	swait.ge [sflag:s16], $0x1400  }
0x1a: {  	[sflag:s16] =	ssyncset.done $0x0  }
0x1b: {  	[sflag:s16] =	ssyncadd.s32 $0xFFFFEC00  }
0x1c: {  	[tilespmem:s18], [sflag:$0x3] =	stream.linear.gather [hbm4b:s11+s31], $0x1400, $0x38;
	[tilespmem:$0x1E800] =	vst v63  }
0x1d: {  	_ =	swait.ge [sflag:s16], $0x1400  }
0x1e: {  	[sflag:s16] =	ssyncset.done $0x0  }
0x1f: {  	[sflag:s16] =	ssyncadd.s32 $0xFFFFEC00  }
0x20: {  	[tilespmem:s20], [sflag:$0x1] =	stream.indirect.gather [hbm4b:s4+s19], $0x80, s17, s19, $0xb8;
	[tilespmem:$0x1E800] =	vst v63  }
0x21: {  	_ =	swait.ge [sflag:s21], $0x4000  }
0x22: {  	[sflag:s21] =	ssyncset.done $0x0  }
0x23: {  	s30 =	simm.s32 $0x14080;
	[sflag:s21] =	ssyncadd.s32 $0xFFFFC000  }
0x24: {  	[tilespmem:s22], [sflag:$0x2] =	stream.indirect.gather [hbm4b:s4+s19], $0x80, s30, s19, $0xb8;
	[tilespmem:$0x1E800] =	vst v63  }
0x25: {  	s30 =	simm.s32 $0x15400  }
0x26: {  	[spmem:s1] =	stream.indirect.scatter.add.f32 [tilespmem:s20], [sflag:$0x3], $0x80, s30, s19, $0xb8;
	[tilespmem:$0x1E800] =	vst v63  }
0x27: {  	_ =	swait.ge [sflag:s16], $0x4000  }
0x28: {  	[sflag:s16] =	ssyncset.done $0x0  }
0x29: {  	[sflag:s16] =	ssyncadd.s32 $0xFFFFC000  }
0x2a: {  	_ =	swait.ge [sflag:s23], $0x4000  }
0x2b: {  	[sflag:s23] =	ssyncset.done $0x0  }
0x2c: {  	s30 =	simm.s32 $0x14100;
	[sflag:s23] =	ssyncadd.s32 $0xFFFFC000  }
0x2d: {  	[tilespmem:s20], [sflag:$0x1] =	stream.indirect.gather [hbm4b:s4+s19], $0x80, s30, s19, $0xb8;
	[tilespmem:$0x1E800] =	vst v63  }
0x2e: {  	s30 =	simm.s32 $0x15480  }
0x2f: {  	[spmem:s1] =	stream.indirect.scatter.add.f32 [tilespmem:s22], [sflag:$0x3], $0x80, s30, s19, $0xb8;
	[tilespmem:$0x1E800] =	vst v63  }
0x30: {  	_ =	swait.ge [sflag:s16], $0x4000  }
0x31: {  	p0 =	por p1, p1;
	s30 =	simm.s32 $0x400;
	[sflag:s16] =	ssyncset.done $0x0  }
.LBB2_3:
0x32: {  	p1 =	sne.s32 s30, $0x4800  }
0x33: {  	[sflag:s16] =	ssyncadd.s32 $0xFFFFC000;
	s31 =	smov.u32 s30;
	s30 =	sadd.s32 $0x400, s30  }
0x34: {  	_ = 	snop  }
0x35: {  	_ =	swait.ge [sflag:s21], $0x4000  }
0x36: {  	s31 =	sshra.s32 s31, $0x2;
	[sflag:s21] =	ssyncset.done $0x0  }
0x37: {  	s0 =	sadd.s32 $0x14080, s31;
	[sflag:s21] =	ssyncadd.s32 $0xFFFFC000  }
0x38: {  	[tilespmem:s22], [sflag:$0x2] =	stream.indirect.gather [hbm4b:s4+s19], $0x80, s0, s19, $0xb8;
	[tilespmem:$0x1E800] =	vst v63  }
0x39: {  	s0 =	sadd.s32 $0x15400, s31  }
0x3a: {  	[spmem:s1] =	stream.indirect.scatter.add.f32 [tilespmem:s20], [sflag:$0x3], $0x80, s0, s19, $0xb8;
	[tilespmem:$0x1E800] =	vst v63  }
0x3b: {  	_ =	swait.ge [sflag:s16], $0x4000  }
0x3c: {  	[sflag:s16] =	ssyncset.done $0x0  }
0x3d: {  	[sflag:s16] =	ssyncadd.s32 $0xFFFFC000  }
0x3e: {  	_ =	swait.ge [sflag:s23], $0x4000  }
0x3f: {  	[sflag:s23] =	ssyncset.done $0x0  }
0x40: {  	s0 =	sadd.s32 $0x14100, s31;
	[sflag:s23] =	ssyncadd.s32 $0xFFFFC000  }
0x41: {  	[tilespmem:s20], [sflag:$0x1] =	stream.indirect.gather [hbm4b:s4+s19], $0x80, s0, s19, $0xb8;
	[tilespmem:$0x1E800] =	vst v63  }
.Ltmp0:
0x42: {  	_ = 	snop;
	(pc) =	sbr.rel @p1 .LBB2_3-.Ltmp0, $4  }
0x43: {  	s0 =	sadd.s32 $0x15480, s31  }
0x44: {  	[spmem:s1] =	stream.indirect.scatter.add.f32 [tilespmem:s22], [sflag:$0x3], $0x80, s0, s19, $0xb8;
	[tilespmem:$0x1E800] =	vst v63  }
0x45: {  	_ =	swait.ge [sflag:s16], $0x4000  }
0x46: {  	[sflag:s16] =	ssyncset.done $0x0  }
0x47: {  	[sflag:s16] =	ssyncadd.s32 $0xFFFFC000  }
0x48: {  	_ =	swait.ge [sflag:s21], $0x4000  }
0x49: {  	[sflag:s21] =	ssyncset.done $0x0  }
0x4a: {  	[sflag:s21] =	ssyncadd.s32 $0xFFFFC000  }
0x4b: {  	[tilespmem:s22], [sflag:$0x2] =	stream.indirect.gather [hbm4b:s4+s19], $0x80, s24, s19, $0xb8;
	[tilespmem:$0x1E800] =	vst v63  }
0x4c: {  	_ = 	snop  }
0x4d: {  	[spmem:s1] =	stream.indirect.scatter.add.f32 [tilespmem:s20], [sflag:$0x3], $0x80, s25, s19, $0xb8;
	[tilespmem:$0x1E800] =	vst v63  }
0x4e: {  	_ =	swait.ge [sflag:s16], $0x4000  }
0x4f: {  	[sflag:s16] =	ssyncset.done $0x0  }
0x50: {  	[sflag:s16] =	ssyncadd.s32 $0xFFFFC000  }
0x51: {  	_ =	swait.ge [sflag:s23], $0x4000  }
0x52: {  	[sflag:s23] =	ssyncset.done $0x0  }
0x53: {  	[sflag:s23] =	ssyncadd.s32 $0xFFFFC000  }
0x54: {  	[spmem:s1] =	stream.indirect.scatter.add.f32 [tilespmem:s22], [sflag:$0x3], $0x80, s26, s19, $0xb8;
	[tilespmem:$0x1E800] =	vst v63  }
0x55: {  	_ =	swait.ge [sflag:s16], $0x4000  }
0x56: {  	[sflag:s16] =	ssyncset.done $0x0  }
0x57: {  	s0 =	sadd.s32 s13, s29;
	s29 =	simm.s32 $0x0;
	[sflag:s16] =	ssyncadd.s32 $0xFFFFC000  }
0x58: {  	[tilespmem:s17], [sflag:$0x3] =	stream.linear.gather [hbm4b:s0+s29], $0x1400, $0x38;
	[tilespmem:$0x1E800] =	vst v63  }
0x59: {  	_ =	swait.ge [sflag:s16], $0x1400  }
0x5a: {  	[sflag:s16] =	ssyncset.done $0x0  }
0x5b: {  	[sflag:s16] =	ssyncadd.s32 $0xFFFFEC00  }
0x5c: {  	[tilespmem:s18], [sflag:$0x3] =	stream.linear.gather [hbm4b:s14+s29], $0x1400, $0x38;
	[tilespmem:$0x1E800] =	vst v63  }
0x5d: {  	_ =	swait.ge [sflag:s16], $0x1400  }
0x5e: {  	[sflag:s16] =	ssyncset.done $0x0  }
0x5f: {  	[sflag:s16] =	ssyncadd.s32 $0xFFFFEC00  }
0x60: {  	[tilespmem:s20], [sflag:$0x1] =	stream.indirect.gather [hbm4b:s4+s19], $0x80, s17, s19, $0xb8;
	[tilespmem:$0x1E800] =	vst v63  }
0x61: {  	_ =	swait.ge [sflag:s21], $0x4000  }
0x62: {  	[sflag:s21] =	ssyncset.done $0x0  }
0x63: {  	s30 =	simm.s32 $0x14080;
	[sflag:s21] =	ssyncadd.s32 $0xFFFFC000  }
0x64: {  	[tilespmem:s22], [sflag:$0x2] =	stream.indirect.gather [hbm4b:s4+s19], $0x80, s30, s19, $0xb8;
	[tilespmem:$0x1E800] =	vst v63  }
0x65: {  	s31 =	simm.s32 $0x15400  }
0x66: {  	[spmem:s1] =	stream.indirect.scatter.add.f32 [tilespmem:s20], [sflag:$0x3], $0x80, s31, s19, $0xb8;
	[tilespmem:$0x1E800] =	vst v63  }
0x67: {  	_ =	swait.ge [sflag:s16], $0x4000  }
0x68: {  	[sflag:s16] =	ssyncset.done $0x0  }
0x69: {  	[sflag:s16] =	ssyncadd.s32 $0xFFFFC000  }
0x6a: {  	_ =	swait.ge [sflag:s23], $0x4000  }
0x6b: {  	[sflag:s23] =	ssyncset.done $0x0  }
0x6c: {  	s30 =	simm.s32 $0x14100;
	[sflag:s23] =	ssyncadd.s32 $0xFFFFC000  }
0x6d: {  	[tilespmem:s20], [sflag:$0x1] =	stream.indirect.gather [hbm4b:s4+s19], $0x80, s30, s19, $0xb8;
	[tilespmem:$0x1E800] =	vst v63  }
0x6e: {  	s31 =	simm.s32 $0x15480  }
0x6f: {  	[spmem:s1] =	stream.indirect.scatter.add.f32 [tilespmem:s22], [sflag:$0x3], $0x80, s31, s19, $0xb8;
	[tilespmem:$0x1E800] =	vst v63  }
0x70: {  	_ =	swait.ge [sflag:s16], $0x4000  }
0x71: {  	s29 =	simm.s32 $0x400;
	[sflag:s16] =	ssyncset.done $0x0  }
.LBB2_5:
0x72: {  	p1 =	sne.s32 s29, $0x4800  }
0x73: {  	[sflag:s16] =	ssyncadd.s32 $0xFFFFC000;
	s0 =	smov.u32 s29;
	s29 =	sadd.s32 $0x400, s29  }
0x74: {  	_ = 	snop  }
0x75: {  	_ =	swait.ge [sflag:s21], $0x4000  }
0x76: {  	s0 =	sshra.s32 s0, $0x2;
	[sflag:s21] =	ssyncset.done $0x0  }
0x77: {  	s30 =	sadd.s32 $0x14080, s0;
	[sflag:s21] =	ssyncadd.s32 $0xFFFFC000  }
0x78: {  	[tilespmem:s22], [sflag:$0x2] =	stream.indirect.gather [hbm4b:s4+s19], $0x80, s30, s19, $0xb8;
	[tilespmem:$0x1E800] =	vst v63  }
0x79: {  	s30 =	sadd.s32 $0x15400, s0  }
0x7a: {  	[spmem:s1] =	stream.indirect.scatter.add.f32 [tilespmem:s20], [sflag:$0x3], $0x80, s30, s19, $0xb8;
	[tilespmem:$0x1E800] =	vst v63  }
0x7b: {  	_ =	swait.ge [sflag:s16], $0x4000  }
0x7c: {  	[sflag:s16] =	ssyncset.done $0x0  }
0x7d: {  	[sflag:s16] =	ssyncadd.s32 $0xFFFFC000  }
0x7e: {  	_ =	swait.ge [sflag:s23], $0x4000  }
0x7f: {  	[sflag:s23] =	ssyncset.done $0x0  }
0x80: {  	s30 =	sadd.s32 $0x14100, s0;
	[sflag:s23] =	ssyncadd.s32 $0xFFFFC000  }
0x81: {  	[tilespmem:s20], [sflag:$0x1] =	stream.indirect.gather [hbm4b:s4+s19], $0x80, s30, s19, $0xb8;
	[tilespmem:$0x1E800] =	vst v63  }
.Ltmp1:
0x82: {  	_ = 	snop;
	(pc) =	sbr.rel @p1 .LBB2_5-.Ltmp1, $4  }
0x83: {  	s0 =	sadd.s32 $0x15480, s0  }
0x84: {  	[spmem:s1] =	stream.indirect.scatter.add.f32 [tilespmem:s22], [sflag:$0x3], $0x80, s0, s19, $0xb8;
	[tilespmem:$0x1E800] =	vst v63  }
0x85: {  	_ =	swait.ge [sflag:s16], $0x4000  }
0x86: {  	[sflag:s16] =	ssyncset.done $0x0  }
0x87: {  	[sflag:s16] =	ssyncadd.s32 $0xFFFFC000;
	s29 =	simm.s32 $0x1  }
0x88: {  	_ =	swait.ge [sflag:s29], $0x4000  }
0x89: {  	[sflag:s29] =	ssyncset.done $0x0  }
0x8a: {  	[sflag:s29] =	ssyncadd.s32 $0xFFFFC000  }
0x8b: {  	[tilespmem:s22], [sflag:$0x2] =	stream.indirect.gather [hbm4b:s4+s19], $0x80, s24, s19, $0xb8;
	[tilespmem:$0x1E800] =	vst v63  }
0x8c: {  	_ = 	snop  }
0x8d: {  	[spmem:s1] =	stream.indirect.scatter.add.f32 [tilespmem:s20], [sflag:$0x3], $0x80, s25, s19, $0xb8;
	[tilespmem:$0x1E800] =	vst v63  }
0x8e: {  	_ =	swait.ge [sflag:s16], $0x4000  }
0x8f: {  	[sflag:s16] =	ssyncset.done $0x0  }
0x90: {  	[sflag:s16] =	ssyncadd.s32 $0xFFFFC000  }
0x91: {  	_ =	swait.ge [sflag:s23], $0x4000  }
0x92: {  	[sflag:s23] =	ssyncset.done $0x0  }
0x93: {  	s0 =	smul.u32 $0x140000, s28;
	[sflag:s23] =	ssyncadd.s32 $0xFFFFC000  }
0x94: {  	[spmem:s1] =	stream.indirect.scatter.add.f32 [tilespmem:s22], [sflag:$0x3], $0x80, s26, s19, $0xb8;
	[tilespmem:$0x1E800] =	vst v63  }
0x95: {  	_ =	swait.ge [sflag:s16], $0x4000  }
0x96: {  	s0 =	sadd.s32 s10, s0;
	[sflag:s16] =	ssyncset.done $0x0  }
0x97: {  	s0 =	sshrl.u32 s0, $0x3;
	[sflag:s16] =	ssyncadd.s32 $0xFFFFC000  }
.Ltmp2:
0x98: {  	s0 =	sadd.s32 s7, s0;
	[bflag:$0x0] =	sbarrier.arrive $0xFFFF;
	(pc) =	sbr.rel @p0 .LBB2_2-.Ltmp2, $4  }
0x99: {  	[hbm:s0], [sflag:s9] =	dma.local [spmem:s15], $0x2800  }
0x9a: {  	_ =	swait.ge [sflag:s16], $0x2800  }
0x9b: {  	[sflag:s16] =	ssyncset.done $0x0  }
0x9c: {  	p1 =	por $0x0, $0x0;
	[sflag:s16] =	ssyncadd.s32 $0xFFFFD800  }
0x9d: {  	s2 =	sadd.s32 $0x1, s2  }
0x9e: {  	p0 =	sne.s32 s2, s12  }
.Ltmp3:
0x9f: {  	_ = 	snop;
	(pc) =	sbr.rel @p0 .LBB2_1-.Ltmp3, $1  }
0xa0: {  	_ =	sdelay $0x3  }
0xa1: {  	_ =	sfence.sel $0x180000  }
0xa2: {  	[bflag:$0x0] =	sbarrier.arrive $0xFFFF  }
0xa3: {  	_ =	strace $0x9000004A  }
0xa4: {  	[bflag:$0x2] =	sbarrier.arrive $0xFFFF  }
0xa5: {  	p0 =	sne.s32 s3, $0x0;
	s0 =	rddreg [dreg:$0x3]  }
0xa6: {  	s0 =	sadd.s32 @!p0 $0x100000, s0  }
0xa7: {  	[sflag:s0] =	ssyncadd.tile.s32 @!p0 $0x1;
	_ =	shalt  }
.Lfunc_end2:
_tile_overlayer_lowered:
.L_overlay_start_2:
0xa8: {  	(tag) =	ssettag $0x2  }
0xa9: {  	s0 =	rddreg [dreg:$0x0];
	s2 =	stileid.u32  }
0xaa: {  	s1 =	rddreg [dreg:$0x1];
	p0 =	sne.s32 s2, $0x0  }
0xab: {  	s3 =	rddreg [dreg:$0x2];
	[bflag:$0x3] =	sbarrier.arrive $0xFFFF;
	s2 =	simm.s32 @!p0 $0x1C03  }
0xac: {  	[timem:s3], [sflag:s2] =	dma.local @!p0 [hbm:s0], s1  }
0xad: {  	s0 =	simm.s32 @!p0 $0x3  }
0xae: {  	_ =	swait.ge @!p0 [sflag:s0], s1  }
0xaf: {  	s1 =	ssub.s32 @!p0 $0x0, s1;
	[sflag:s0] =	ssyncset.done @!p0 $0x0  }
0xb0: {  	[sflag:s0] =	ssyncadd.s32 @!p0 s1  }
0xb1: {  	[bflag:$0x3] =	sbarrier.arrive $0xFFFF  }
0xb2: {  	_ =	shalt  }

// kernel: kernel.18.cloned.1.call-start
scs
__scs_entry_jumppad:
0x0: {  	(pc) =	sbr.rel $0x88, $3  }
0x1: {  	(tag) =	ssettag $0x0;
	lr =	simm.s32 $0x1  }
0x2: {  	[smem:$0x3F9B] =	sst lr;
	_ =	strace $0xD0000000  }
0x3: {  	_ = 	snop  }
0x4: {  	_ = 	snop  }
0x5: {  	_ = 	snop  }
0x6: {  	_ = 	snop  }
0x7: {  	_ = 	snop  }
__scs_overlays_trampoline_lowered:
0x8: {  	[smem:$0x3FAA] =	sst s0  }
0x9: {  	[smem:$0x3FAB] =	sst s1  }
0xa: {  	[smem:$0x3FAC] =	sst s2  }
0xb: {  	[smem:$0x3FAD] =	sst s3  }
0xc: {  	[smem:$0x3FAE] =	sst s4  }
0xd: {  	[smem:$0x3FAF] =	sst s5  }
0xe: {  	[smem:$0x3FB0] =	sst s6  }
0xf: {  	[smem:$0x3FB1] =	sst s7  }
0x10: {  	[smem:$0x3FB2] =	sst s8  }
0x11: {  	[smem:$0x3FB3] =	sst s9;
	s0 =	simm.s32 @!p0 $0x0  }
0x12: {  	s1 =	sld [smem:$0x3F99];
	s0 =	simm.s32 @p0 $0x1  }
0x13: {  	[smem:$0x3FB4] =	sst s0;
	s0 =	simm.s32 @!p1 $0x0  }
0x14: {  	s2 =	sld [smem:$0x3F98];
	s0 =	simm.s32 @p1 $0x1  }
0x15: {  	[smem:$0x3FB5] =	sst s0;
	s0 =	simm.s32 @!p2 $0x0  }
0x16: {  	s3 =	sld [smem:$0x3FDB];
	s0 =	simm.s32 @p2 $0x1  }
0x17: {  	s4 =	simm.s32 $0x1BF5;
	[smem:$0x3FB7] =	sst s0  }
0x18: {  	s0 =	sld [smem:$0x3F9A];
	_ =	swait.ge [sflag:s4], $0x0  }
0x19: {  	s7 =	sld [smem:$0x3F9B]  }
0x1a: {  	s8 =	sadd.s32 $0xFFFFE003, lr  }
0x1b: {  	s9 =	sadd.s32 $0xFFFFFEF7, lr;
	s5 =	simm.s32 $0xFFFFFFFF;
	p2 =	slt.u32 s8, $0xFFFFF086  }
0x1c: {  	p1 =	slt.u32 s9, $0xF7A;
	s5 =	simm.s32 @!p2 $0x0  }
0x1d: {  	s5 =	simm.s32 @p1 $0x1;
	p0 =	seq.s32 s7, s2  }
0x1e: {  	s7 =	smul.u32 @!p0 $0xF7A, s2;
	p2 =	seq.s32 @!p0 s5, $0x0  }
0x1f: {  	s9 =	smul.u32 $0xF7A, s1;
	s8 =	simm.s32 @!p0 $0x1BF5;
	p2 =	por !p2, p0  }
0x20: {  	[sflag:s8] =	ssyncset.s32 @!p0 $0xFFFFF086;
	s6 =	sadd.s32 @!p0 s3, s7;
	s7 =	simm.s32 @!p0 $0x108  }
0x21: {  	s3 =	sadd.s32 s3, s9;
	s6 =	sadd.s32 @!p0 $0x88, s6;
	s7 =	simm.s32 @p2 $0x1082  }
0x22: {  	[simem:s7], [sflag:s8] =	dma.local @!p0 [hbm:s6], $0xF7A  }
0x23: {  	s9 =	sor.u32 $0xD0000000, s2;
	s6 =	simm.s32 $0x108;
	_ =	swait.ge @!p0 [sflag:s8], $0x0  }
0x24: {  	s3 =	sadd.s32 $0x88, s3;
	s6 =	simm.s32 @!p1 $0x1082;
	[sflag:s4] =	ssyncset.s32 $0xFFFFF086  }
0x25: {  	[simem:s6], [sflag:s4] =	dma.local [hbm:s3], $0xF7A  }
0x26: {  	[smem:$0x3F9B] =	sst s1;
	(tag) =	ssettag s2;
	_ =	strace s9  }
0x27: {  	s1 =	sld [smem:$0x3FAB]  }
0x28: {  	s2 =	sld [smem:$0x3FAC]  }
0x29: {  	s4 =	sld [smem:$0x3FAE]  }
0x2a: {  	p0 =	seq.s32 s5, $0x0;
	s5 =	sld [smem:$0x3FAF]  }
0x2b: {  	s6 =	sld [smem:$0x3FB0]  }
0x2c: {  	s7 =	sld [smem:$0x3FB1]  }
0x2d: {  	s3 =	simm.s32 $0x108;
	s8 =	sld [smem:$0x3FB2]  }
0x2e: {  	s3 =	simm.s32 @!p0 $0x1082;
	s9 =	sld [smem:$0x3FB3]  }
0x2f: {  	lr =	sadd.s32 s0, s3;
	s0 =	sld [smem:$0x3FAA]  }
0x30: {  	s3 =	sld [smem:$0x3FAD]  }
0x31: {  	[smem:$0x3FB6] =	sst s10  }
0x32: {  	s10 =	sld [smem:$0x3FB4];
	_ =	sdelay $0x3  }
0x33: {  	p0 =	seq.s32 s10, $0x1;
	s10 =	sld [smem:$0x3FB6];
	_ =	sdelay $0x3  }
0x34: {  	[smem:$0x3FB6] =	sst s10  }
0x35: {  	s10 =	sld [smem:$0x3FB5];
	_ =	sdelay $0x3  }
0x36: {  	p1 =	seq.s32 s10, $0x1;
	s10 =	sld [smem:$0x3FB6];
	_ =	sdelay $0x3  }
0x37: {  	[smem:$0x3FB6] =	sst s10  }
0x38: {  	s10 =	sld [smem:$0x3FB7]  }
0x39: {  	_ = 	snop;
	(pc) =	sbr.ind lr, $3  }
0x3a: {  	_ = 	snop  }
0x3b: {  	_ = 	snop  }
0x3c: {  	p2 =	seq.s32 s10, $0x1;
	s10 =	sld [smem:$0x3FB6]  }
0x3d: {  	_ =	shalt  }
0x3e: {  	_ =	shalt  }
0x3f: {  	_ =	shalt  }
0x40: {  	_ =	shalt  }
0x41: {  	_ =	shalt  }
0x42: {  	_ =	shalt  }
0x43: {  	_ =	shalt  }
0x44: {  	_ =	shalt  }
0x45: {  	_ =	shalt  }
0x46: {  	_ =	shalt  }
0x47: {  	_ =	shalt  }
0x48: {  	_ =	shalt  }
0x49: {  	_ =	shalt  }
0x4a: {  	_ =	shalt  }
0x4b: {  	_ =	shalt  }
0x4c: {  	_ =	shalt  }
0x4d: {  	_ =	shalt  }
0x4e: {  	_ =	shalt  }
0x4f: {  	_ =	shalt  }
0x50: {  	_ =	shalt  }
0x51: {  	_ =	shalt  }
0x52: {  	_ =	shalt  }
0x53: {  	_ =	shalt  }
0x54: {  	_ =	shalt  }
0x55: {  	_ =	shalt  }
0x56: {  	_ =	shalt  }
0x57: {  	_ =	shalt  }
0x58: {  	_ =	shalt  }
0x59: {  	_ =	shalt  }
0x5a: {  	_ =	shalt  }
0x5b: {  	_ =	shalt  }
0x5c: {  	_ =	shalt  }
0x5d: {  	_ =	shalt  }
0x5e: {  	_ =	shalt  }
0x5f: {  	_ =	shalt  }
0x60: {  	_ =	shalt  }
0x61: {  	_ =	shalt  }
0x62: {  	_ =	shalt  }
0x63: {  	_ =	shalt  }
0x64: {  	_ =	shalt  }
0x65: {  	_ =	shalt  }
0x66: {  	_ =	shalt  }
0x67: {  	_ =	shalt  }
0x68: {  	_ =	shalt  }
0x69: {  	_ =	shalt  }
0x6a: {  	_ =	shalt  }
0x6b: {  	_ =	shalt  }
0x6c: {  	_ =	shalt  }
0x6d: {  	_ =	shalt  }
0x6e: {  	_ =	shalt  }
0x6f: {  	_ =	shalt  }
0x70: {  	_ =	shalt  }
0x71: {  	_ =	shalt  }
0x72: {  	_ =	shalt  }
0x73: {  	_ =	shalt  }
0x74: {  	_ =	shalt  }
0x75: {  	_ =	shalt  }
0x76: {  	_ =	shalt  }
0x77: {  	_ =	shalt  }
0x78: {  	_ =	shalt  }
0x79: {  	_ =	shalt  }
0x7a: {  	_ =	shalt  }
0x7b: {  	_ =	shalt  }
0x7c: {  	_ =	shalt  }
0x7d: {  	_ =	shalt  }
0x7e: {  	_ =	shalt  }
0x7f: {  	_ =	shalt  }
0x80: {  	_ =	shalt  }
0x81: {  	_ =	shalt  }
0x82: {  	_ =	shalt  }
0x83: {  	_ =	shalt  }
0x84: {  	_ =	shalt  }
0x85: {  	_ =	shalt  }
0x86: {  	_ =	shalt  }
0x87: {  	_ =	shalt  }
.Lfunc_end0:
.L_simem_size_0:
called_computation.2_lowered:
.L_overlay_start_0:
0x88: {  	s2 =	sld [smem:$0x3FD9]  }
0x89: {  	s3 =	sld [smem:$0x3FFE];
	_ =	sdelay $0x1  }
0x8a: {  	s1 =	srdreg.scid  }
0x8b: {  	s0 =	sand.u32 $0x1, s1  }
0x8c: {  	s17 =	sshll.u32 s0, $0xA;
	s2 =	sadd.s32 s3, s2  }
0x8d: {  	s2 =	sadd.s32 s2, s17  }
0x8e: {  	[smem:$0x3FC2] =	sst s2  }
0x8f: {  	_ = 	snop  }
0x90: {  	s2 =	sld [smem:$0x3FD0];
	(tm) =	ssettm $0x1  }
0x91: {  	s18 =	sld [smem:$0x3FFB];
	_ =	sdelay $0x3  }
0x92: {  	_ =	strace s18  }
0x93: {  	s3 =	sld [smem:$0x3FFC];
	_ =	sdelay $0x3  }
0x94: {  	_ =	strace s3  }
0x95: {  	s3 =	sld [smem:$0x3FFD];
	_ =	sdelay $0x3  }
0x96: {  	_ =	strace s3  }
0x97: {  	_ =	strace $0x8FFFFFFF  }
0x98: {  	s19 =	sld [smem:$0x3FDB];
	_ =	sdelay $0x1  }
0x99: {  	s4 =	simm.s32 $_scs_section_size  }
0x9a: {  	s5 =	simm.s32 $_size__tile_overlayer_lowered;
	s6 =	simm.s32 $_tile_overlayer_lowered  }
0x9b: {  	s22 =	simm.s32 $0x1BFF;
	s21 =	sshll.u32 s6, $0x1;
	s3 =	sadd.s32 s4, s19  }
0x9c: {  	s7 =	simm.s32 $0x0;
	s20 =	sshll.u32 s5, $0x1;
	s5 =	sadd.s32 s21, s3  }
0x9d: {  	[timem:s7], [sflag:s22] =	dma.local [hbm:s5], s20  }
0x9e: {  	_ =	swait.ge [sflag:s22], s20  }
0x9f: {  	s4 =	ssub.s32 $0x0, s20;
	[sflag:s22] =	ssyncset.done $0x0  }
0xa0: {  	[sflag:s22] =	ssyncadd.s32 s4;
	_ =	sdelay $0x1  }
0xa1: {  	s23 =	simm.s32 $0x1B8B  }
0xa2: {  	_ =	swait.ge [sflag:s23], $0x1  }
0xa3: {  	[sflag:s23] =	ssyncset.done $0x0  }
0xa4: {  	s25 =	simm.s32 $0x1B8E;
	s24 =	sld [smem:$0x3FFE];
	[sflag:s23] =	ssyncadd.s32 $0xFFFFFFFF  }
0xa5: {  	s26 =	simm.s32 $execute0_lowered;
	[smem:$0x3FD2] =	sst s25  }
0xa6: {  	s5 =	sshll.u32 s26, $0x1;
	_ =	strace $0x8000004C;
	[dreg:$0x1] =	wrdreg $0xFFFFFFFF  }
0xa7: {  	s28 =	simm.s32 $_size_execute0_lowered;
	s3 =	sadd.s32 s3, s5;
	[dreg:$0x0] =	wrdreg $0x0  }
0xa8: {  	s5 =	sshll.u32 s28, $0x1;
	[dreg:$0x2] =	wrdreg s3  }
0xa9: {  	[dreg:$0x3] =	wrdreg s5  }
0xaa: {  	[dreg:$0x4] =	wrdreg $0xC0  }
0xab: {  	_ =	task [dreg:s7], $0x5FFFF  }
0xac: {  	[dreg:$0x1] =	wrdreg $0xFFFFFFFF  }
0xad: {  	[dreg:$0x0] =	wrdreg $0x60  }
0xae: {  	[dreg:$0x2] =	wrdreg s24  }
0xaf: {  	[dreg:$0x3] =	wrdreg s2  }
0xb0: {  	[dreg:$0x4] =	wrdreg $0x0  }
0xb1: {  	[dreg:$0x5] =	wrdreg $0x9  }
0xb2: {  	_ =	task.clear_ibuf [dreg:s7], $0x6FFFF;
	_ =	strace $0x9000004C  }
0xb3: {  	s29 =	simm.s32 $0x9;
	_ =	strace $0x8000004E  }
0xb4: {  	_ =	swait.ge [sflag:s29], $0x1  }
0xb5: {  	[sflag:s29] =	ssyncadd.s32 $0xFFFFFFFF  }
0xb6: {  	_ =	strace $0x9000004E  }
0xb7: {  	_ =	sfence  }
0xb8: {  	s30 =	sld [smem:$0x0];
	_ =	sdelay $0x2  }
0xb9: {  	s31 =	sshll.u32 s1, $0xD;
	s1 =	sshrl.u32 s1, $0x2  }
0xba: {  	s3 =	sand.u32 $0x4000, s31;
	s1 =	sadd.s32 s1, s30  }
0xbb: {  	s0 =	sor.u32 s3, s0;
	s1 =	sshll.u32 s1, $0x11  }
0xbc: {  	s0 =	sor.u32 s1, s0  }
0xbd: {  	s0 =	sadd.s32 $0x8F2B, s0  }
0xbe: {  	[sflag:s0] =	ssyncadd.remote.s32 $0x1  }
0xbf: {  	_ =	sfence.sel $0xFFFF  }
0xc0: {  	[dreg:$0x0] =	wrdreg $0xFFFFFFFF;
	(pc) =	sbr.abs _section_cstart, $3  }
0xc1: {  	[dreg:$0x1] =	wrdreg $0xFFFFFFFF  }
0xc2: {  	_ =	task.clear_ibuf [dreg:s7], $0x2FFFF;
	_ =	strace $0x9FFFFFFF  }
0xc3: {  	(tm) =	ssettm $0x7FFFFFFF  }
tec
execute0_lowered:
.L_overlay_start_1:
0x0: {  	(tag) =	ssettag $0x1  }
0x1: {  	s13 =	rddreg [dreg:$0x0]  }
0x2: {  	s11 =	rddreg [dreg:$0x1]  }
0x3: {  	s1 =	rddreg [dreg:$0x2];
	s2 =	simm.s32 $0x0  }
0x4: {  	s5 =	srdreg.scid;
	s3 =	stileid.u32;
	s16 =	simm.s32 $0x3  }
0x5: {  	s17 =	simm.s32 $0x14000;
	s18 =	simm.s32 $0x15400;
	s19 =	simm.s32 $0x80  }
0x6: {  	s20 =	simm.s32 $0x16800;
	s21 =	simm.s32 $0x1;
	s22 =	simm.s32 $0x1A800  }
0x7: {  	s23 =	simm.s32 $0x2;
	s24 =	simm.s32 $0x15380;
	s25 =	simm.s32 $0x16700  }
0x8: {  	s26 =	simm.s32 $0x16780;
	[smem:$0x7FF] =	sst s2;
	s4 =	sadd.s32 $0x21000, s13  }
0x9: {  	s8 =	sand.u32 $0x1, s5;
	s5 =	sadd.s32 $0xD000, s13;
	s10 =	smul.u32 $0x50000, s3  }
0xa: {  	s6 =	sadd.s32 $0xBD400, s13;
	s7 =	sadd.s32 $0x10DE00, s13;
	s14 =	smul.u32 $0x280, s3  }
0xb: {  	s31 =	sshll.u32 s3, $0x6;
	s13 =	sadd.s32 $0xF800, s13;
	s9 =	ssub.s32 $0x2, s8  }
0xc: {  	_ =	strace $0x8000004D;
	s8 =	sshll.u32 s8, $0x1;
	s12 =	sshrl.u32 s9, $0x1  }
0xd: {  	s30 =	sshrl.u32 s10, $0x2;
	s10 =	smul.u32 $0x14000, s3;
	s11 =	sadd.s32 s11, s14  }
0xe: {  	s12 =	ssub.s32 s9, s12;
	s15 =	sadd.s32 s30, s1;
	s9 =	sor.u32 $0x1C03, s31  }
0xf: {  	s14 =	sadd.s32 $0x2800, s11;
	s12 =	smax.u32 s12, $0x1;
	s15 =	sshrl.u32 s15, $0x3  }
.LBB2_1:
0x10: {  	p1 =	por $0x1, $0x1;
	s29 =	simm.s32 $0x0  }
.LBB2_2:
0x11: {  	s28 =	sor.u32 s8, s29  }
0x12: {  	[spmem:s15], [sflag:s9] =	dma.local [hbm:s6], $0x2800  }
0x13: {  	s29 =	sshll.u32 s28, $0x5  }
0x14: {  	_ =	swait.ge [sflag:s16], $0x2800;
	s29 =	sor.u32 s3, s29  }
0x15: {  	[sflag:s16] =	ssyncset.done $0x0;
	s29 =	smul.u32 $0x280, s29  }
0x16: {  	[sflag:s16] =	ssyncadd.s32 $0xFFFFD800  }
0x17: {  	s31 =	simm.s32 $0x0;
	[bflag:$0x0] =	sbarrier.arrive $0xFFFF;
	s30 =	sadd.s32 s5, s29  }
0x18: {  	[tilespmem:s17], [sflag:$0x3] =	stream.linear.gather [hbm4b:s30+s31], $0x1400, $0x38;
	[tilespmem:$0x1E800] =	vst v63  }
0x19: {  	_ =	swait.ge [sflag:s16], $0x1400  }
0x1a: {  	[sflag:s16] =	ssyncset.done $0x0  }
0x1b: {  	[sflag:s16] =	ssyncadd.s32 $0xFFFFEC00  }
0x1c: {  	[tilespmem:s18], [sflag:$0x3] =	stream.linear.gather [hbm4b:s11+s31], $0x1400, $0x38;
	[tilespmem:$0x1E800] =	vst v63  }
0x1d: {  	_ =	swait.ge [sflag:s16], $0x1400  }
0x1e: {  	[sflag:s16] =	ssyncset.done $0x0  }
0x1f: {  	[sflag:s16] =	ssyncadd.s32 $0xFFFFEC00  }
0x20: {  	[tilespmem:s20], [sflag:$0x1] =	stream.indirect.gather [hbm4b:s4+s19], $0x80, s17, s19, $0xb8;
	[tilespmem:$0x1E800] =	vst v63  }
0x21: {  	_ =	swait.ge [sflag:s21], $0x4000  }
0x22: {  	[sflag:s21] =	ssyncset.done $0x0  }
0x23: {  	s30 =	simm.s32 $0x14080;
	[sflag:s21] =	ssyncadd.s32 $0xFFFFC000  }
0x24: {  	[tilespmem:s22], [sflag:$0x2] =	stream.indirect.gather [hbm4b:s4+s19], $0x80, s30, s19, $0xb8;
	[tilespmem:$0x1E800] =	vst v63  }
0x25: {  	s30 =	simm.s32 $0x15400  }
0x26: {  	[spmem:s1] =	stream.indirect.scatter.add.f32 [tilespmem:s20], [sflag:$0x3], $0x80, s30, s19, $0xb8;
	[tilespmem:$0x1E800] =	vst v63  }
0x27: {  	_ =	swait.ge [sflag:s16], $0x4000  }
0x28: {  	[sflag:s16] =	ssyncset.done $0x0  }
0x29: {  	[sflag:s16] =	ssyncadd.s32 $0xFFFFC000  }
0x2a: {  	_ =	swait.ge [sflag:s23], $0x4000  }
0x2b: {  	[sflag:s23] =	ssyncset.done $0x0  }
0x2c: {  	s30 =	simm.s32 $0x14100;
	[sflag:s23] =	ssyncadd.s32 $0xFFFFC000  }
0x2d: {  	[tilespmem:s20], [sflag:$0x1] =	stream.indirect.gather [hbm4b:s4+s19], $0x80, s30, s19, $0xb8;
	[tilespmem:$0x1E800] =	vst v63  }
0x2e: {  	s30 =	simm.s32 $0x15480  }
0x2f: {  	[spmem:s1] =	stream.indirect.scatter.add.f32 [tilespmem:s22], [sflag:$0x3], $0x80, s30, s19, $0xb8;
	[tilespmem:$0x1E800] =	vst v63  }
0x30: {  	_ =	swait.ge [sflag:s16], $0x4000  }
0x31: {  	p0 =	por p1, p1;
	s30 =	simm.s32 $0x400;
	[sflag:s16] =	ssyncset.done $0x0  }
.LBB2_3:
0x32: {  	p1 =	sne.s32 s30, $0x4800  }
0x33: {  	[sflag:s16] =	ssyncadd.s32 $0xFFFFC000;
	s31 =	smov.u32 s30;
	s30 =	sadd.s32 $0x400, s30  }
0x34: {  	_ = 	snop  }
0x35: {  	_ =	swait.ge [sflag:s21], $0x4000  }
0x36: {  	s31 =	sshra.s32 s31, $0x2;
	[sflag:s21] =	ssyncset.done $0x0  }
0x37: {  	s0 =	sadd.s32 $0x14080, s31;
	[sflag:s21] =	ssyncadd.s32 $0xFFFFC000  }
0x38: {  	[tilespmem:s22], [sflag:$0x2] =	stream.indirect.gather [hbm4b:s4+s19], $0x80, s0, s19, $0xb8;
	[tilespmem:$0x1E800] =	vst v63  }
0x39: {  	s0 =	sadd.s32 $0x15400, s31  }
0x3a: {  	[spmem:s1] =	stream.indirect.scatter.add.f32 [tilespmem:s20], [sflag:$0x3], $0x80, s0, s19, $0xb8;
	[tilespmem:$0x1E800] =	vst v63  }
0x3b: {  	_ =	swait.ge [sflag:s16], $0x4000  }
0x3c: {  	[sflag:s16] =	ssyncset.done $0x0  }
0x3d: {  	[sflag:s16] =	ssyncadd.s32 $0xFFFFC000  }
0x3e: {  	_ =	swait.ge [sflag:s23], $0x4000  }
0x3f: {  	[sflag:s23] =	ssyncset.done $0x0  }
0x40: {  	s0 =	sadd.s32 $0x14100, s31;
	[sflag:s23] =	ssyncadd.s32 $0xFFFFC000  }
0x41: {  	[tilespmem:s20], [sflag:$0x1] =	stream.indirect.gather [hbm4b:s4+s19], $0x80, s0, s19, $0xb8;
	[tilespmem:$0x1E800] =	vst v63  }
.Ltmp0:
0x42: {  	_ = 	snop;
	(pc) =	sbr.rel @p1 .LBB2_3-.Ltmp0, $4  }
0x43: {  	s0 =	sadd.s32 $0x15480, s31  }
0x44: {  	[spmem:s1] =	stream.indirect.scatter.add.f32 [tilespmem:s22], [sflag:$0x3], $0x80, s0, s19, $0xb8;
	[tilespmem:$0x1E800] =	vst v63  }
0x45: {  	_ =	swait.ge [sflag:s16], $0x4000  }
0x46: {  	[sflag:s16] =	ssyncset.done $0x0  }
0x47: {  	[sflag:s16] =	ssyncadd.s32 $0xFFFFC000  }
0x48: {  	_ =	swait.ge [sflag:s21], $0x4000  }
0x49: {  	[sflag:s21] =	ssyncset.done $0x0  }
0x4a: {  	[sflag:s21] =	ssyncadd.s32 $0xFFFFC000  }
0x4b: {  	[tilespmem:s22], [sflag:$0x2] =	stream.indirect.gather [hbm4b:s4+s19], $0x80, s24, s19, $0xb8;
	[tilespmem:$0x1E800] =	vst v63  }
0x4c: {  	_ = 	snop  }
0x4d: {  	[spmem:s1] =	stream.indirect.scatter.add.f32 [tilespmem:s20], [sflag:$0x3], $0x80, s25, s19, $0xb8;
	[tilespmem:$0x1E800] =	vst v63  }
0x4e: {  	_ =	swait.ge [sflag:s16], $0x4000  }
0x4f: {  	[sflag:s16] =	ssyncset.done $0x0  }
0x50: {  	[sflag:s16] =	ssyncadd.s32 $0xFFFFC000  }
0x51: {  	_ =	swait.ge [sflag:s23], $0x4000  }
0x52: {  	[sflag:s23] =	ssyncset.done $0x0  }
0x53: {  	[sflag:s23] =	ssyncadd.s32 $0xFFFFC000  }
0x54: {  	[spmem:s1] =	stream.indirect.scatter.add.f32 [tilespmem:s22], [sflag:$0x3], $0x80, s26, s19, $0xb8;
	[tilespmem:$0x1E800] =	vst v63  }
0x55: {  	_ =	swait.ge [sflag:s16], $0x4000  }
0x56: {  	[sflag:s16] =	ssyncset.done $0x0  }
0x57: {  	s0 =	sadd.s32 s13, s29;
	s29 =	simm.s32 $0x0;
	[sflag:s16] =	ssyncadd.s32 $0xFFFFC000  }
0x58: {  	[tilespmem:s17], [sflag:$0x3] =	stream.linear.gather [hbm4b:s0+s29], $0x1400, $0x38;
	[tilespmem:$0x1E800] =	vst v63  }
0x59: {  	_ =	swait.ge [sflag:s16], $0x1400  }
0x5a: {  	[sflag:s16] =	ssyncset.done $0x0  }
0x5b: {  	[sflag:s16] =	ssyncadd.s32 $0xFFFFEC00  }
0x5c: {  	[tilespmem:s18], [sflag:$0x3] =	stream.linear.gather [hbm4b:s14+s29], $0x1400, $0x38;
	[tilespmem:$0x1E800] =	vst v63  }
0x5d: {  	_ =	swait.ge [sflag:s16], $0x1400  }
0x5e: {  	[sflag:s16] =	ssyncset.done $0x0  }
0x5f: {  	[sflag:s16] =	ssyncadd.s32 $0xFFFFEC00  }
0x60: {  	[tilespmem:s20], [sflag:$0x1] =	stream.indirect.gather [hbm4b:s4+s19], $0x80, s17, s19, $0xb8;
	[tilespmem:$0x1E800] =	vst v63  }
0x61: {  	_ =	swait.ge [sflag:s21], $0x4000  }
0x62: {  	[sflag:s21] =	ssyncset.done $0x0  }
0x63: {  	s30 =	simm.s32 $0x14080;
	[sflag:s21] =	ssyncadd.s32 $0xFFFFC000  }
0x64: {  	[tilespmem:s22], [sflag:$0x2] =	stream.indirect.gather [hbm4b:s4+s19], $0x80, s30, s19, $0xb8;
	[tilespmem:$0x1E800] =	vst v63  }
0x65: {  	s31 =	simm.s32 $0x15400  }
0x66: {  	[spmem:s1] =	stream.indirect.scatter.add.f32 [tilespmem:s20], [sflag:$0x3], $0x80, s31, s19, $0xb8;
	[tilespmem:$0x1E800] =	vst v63  }
0x67: {  	_ =	swait.ge [sflag:s16], $0x4000  }
0x68: {  	[sflag:s16] =	ssyncset.done $0x0  }
0x69: {  	[sflag:s16] =	ssyncadd.s32 $0xFFFFC000  }
0x6a: {  	_ =	swait.ge [sflag:s23], $0x4000  }
0x6b: {  	[sflag:s23] =	ssyncset.done $0x0  }
0x6c: {  	s30 =	simm.s32 $0x14100;
	[sflag:s23] =	ssyncadd.s32 $0xFFFFC000  }
0x6d: {  	[tilespmem:s20], [sflag:$0x1] =	stream.indirect.gather [hbm4b:s4+s19], $0x80, s30, s19, $0xb8;
	[tilespmem:$0x1E800] =	vst v63  }
0x6e: {  	s31 =	simm.s32 $0x15480  }
0x6f: {  	[spmem:s1] =	stream.indirect.scatter.add.f32 [tilespmem:s22], [sflag:$0x3], $0x80, s31, s19, $0xb8;
	[tilespmem:$0x1E800] =	vst v63  }
0x70: {  	_ =	swait.ge [sflag:s16], $0x4000  }
0x71: {  	s29 =	simm.s32 $0x400;
	[sflag:s16] =	ssyncset.done $0x0  }
.LBB2_5:
0x72: {  	p1 =	sne.s32 s29, $0x4800  }
0x73: {  	[sflag:s16] =	ssyncadd.s32 $0xFFFFC000;
	s0 =	smov.u32 s29;
	s29 =	sadd.s32 $0x400, s29  }
0x74: {  	_ = 	snop  }
0x75: {  	_ =	swait.ge [sflag:s21], $0x4000  }
0x76: {  	s0 =	sshra.s32 s0, $0x2;
	[sflag:s21] =	ssyncset.done $0x0  }
0x77: {  	s30 =	sadd.s32 $0x14080, s0;
	[sflag:s21] =	ssyncadd.s32 $0xFFFFC000  }
0x78: {  	[tilespmem:s22], [sflag:$0x2] =	stream.indirect.gather [hbm4b:s4+s19], $0x80, s30, s19, $0xb8;
	[tilespmem:$0x1E800] =	vst v63  }
0x79: {  	s30 =	sadd.s32 $0x15400, s0  }
0x7a: {  	[spmem:s1] =	stream.indirect.scatter.add.f32 [tilespmem:s20], [sflag:$0x3], $0x80, s30, s19, $0xb8;
	[tilespmem:$0x1E800] =	vst v63  }
0x7b: {  	_ =	swait.ge [sflag:s16], $0x4000  }
0x7c: {  	[sflag:s16] =	ssyncset.done $0x0  }
0x7d: {  	[sflag:s16] =	ssyncadd.s32 $0xFFFFC000  }
0x7e: {  	_ =	swait.ge [sflag:s23], $0x4000  }
0x7f: {  	[sflag:s23] =	ssyncset.done $0x0  }
0x80: {  	s30 =	sadd.s32 $0x14100, s0;
	[sflag:s23] =	ssyncadd.s32 $0xFFFFC000  }
0x81: {  	[tilespmem:s20], [sflag:$0x1] =	stream.indirect.gather [hbm4b:s4+s19], $0x80, s30, s19, $0xb8;
	[tilespmem:$0x1E800] =	vst v63  }
.Ltmp1:
0x82: {  	_ = 	snop;
	(pc) =	sbr.rel @p1 .LBB2_5-.Ltmp1, $4  }
0x83: {  	s0 =	sadd.s32 $0x15480, s0  }
0x84: {  	[spmem:s1] =	stream.indirect.scatter.add.f32 [tilespmem:s22], [sflag:$0x3], $0x80, s0, s19, $0xb8;
	[tilespmem:$0x1E800] =	vst v63  }
0x85: {  	_ =	swait.ge [sflag:s16], $0x4000  }
0x86: {  	[sflag:s16] =	ssyncset.done $0x0  }
0x87: {  	[sflag:s16] =	ssyncadd.s32 $0xFFFFC000;
	s29 =	simm.s32 $0x1  }
0x88: {  	_ =	swait.ge [sflag:s29], $0x4000  }
0x89: {  	[sflag:s29] =	ssyncset.done $0x0  }
0x8a: {  	[sflag:s29] =	ssyncadd.s32 $0xFFFFC000  }
0x8b: {  	[tilespmem:s22], [sflag:$0x2] =	stream.indirect.gather [hbm4b:s4+s19], $0x80, s24, s19, $0xb8;
	[tilespmem:$0x1E800] =	vst v63  }
0x8c: {  	_ = 	snop  }
0x8d: {  	[spmem:s1] =	stream.indirect.scatter.add.f32 [tilespmem:s20], [sflag:$0x3], $0x80, s25, s19, $0xb8;
	[tilespmem:$0x1E800] =	vst v63  }
0x8e: {  	_ =	swait.ge [sflag:s16], $0x4000  }
0x8f: {  	[sflag:s16] =	ssyncset.done $0x0  }
0x90: {  	[sflag:s16] =	ssyncadd.s32 $0xFFFFC000  }
0x91: {  	_ =	swait.ge [sflag:s23], $0x4000  }
0x92: {  	[sflag:s23] =	ssyncset.done $0x0  }
0x93: {  	s0 =	smul.u32 $0x140000, s28;
	[sflag:s23] =	ssyncadd.s32 $0xFFFFC000  }
0x94: {  	[spmem:s1] =	stream.indirect.scatter.add.f32 [tilespmem:s22], [sflag:$0x3], $0x80, s26, s19, $0xb8;
	[tilespmem:$0x1E800] =	vst v63  }
0x95: {  	_ =	swait.ge [sflag:s16], $0x4000  }
0x96: {  	s0 =	sadd.s32 s10, s0;
	[sflag:s16] =	ssyncset.done $0x0  }
0x97: {  	s0 =	sshrl.u32 s0, $0x3;
	[sflag:s16] =	ssyncadd.s32 $0xFFFFC000  }
.Ltmp2:
0x98: {  	s0 =	sadd.s32 s7, s0;
	[bflag:$0x0] =	sbarrier.arrive $0xFFFF;
	(pc) =	sbr.rel @p0 .LBB2_2-.Ltmp2, $4  }
0x99: {  	[hbm:s0], [sflag:s9] =	dma.local [spmem:s15], $0x2800  }
0x9a: {  	_ =	swait.ge [sflag:s16], $0x2800  }
0x9b: {  	[sflag:s16] =	ssyncset.done $0x0  }
0x9c: {  	p1 =	por $0x0, $0x0;
	[sflag:s16] =	ssyncadd.s32 $0xFFFFD800  }
0x9d: {  	s2 =	sadd.s32 $0x1, s2  }
0x9e: {  	p0 =	sne.s32 s2, s12  }
.Ltmp3:
0x9f: {  	_ = 	snop;
	(pc) =	sbr.rel @p0 .LBB2_1-.Ltmp3, $1  }
0xa0: {  	_ =	sdelay $0x3  }
0xa1: {  	_ =	sfence.sel $0x180000  }
0xa2: {  	[bflag:$0x0] =	sbarrier.arrive $0xFFFF  }
0xa3: {  	_ =	strace $0x9000004D  }
0xa4: {  	[bflag:$0x2] =	sbarrier.arrive $0xFFFF  }
0xa5: {  	p0 =	sne.s32 s3, $0x0;
	s0 =	rddreg [dreg:$0x3]  }
0xa6: {  	s0 =	sadd.s32 @!p0 $0x100000, s0  }
0xa7: {  	[sflag:s0] =	ssyncadd.tile.s32 @!p0 $0x1;
	_ =	shalt  }
.Lfunc_end2:
_tile_overlayer_lowered:
.L_overlay_start_2:
0xa8: {  	(tag) =	ssettag $0x2  }
0xa9: {  	s0 =	rddreg [dreg:$0x0];
	s2 =	stileid.u32  }
0xaa: {  	s1 =	rddreg [dreg:$0x1];
	p0 =	sne.s32 s2, $0x0  }
0xab: {  	s3 =	rddreg [dreg:$0x2];
	[bflag:$0x3] =	sbarrier.arrive $0xFFFF;
	s2 =	simm.s32 @!p0 $0x1C03  }
0xac: {  	[timem:s3], [sflag:s2] =	dma.local @!p0 [hbm:s0], s1  }
0xad: {  	s0 =	simm.s32 @!p0 $0x3  }
0xae: {  	_ =	swait.ge @!p0 [sflag:s0], s1  }
0xaf: {  	s1 =	ssub.s32 @!p0 $0x0, s1;
	[sflag:s0] =	ssyncset.done @!p0 $0x0  }
0xb0: {  	[sflag:s0] =	ssyncadd.s32 @!p0 s1  }
0xb1: {  	[bflag:$0x3] =	sbarrier.arrive $0xFFFF  }
0xb2: {  	_ =	shalt  }

// kernel: kernel.21.cloned.1.call-start
scs
__scs_entry_jumppad:
0x0: {  	(pc) =	sbr.rel $0x88, $3  }
0x1: {  	(tag) =	ssettag $0x0;
	lr =	simm.s32 $0x1  }
0x2: {  	[smem:$0x3F9B] =	sst lr;
	_ =	strace $0xD0000000  }
0x3: {  	_ = 	snop  }
0x4: {  	_ = 	snop  }
0x5: {  	_ = 	snop  }
0x6: {  	_ = 	snop  }
0x7: {  	_ = 	snop  }
__scs_overlays_trampoline_lowered:
0x8: {  	[smem:$0x3FAA] =	sst s0  }
0x9: {  	[smem:$0x3FAB] =	sst s1  }
0xa: {  	[smem:$0x3FAC] =	sst s2  }
0xb: {  	[smem:$0x3FAD] =	sst s3  }
0xc: {  	[smem:$0x3FAE] =	sst s4  }
0xd: {  	[smem:$0x3FAF] =	sst s5  }
0xe: {  	[smem:$0x3FB0] =	sst s6  }
0xf: {  	[smem:$0x3FB1] =	sst s7  }
0x10: {  	[smem:$0x3FB2] =	sst s8  }
0x11: {  	[smem:$0x3FB3] =	sst s9;
	s0 =	simm.s32 @!p0 $0x0  }
0x12: {  	s1 =	sld [smem:$0x3F99];
	s0 =	simm.s32 @p0 $0x1  }
0x13: {  	[smem:$0x3FB4] =	sst s0;
	s0 =	simm.s32 @!p1 $0x0  }
0x14: {  	s2 =	sld [smem:$0x3F98];
	s0 =	simm.s32 @p1 $0x1  }
0x15: {  	[smem:$0x3FB5] =	sst s0;
	s0 =	simm.s32 @!p2 $0x0  }
0x16: {  	s3 =	sld [smem:$0x3FDB];
	s0 =	simm.s32 @p2 $0x1  }
0x17: {  	s4 =	simm.s32 $0x1BF5;
	[smem:$0x3FB7] =	sst s0  }
0x18: {  	s0 =	sld [smem:$0x3F9A];
	_ =	swait.ge [sflag:s4], $0x0  }
0x19: {  	s7 =	sld [smem:$0x3F9B]  }
0x1a: {  	s8 =	sadd.s32 $0xFFFFE003, lr  }
0x1b: {  	s9 =	sadd.s32 $0xFFFFFEF7, lr;
	s5 =	simm.s32 $0xFFFFFFFF;
	p2 =	slt.u32 s8, $0xFFFFF086  }
0x1c: {  	p1 =	slt.u32 s9, $0xF7A;
	s5 =	simm.s32 @!p2 $0x0  }
0x1d: {  	s5 =	simm.s32 @p1 $0x1;
	p0 =	seq.s32 s7, s2  }
0x1e: {  	s7 =	smul.u32 @!p0 $0xF7A, s2;
	p2 =	seq.s32 @!p0 s5, $0x0  }
0x1f: {  	s9 =	smul.u32 $0xF7A, s1;
	s8 =	simm.s32 @!p0 $0x1BF5;
	p2 =	por !p2, p0  }
0x20: {  	[sflag:s8] =	ssyncset.s32 @!p0 $0xFFFFF086;
	s6 =	sadd.s32 @!p0 s3, s7;
	s7 =	simm.s32 @!p0 $0x108  }
0x21: {  	s3 =	sadd.s32 s3, s9;
	s6 =	sadd.s32 @!p0 $0x88, s6;
	s7 =	simm.s32 @p2 $0x1082  }
0x22: {  	[simem:s7], [sflag:s8] =	dma.local @!p0 [hbm:s6], $0xF7A  }
0x23: {  	s9 =	sor.u32 $0xD0000000, s2;
	s6 =	simm.s32 $0x108;
	_ =	swait.ge @!p0 [sflag:s8], $0x0  }
0x24: {  	s3 =	sadd.s32 $0x88, s3;
	s6 =	simm.s32 @!p1 $0x1082;
	[sflag:s4] =	ssyncset.s32 $0xFFFFF086  }
0x25: {  	[simem:s6], [sflag:s4] =	dma.local [hbm:s3], $0xF7A  }
0x26: {  	[smem:$0x3F9B] =	sst s1;
	(tag) =	ssettag s2;
	_ =	strace s9  }
0x27: {  	s1 =	sld [smem:$0x3FAB]  }
0x28: {  	s2 =	sld [smem:$0x3FAC]  }
0x29: {  	s4 =	sld [smem:$0x3FAE]  }
0x2a: {  	p0 =	seq.s32 s5, $0x0;
	s5 =	sld [smem:$0x3FAF]  }
0x2b: {  	s6 =	sld [smem:$0x3FB0]  }
0x2c: {  	s7 =	sld [smem:$0x3FB1]  }
0x2d: {  	s3 =	simm.s32 $0x108;
	s8 =	sld [smem:$0x3FB2]  }
0x2e: {  	s3 =	simm.s32 @!p0 $0x1082;
	s9 =	sld [smem:$0x3FB3]  }
0x2f: {  	lr =	sadd.s32 s0, s3;
	s0 =	sld [smem:$0x3FAA]  }
0x30: {  	s3 =	sld [smem:$0x3FAD]  }
0x31: {  	[smem:$0x3FB6] =	sst s10  }
0x32: {  	s10 =	sld [smem:$0x3FB4];
	_ =	sdelay $0x3  }
0x33: {  	p0 =	seq.s32 s10, $0x1;
	s10 =	sld [smem:$0x3FB6];
	_ =	sdelay $0x3  }
0x34: {  	[smem:$0x3FB6] =	sst s10  }
0x35: {  	s10 =	sld [smem:$0x3FB5];
	_ =	sdelay $0x3  }
0x36: {  	p1 =	seq.s32 s10, $0x1;
	s10 =	sld [smem:$0x3FB6];
	_ =	sdelay $0x3  }
0x37: {  	[smem:$0x3FB6] =	sst s10  }
0x38: {  	s10 =	sld [smem:$0x3FB7]  }
0x39: {  	_ = 	snop;
	(pc) =	sbr.ind lr, $3  }
0x3a: {  	_ = 	snop  }
0x3b: {  	_ = 	snop  }
0x3c: {  	p2 =	seq.s32 s10, $0x1;
	s10 =	sld [smem:$0x3FB6]  }
0x3d: {  	_ =	shalt  }
0x3e: {  	_ =	shalt  }
0x3f: {  	_ =	shalt  }
0x40: {  	_ =	shalt  }
0x41: {  	_ =	shalt  }
0x42: {  	_ =	shalt  }
0x43: {  	_ =	shalt  }
0x44: {  	_ =	shalt  }
0x45: {  	_ =	shalt  }
0x46: {  	_ =	shalt  }
0x47: {  	_ =	shalt  }
0x48: {  	_ =	shalt  }
0x49: {  	_ =	shalt  }
0x4a: {  	_ =	shalt  }
0x4b: {  	_ =	shalt  }
0x4c: {  	_ =	shalt  }
0x4d: {  	_ =	shalt  }
0x4e: {  	_ =	shalt  }
0x4f: {  	_ =	shalt  }
0x50: {  	_ =	shalt  }
0x51: {  	_ =	shalt  }
0x52: {  	_ =	shalt  }
0x53: {  	_ =	shalt  }
0x54: {  	_ =	shalt  }
0x55: {  	_ =	shalt  }
0x56: {  	_ =	shalt  }
0x57: {  	_ =	shalt  }
0x58: {  	_ =	shalt  }
0x59: {  	_ =	shalt  }
0x5a: {  	_ =	shalt  }
0x5b: {  	_ =	shalt  }
0x5c: {  	_ =	shalt  }
0x5d: {  	_ =	shalt  }
0x5e: {  	_ =	shalt  }
0x5f: {  	_ =	shalt  }
0x60: {  	_ =	shalt  }
0x61: {  	_ =	shalt  }
0x62: {  	_ =	shalt  }
0x63: {  	_ =	shalt  }
0x64: {  	_ =	shalt  }
0x65: {  	_ =	shalt  }
0x66: {  	_ =	shalt  }
0x67: {  	_ =	shalt  }
0x68: {  	_ =	shalt  }
0x69: {  	_ =	shalt  }
0x6a: {  	_ =	shalt  }
0x6b: {  	_ =	shalt  }
0x6c: {  	_ =	shalt  }
0x6d: {  	_ =	shalt  }
0x6e: {  	_ =	shalt  }
0x6f: {  	_ =	shalt  }
0x70: {  	_ =	shalt  }
0x71: {  	_ =	shalt  }
0x72: {  	_ =	shalt  }
0x73: {  	_ =	shalt  }
0x74: {  	_ =	shalt  }
0x75: {  	_ =	shalt  }
0x76: {  	_ =	shalt  }
0x77: {  	_ =	shalt  }
0x78: {  	_ =	shalt  }
0x79: {  	_ =	shalt  }
0x7a: {  	_ =	shalt  }
0x7b: {  	_ =	shalt  }
0x7c: {  	_ =	shalt  }
0x7d: {  	_ =	shalt  }
0x7e: {  	_ =	shalt  }
0x7f: {  	_ =	shalt  }
0x80: {  	_ =	shalt  }
0x81: {  	_ =	shalt  }
0x82: {  	_ =	shalt  }
0x83: {  	_ =	shalt  }
0x84: {  	_ =	shalt  }
0x85: {  	_ =	shalt  }
0x86: {  	_ =	shalt  }
0x87: {  	_ =	shalt  }
.Lfunc_end0:
.L_simem_size_0:
called_computation.3_lowered:
.L_overlay_start_0:
0x88: {  	s2 =	sld [smem:$0x3FD9]  }
0x89: {  	s3 =	sld [smem:$0x3FFE];
	_ =	sdelay $0x1  }
0x8a: {  	s1 =	srdreg.scid  }
0x8b: {  	s0 =	sand.u32 $0x1, s1  }
0x8c: {  	s16 =	sshll.u32 s0, $0xA;
	s2 =	sadd.s32 s3, s2  }
0x8d: {  	s2 =	sadd.s32 s2, s16  }
0x8e: {  	[smem:$0x3FC2] =	sst s2  }
0x8f: {  	_ = 	snop  }
0x90: {  	(tm) =	ssettm $0x1  }
0x91: {  	s17 =	sld [smem:$0x3FFB];
	_ =	sdelay $0x3  }
0x92: {  	_ =	strace s17  }
0x93: {  	s2 =	sld [smem:$0x3FFC];
	_ =	sdelay $0x3  }
0x94: {  	_ =	strace s2  }
0x95: {  	s2 =	sld [smem:$0x3FFD];
	_ =	sdelay $0x3  }
0x96: {  	_ =	strace s2  }
0x97: {  	_ =	strace $0x8FFFFFFF  }
0x98: {  	s18 =	sld [smem:$0x3FDB];
	_ =	sdelay $0x1  }
0x99: {  	s19 =	simm.s32 $_scs_section_size  }
0x9a: {  	s4 =	simm.s32 $_size__tile_overlayer_lowered;
	s5 =	simm.s32 $_tile_overlayer_lowered  }
0x9b: {  	s22 =	simm.s32 $0x1BFF;
	s21 =	sshll.u32 s5, $0x1;
	s2 =	sadd.s32 s19, s18  }
0x9c: {  	s6 =	simm.s32 $0x0;
	s20 =	sshll.u32 s4, $0x1;
	s4 =	sadd.s32 s21, s2  }
0x9d: {  	[timem:s6], [sflag:s22] =	dma.local [hbm:s4], s20  }
0x9e: {  	_ =	swait.ge [sflag:s22], s20  }
0x9f: {  	s3 =	ssub.s32 $0x0, s20;
	[sflag:s22] =	ssyncset.done $0x0  }
0xa0: {  	[sflag:s22] =	ssyncadd.s32 s3;
	_ =	sdelay $0x1  }
0xa1: {  	s23 =	simm.s32 $0x1B8B  }
0xa2: {  	_ =	swait.ge [sflag:s23], $0x1  }
0xa3: {  	[sflag:s23] =	ssyncset.done $0x0  }
0xa4: {  	s25 =	simm.s32 $0x1B8E;
	s24 =	sld [smem:$0x3FFE];
	[sflag:s23] =	ssyncadd.s32 $0xFFFFFFFF  }
0xa5: {  	s26 =	simm.s32 $execute0_lowered;
	[smem:$0x3FD2] =	sst s25  }
0xa6: {  	s4 =	sshll.u32 s26, $0x1;
	_ =	strace $0x8000004F;
	[dreg:$0x1] =	wrdreg $0xFFFFFFFF  }
0xa7: {  	s28 =	simm.s32 $_size_execute0_lowered;
	s2 =	sadd.s32 s2, s4;
	[dreg:$0x0] =	wrdreg $0x0  }
0xa8: {  	s4 =	sshll.u32 s28, $0x1;
	[dreg:$0x2] =	wrdreg s2  }
0xa9: {  	[dreg:$0x3] =	wrdreg s4  }
0xaa: {  	[dreg:$0x4] =	wrdreg $0xC0  }
0xab: {  	_ =	task [dreg:s6], $0x5FFFF  }
0xac: {  	[dreg:$0x1] =	wrdreg $0xFFFFFFFF  }
0xad: {  	[dreg:$0x0] =	wrdreg $0x60  }
0xae: {  	[dreg:$0x2] =	wrdreg s24  }
0xaf: {  	[dreg:$0x3] =	wrdreg $0x0  }
0xb0: {  	[dreg:$0x4] =	wrdreg $0x9  }
0xb1: {  	_ =	task.clear_ibuf [dreg:s6], $0x5FFFF;
	_ =	strace $0x9000004F  }
0xb2: {  	s29 =	simm.s32 $0x9;
	_ =	strace $0x80000051  }
0xb3: {  	_ =	swait.ge [sflag:s29], $0x1  }
0xb4: {  	[sflag:s29] =	ssyncadd.s32 $0xFFFFFFFF  }
0xb5: {  	_ =	strace $0x90000051  }
0xb6: {  	_ =	sfence  }
0xb7: {  	s30 =	sld [smem:$0x0];
	_ =	sdelay $0x2  }
0xb8: {  	s31 =	sshll.u32 s1, $0xD;
	s1 =	sshrl.u32 s1, $0x2  }
0xb9: {  	s3 =	sand.u32 $0x4000, s31;
	s1 =	sadd.s32 s1, s30  }
0xba: {  	s0 =	sor.u32 s3, s0;
	s1 =	sshll.u32 s1, $0x11  }
0xbb: {  	s0 =	sor.u32 s1, s0  }
0xbc: {  	s0 =	sadd.s32 $0x8F2B, s0  }
0xbd: {  	[sflag:s0] =	ssyncadd.remote.s32 $0x1  }
0xbe: {  	_ =	sfence.sel $0xFFFF  }
0xbf: {  	[dreg:$0x0] =	wrdreg $0xFFFFFFFF;
	(pc) =	sbr.abs _section_cstart, $3  }
0xc0: {  	[dreg:$0x1] =	wrdreg $0xFFFFFFFF  }
0xc1: {  	_ =	task.clear_ibuf [dreg:s6], $0x2FFFF;
	_ =	strace $0x9FFFFFFF  }
0xc2: {  	(tm) =	ssettm $0x7FFFFFFF  }
0xc3: {  	_ =	shalt  }
tec
execute0_lowered:
.L_overlay_start_1:
0x0: {  	(tag) =	ssettag $0x1  }
0x1: {  	s6 =	rddreg [dreg:$0x0]  }
0x2: {  	s0 =	srdreg.scid;
	s2 =	rddreg [dreg:$0x1]  }
0x3: {  	s3 =	simm.s32 $0x0;
	s12 =	simm.s32 $0x14000;
	s15 =	simm.s32 $0x80  }
0x4: {  	s16 =	simm.s32 $0x16800;
	s17 =	simm.s32 $0x1;
	s18 =	simm.s32 $0x1A800  }
0x5: {  	s19 =	simm.s32 $0x2;
	s20 =	simm.s32 $0x15380;
	s21 =	simm.s32 $0x16700  }
0x6: {  	s22 =	simm.s32 $0x16780;
	s5 =	sand.u32 $0x1, s0;
	s0 =	stileid.u32  }
0x7: {  	s23 =	simm.s32 $0x0;
	[smem:$0x7FF] =	sst s3;
	s8 =	smul.u32 $0x140000, s5  }
0x8: {  	s4 =	sadd.s32 $0x8000, s6;
	s1 =	sshll.u32 s5, $0x4;
	s9 =	smul.u32 $0x14000, s0  }
0x9: {  	s30 =	ssub.s32 $0x2, s5;
	s11 =	smul.u32 $0x50000, s0;
	s5 =	sadd.s32 $0xBD400, s6  }
0xa: {  	s13 =	sshll.u32 s0, $0x6;
	s1 =	sor.u32 s0, s1;
	s10 =	sshrl.u32 s30, $0x1  }
0xb: {  	s13 =	sor.u32 $0x1C03, s13;
	s7 =	smul.u32 $0x280, s1;
	s1 =	rddreg [dreg:$0x2]  }
0xc: {  	_ =	strace $0x80000050;
	s8 =	sadd.s32 s9, s8;
	s9 =	ssub.s32 s30, s10  }
0xd: {  	s31 =	sshrl.u32 s11, $0x2;
	s10 =	simm.s32 $0x15400;
	s11 =	simm.s32 $0x3  }
0xe: {  	s8 =	sshrl.u32 s8, $0x3;
	s14 =	sadd.s32 s31, s2;
	s9 =	smax.u32 s9, $0x1  }
0xf: {  	s7 =	sadd.s32 s7, s6;
	s8 =	sadd.s32 s8, s6;
	s14 =	sshrl.u32 s14, $0x3  }
0x10: {  	s6 =	sadd.s32 $0x1ADE00, s7;
	s7 =	sadd.s32 $0x3000, s7;
	s8 =	sadd.s32 $0x2F200, s8  }
.LBB2_1:
0x11: {  	[tilespmem:s10], [sflag:$0x3] =	stream.linear.gather [hbm4b:s6+s3], $0x1400, $0x38;
	[tilespmem:$0x1E800] =	vst v63  }
0x12: {  	_ =	swait.ge [sflag:s11], $0x1400  }
0x13: {  	[sflag:s11] =	ssyncset.done $0x0  }
0x14: {  	[sflag:s11] =	ssyncadd.s32 $0xFFFFEC00  }
0x15: {  	[tilespmem:s12], [sflag:$0x3] =	stream.linear.gather [hbm4b:s7+s3], $0x1400, $0x38;
	[tilespmem:$0x1E800] =	vst v63  }
0x16: {  	_ =	swait.ge [sflag:s11], $0x1400  }
0x17: {  	[sflag:s11] =	ssyncset.done $0x0  }
0x18: {  	[sflag:s11] =	ssyncadd.s32 $0xFFFFEC00  }
0x19: {  	[spmem:s14], [sflag:s13] =	dma.local [hbm:s5], $0x2800  }
0x1a: {  	_ =	swait.ge [sflag:s11], $0x2800  }
0x1b: {  	[sflag:s11] =	ssyncset.done $0x0  }
0x1c: {  	[sflag:s11] =	ssyncadd.s32 $0xFFFFD800  }
0x1d: {  	[bflag:$0x0] =	sbarrier.arrive $0xFFFF  }
0x1e: {  	[tilespmem:s16], [sflag:$0x1] =	stream.indirect.gather [hbm4b:s4+s15], $0x80, s12, s15, $0xb8;
	[tilespmem:$0x1E800] =	vst v63  }
0x1f: {  	_ =	swait.ge [sflag:s17], $0x4000  }
0x20: {  	[sflag:s17] =	ssyncset.done $0x0  }
0x21: {  	s24 =	simm.s32 $0x14080;
	[sflag:s17] =	ssyncadd.s32 $0xFFFFC000  }
0x22: {  	[tilespmem:s18], [sflag:$0x2] =	stream.indirect.gather [hbm4b:s4+s15], $0x80, s24, s15, $0xb8;
	[tilespmem:$0x1E800] =	vst v63  }
0x23: {  	s29 =	simm.s32 $0x15400  }
0x24: {  	[spmem:s2] =	stream.indirect.scatter.add.f32 [tilespmem:s16], [sflag:$0x3], $0x80, s29, s15, $0xb8;
	[tilespmem:$0x1E800] =	vst v63  }
0x25: {  	_ =	swait.ge [sflag:s11], $0x4000  }
0x26: {  	[sflag:s11] =	ssyncset.done $0x0  }
0x27: {  	[sflag:s11] =	ssyncadd.s32 $0xFFFFC000  }
0x28: {  	_ =	swait.ge [sflag:s19], $0x4000  }
0x29: {  	[sflag:s19] =	ssyncset.done $0x0  }
0x2a: {  	s30 =	simm.s32 $0x14100;
	[sflag:s19] =	ssyncadd.s32 $0xFFFFC000  }
0x2b: {  	[tilespmem:s16], [sflag:$0x1] =	stream.indirect.gather [hbm4b:s4+s15], $0x80, s30, s15, $0xb8;
	[tilespmem:$0x1E800] =	vst v63  }
0x2c: {  	s31 =	simm.s32 $0x15480  }
0x2d: {  	[spmem:s2] =	stream.indirect.scatter.add.f32 [tilespmem:s18], [sflag:$0x3], $0x80, s31, s15, $0xb8;
	[tilespmem:$0x1E800] =	vst v63  }
0x2e: {  	_ =	swait.ge [sflag:s11], $0x4000  }
0x2f: {  	s24 =	simm.s32 $0x400;
	[sflag:s11] =	ssyncset.done $0x0  }
.LBB2_2:
0x30: {  	p0 =	sne.s32 s24, $0x4800  }
0x31: {  	[sflag:s11] =	ssyncadd.s32 $0xFFFFC000;
	s25 =	smov.u32 s24;
	s24 =	sadd.s32 $0x400, s24  }
0x32: {  	_ = 	snop  }
0x33: {  	_ =	swait.ge [sflag:s17], $0x4000  }
0x34: {  	s25 =	sshra.s32 s25, $0x2;
	[sflag:s17] =	ssyncset.done $0x0  }
0x35: {  	s26 =	sadd.s32 $0x14080, s25;
	[sflag:s17] =	ssyncadd.s32 $0xFFFFC000  }
0x36: {  	[tilespmem:s18], [sflag:$0x2] =	stream.indirect.gather [hbm4b:s4+s15], $0x80, s26, s15, $0xb8;
	[tilespmem:$0x1E800] =	vst v63  }
0x37: {  	s26 =	sadd.s32 $0x15400, s25  }
0x38: {  	[spmem:s2] =	stream.indirect.scatter.add.f32 [tilespmem:s16], [sflag:$0x3], $0x80, s26, s15, $0xb8;
	[tilespmem:$0x1E800] =	vst v63  }
0x39: {  	_ =	swait.ge [sflag:s11], $0x4000  }
0x3a: {  	[sflag:s11] =	ssyncset.done $0x0  }
0x3b: {  	[sflag:s11] =	ssyncadd.s32 $0xFFFFC000  }
0x3c: {  	_ =	swait.ge [sflag:s19], $0x4000  }
0x3d: {  	[sflag:s19] =	ssyncset.done $0x0  }
0x3e: {  	s26 =	sadd.s32 $0x14100, s25;
	[sflag:s19] =	ssyncadd.s32 $0xFFFFC000  }
0x3f: {  	[tilespmem:s16], [sflag:$0x1] =	stream.indirect.gather [hbm4b:s4+s15], $0x80, s26, s15, $0xb8;
	[tilespmem:$0x1E800] =	vst v63  }
.Ltmp0:
0x40: {  	_ = 	snop;
	(pc) =	sbr.rel @p0 .LBB2_2-.Ltmp0, $4  }
0x41: {  	s25 =	sadd.s32 $0x15480, s25  }
0x42: {  	[spmem:s2] =	stream.indirect.scatter.add.f32 [tilespmem:s18], [sflag:$0x3], $0x80, s25, s15, $0xb8;
	[tilespmem:$0x1E800] =	vst v63  }
0x43: {  	_ =	swait.ge [sflag:s11], $0x4000  }
0x44: {  	[sflag:s11] =	ssyncset.done $0x0  }
0x45: {  	[sflag:s11] =	ssyncadd.s32 $0xFFFFC000  }
0x46: {  	_ =	swait.ge [sflag:s17], $0x4000  }
0x47: {  	[sflag:s17] =	ssyncset.done $0x0  }
0x48: {  	[sflag:s17] =	ssyncadd.s32 $0xFFFFC000  }
0x49: {  	[tilespmem:s18], [sflag:$0x2] =	stream.indirect.gather [hbm4b:s4+s15], $0x80, s20, s15, $0xb8;
	[tilespmem:$0x1E800] =	vst v63  }
0x4a: {  	_ = 	snop  }
0x4b: {  	[spmem:s2] =	stream.indirect.scatter.add.f32 [tilespmem:s16], [sflag:$0x3], $0x80, s21, s15, $0xb8;
	[tilespmem:$0x1E800] =	vst v63  }
0x4c: {  	_ =	swait.ge [sflag:s11], $0x4000  }
0x4d: {  	[sflag:s11] =	ssyncset.done $0x0  }
0x4e: {  	[sflag:s11] =	ssyncadd.s32 $0xFFFFC000  }
0x4f: {  	_ =	swait.ge [sflag:s19], $0x4000  }
0x50: {  	[sflag:s19] =	ssyncset.done $0x0  }
0x51: {  	[sflag:s19] =	ssyncadd.s32 $0xFFFFC000  }
0x52: {  	[spmem:s2] =	stream.indirect.scatter.add.f32 [tilespmem:s18], [sflag:$0x3], $0x80, s22, s15, $0xb8;
	[tilespmem:$0x1E800] =	vst v63  }
0x53: {  	_ =	swait.ge [sflag:s11], $0x4000  }
0x54: {  	s23 =	sadd.s32 $0x1, s23;
	[sflag:s11] =	ssyncset.done $0x0  }
0x55: {  	p0 =	sne.s32 s23, s9;
	[sflag:s11] =	ssyncadd.s32 $0xFFFFC000  }
.Ltmp1:
0x56: {  	[bflag:$0x0] =	sbarrier.arrive $0xFFFF;
	(pc) =	sbr.rel @p0 .LBB2_1-.Ltmp1, $4  }
0x57: {  	[hbm:s8], [sflag:s13] =	dma.local [spmem:s14], $0x2800  }
0x58: {  	_ =	swait.ge [sflag:s11], $0x2800  }
0x59: {  	[sflag:s11] =	ssyncset.done $0x0  }
0x5a: {  	[sflag:s11] =	ssyncadd.s32 $0xFFFFD800  }
0x5b: {  	_ =	sfence.sel $0x180000  }
0x5c: {  	[bflag:$0x0] =	sbarrier.arrive $0xFFFF  }
0x5d: {  	p0 =	sne.s32 s0, $0x0;
	_ =	strace $0x90000050  }
0x5e: {  	s0 =	sadd.s32 @!p0 $0x100000, s1;
	[bflag:$0x2] =	sbarrier.arrive $0xFFFF  }
0x5f: {  	[sflag:s0] =	ssyncadd.tile.s32 @!p0 $0x1;
	_ =	shalt  }
.Lfunc_end2:
_tile_overlayer_lowered:
.L_overlay_start_2:
0x60: {  	(tag) =	ssettag $0x2  }
0x61: {  	s0 =	rddreg [dreg:$0x0];
	s2 =	stileid.u32  }
0x62: {  	s1 =	rddreg [dreg:$0x1];
	p0 =	sne.s32 s2, $0x0  }
0x63: {  	s3 =	rddreg [dreg:$0x2];
	[bflag:$0x3] =	sbarrier.arrive $0xFFFF;
	s2 =	simm.s32 @!p0 $0x1C03  }
0x64: {  	[timem:s3], [sflag:s2] =	dma.local @!p0 [hbm:s0], s1  }
0x65: {  	s0 =	simm.s32 @!p0 $0x3  }
0x66: {  	_ =	swait.ge @!p0 [sflag:s0], s1  }
0x67: {  	s1 =	ssub.s32 @!p0 $0x0, s1;
	[sflag:s0] =	ssyncset.done @!p0 $0x0  }
0x68: {  	[sflag:s0] =	ssyncadd.s32 @!p0 s1  }
0x69: {  	[bflag:$0x3] =	sbarrier.arrive $0xFFFF  }
0x6a: {  	_ =	shalt  }

</sc_bundles>
